<compile_context>
chip_gen: v7x
topology: tpu7x:2x2x1
jax: 0.10.2.dev20260603
libtpu: 0.0.44.dev20260713+nightly
codegen_flags: <defaults>
</compile_context>

<pallas_src>
import jax
import jax.numpy as jnp
from jax import lax
from jax.experimental import pallas as pl
from jax.experimental.pallas import tpu as pltpu
from jax.experimental.pallas import tpu_sc as plsc

B = 1024
V = 1000
E = 64
VP = 1024
NW = 32
BPW = B // NW
NFULL = V // 16
NTAIL = V - NFULL * 16


def _gram_exp_body(wt_ref, avt_hbm, out_ref, av4_ref, avt_vmem, sem):
    cp = pltpu.make_async_copy(avt_hbm, avt_vmem, sem)
    cp.start()
    wt = wt_ref[...]
    g = lax.dot_general(wt, wt, (((0,), (0,)), ((), ())),
                        preferred_element_type=jnp.float32,
                        precision=lax.Precision.HIGHEST)
    eg = jnp.exp(g)
    for t in range(V // 128):
        out_ref[:, t, :, :] = eg[:, t * 128:(t + 1) * 128].reshape(
            V // 8, 8, 128)
    last = jnp.concatenate(
        [eg[:, 896:], jnp.zeros((V, VP - V), jnp.float32)], axis=1)
    out_ref[:, 7, :, :] = last.reshape(V // 8, 8, 128)
    cp.wait()
    av = avt_vmem[...].T
    for t in range(V // 128):
        av4_ref[:, t, :, :] = av[:, t * 128:(t + 1) * 128].reshape(
            B // 8, 8, 128)
    lastav = jnp.concatenate(
        [av[:, 896:], jnp.zeros((B, VP - V), jnp.int32)], axis=1)
    av4_ref[:, 7, :, :] = lastav.reshape(B // 8, 8, 128)


def _gram_exp(wt, avt):
    eg4, av4 = pl.pallas_call(
        _gram_exp_body,
        in_specs=[pl.BlockSpec(memory_space=pltpu.VMEM),
                  pl.BlockSpec(memory_space=pltpu.MemorySpace.HBM)],
        out_shape=(
            jax.ShapeDtypeStruct((V // 8, VP // 128, 8, 128), jnp.float32),
            jax.ShapeDtypeStruct((B // 8, VP // 128, 8, 128), jnp.int32),
        ),
        scratch_shapes=[pltpu.VMEM((V, B), jnp.int32),
                        pltpu.SemaphoreType.DMA],
    )(wt, avt)
    return eg4.reshape(V * 8, 128), av4.reshape(B * 8, 128)


def _sc_body(eg_hbm, center_hbm, av_hbm, outside_hbm,
             lacc_hbm, topv_hbm,
             center_v, pbase_v, idx8_v, eg_v, av_v, outside_v,
             lacc_v, topv_v, sem, sem2):
    nc = 2
    wid = lax.axis_index("s") * nc + lax.axis_index("c")
    base = wid * BPW

    pltpu.sync_copy(center_hbm.at[pl.ds(base, BPW)], center_v)
    pltpu.sync_copy(outside_hbm.at[pl.ds(base, BPW)], outside_v)

    lane = lax.iota(jnp.int32, 16)
    for k in range(2):
        c = center_v[pl.ds(16 * k, 16)]
        pbase_v[pl.ds(16 * k, 16)] = (
            lax.shift_right_logical(c, 3) * 64 + jnp.bitwise_and(c, 7))
    ksh = 8 * jnp.bitwise_and(lane, 7)
    for g in range(16):
        ivec = jnp.full((16,), 2 * g, jnp.int32) + lax.shift_right_logical(
            lane, 3)
        idx8_v[g // 8, pl.ds((g % 8) * 16, 16)] = (
            plsc.load_gather(pbase_v, [ivec]) + ksh)

    cav0 = pltpu.async_copy(av_hbm.at[pl.ds(base * 8, 128)],
                            av_v.at[pl.ds(0, 128)], sem2)
    ceg0 = pltpu.async_copy(eg_hbm.at[idx8_v.at[0]],
                            eg_v.at[pl.ds(0, 128)], sem)
    cav1 = pltpu.async_copy(av_hbm.at[pl.ds(base * 8 + 128, 128)],
                            av_v.at[pl.ds(128, 128)], sem2)
    ceg1 = pltpu.async_copy(eg_hbm.at[idx8_v.at[1]],
                            eg_v.at[pl.ds(128, 128)], sem)

    tailmask = lane >= NTAIL

    def row_body(i, _):
        row8 = jnp.full((16,), i * 8, dtype=jnp.int32)
        a64 = (i // 8) * 64 + i % 8

        def chunk_body(j, acc):
            col = av_v[a64 + 8 * (j // 8), pl.ds((j % 8) * 16, 16)]
            g = plsc.load_gather(
                eg_v, [row8 + lax.shift_right_logical(col, 7),
                       jnp.bitwise_and(col, 127)])
            return acc + g

        acc = lax.fori_loop(0, NFULL, chunk_body,
                            jnp.zeros((16,), jnp.float32), unroll=8)
        colt = av_v[a64 + 56, pl.ds(984 - 896, 16)]
        gt = plsc.load_gather(
            eg_v, [row8 + lax.shift_right_logical(colt, 7),
                   jnp.bitwise_and(colt, 127)], mask=tailmask)
        acc = acc + jnp.where(tailmask, gt, 0.0)
        lacc_v[pl.ds(i * 16, 16)] = acc
        return 0

    cav0.wait()
    ceg0.wait()
    lax.fori_loop(0, BPW // 2, row_body, 0)
    cav1.wait()
    ceg1.wait()
    lax.fori_loop(BPW // 2, BPW, row_body, 0)

    for g in range(BPW // 16):
        i16 = g * 16 + lane
        cols = outside_v[pl.ds(g * 16, 16)]
        topv_v[pl.ds(g * 16, 16)] = plsc.load_gather(
            eg_v, [i16 * 8 + lax.shift_right_logical(cols, 7),
                   jnp.bitwise_and(cols, 127)])

    pltpu.sync_copy(lacc_v, lacc_hbm.at[pl.ds(base * 16, BPW * 16)])
    pltpu.sync_copy(topv_v, topv_hbm.at[pl.ds(base, BPW)])


def _sc_gather_sum(eg, center_flat, av, outside_flat):
    mesh = plsc.VectorSubcoreMesh(core_axis_name="c", subcore_axis_name="s",
                                  num_cores=2, num_subcores=16)
    f = pl.kernel(
        _sc_body,
        out_type=(
            jax.ShapeDtypeStruct((B * 16,), jnp.float32),
            jax.ShapeDtypeStruct((B,), jnp.float32),
        ),
        mesh=mesh,
        scratch_types=[
            pltpu.VMEM((BPW,), jnp.int32),
            pltpu.VMEM((BPW,), jnp.int32),
            pltpu.VMEM((2, 128), jnp.int32),
            pltpu.VMEM((BPW * 8, 128), jnp.float32),
            pltpu.VMEM((BPW * 8, 128), jnp.int32),
            pltpu.VMEM((BPW,), jnp.int32),
            pltpu.VMEM((BPW * 16,), jnp.float32),
            pltpu.VMEM((BPW,), jnp.float32),
            pltpu.SemaphoreType.DMA,
            pltpu.SemaphoreType.DMA,
        ],
        compiler_params=pltpu.CompilerParams(use_tc_tiling_on_sc=False,
                                             needs_layout_passes=False),
    )
    return f(eg, center_flat, av, outside_flat)


def _loss_body(lacc_ref, topv_ref, out_ref):
    x = lacc_ref[...]
    ci = lax.broadcasted_iota(jnp.int32, (128, 8), 0)
    gi = lax.broadcasted_iota(jnp.int32, (128, 8), 1)
    m = jnp.where(ci // 16 == gi, 1.0, 0.0)
    lower = lax.dot_general(x, m, (((1,), (0,)), ((), ())),
                            preferred_element_type=jnp.float32,
                            precision=lax.Precision.HIGHEST)
    loss = jnp.mean(jnp.log(lower)) - jnp.mean(jnp.log(topv_ref[...]))
    out_ref[0, 0] = loss


def _final_loss(lacc, topv):
    out = pl.pallas_call(
        _loss_body,
        out_shape=jax.ShapeDtypeStruct((1, 1), jnp.float32),
        out_specs=pl.BlockSpec(memory_space=pltpu.SMEM),
    )(lacc.reshape(128, 128), topv.reshape(8, 128))
    return out[0, 0]


@jax.jit
def kernel(center, outside, all_vocabs, W_center, W_outside):
    del W_outside
    eg, av4 = _gram_exp(W_center.T, all_vocabs.astype(jnp.int32).T)

    center_flat = center.reshape(B).astype(jnp.int32)
    outside_flat = outside.reshape(B).astype(jnp.int32)

    lacc, topv = _sc_gather_sum(eg, center_flat, av4, outside_flat)
    return _final_loss(lacc, topv)

# --- scband reference (transcript-rebuilt; emitter-appended) ---
"""Pipeline reference for scband-skipgram-58420145160536 (READ-ONLY COPY).

The authoritative reference and input builder live on the scoring server;
editing this copy changes nothing except your own understanding.
"""

import jax, jax.numpy as jnp
import numpy as np

B = 1024
V = 1000
E = 64

def setup_inputs(seed: int = 0) -> dict:
    key = jax.random.key(seed)
    k1, k2, k3, k4, k5 = jax.random.split(key, 5)
    center = jax.random.randint(k1, (B, 1), 0, V, dtype=jnp.int64) if jax.config.jax_enable_x64 else jax.random.randint(k1, (B, 1), 0, V).astype(jnp.int32)
    outside = jax.random.randint(k2, (B, 1), 0, V).astype(center.dtype)
    all_vocabs = jax.random.randint(k3, (B, V), 0, V).astype(center.dtype)
    W_center = jax.random.normal(k4, (V, E), dtype=jnp.float32) * 0.05
    W_outside = jax.random.normal(k5, (V, E), dtype=jnp.float32) * 0.05
    return {"center": center, "outside": outside, "all_vocabs": all_vocabs,
            "W_center": W_center, "W_outside": W_outside}

def reference(center, outside, all_vocabs, W_center, W_outside):
    # Faithful to original: embedding_center is used for ALL three lookups
    # (embedding_outside is a parameter but unused in forward).
    center_embedding = jnp.take(W_center, center, axis=0)        # [B, 1, E]
    outside_embedding = jnp.take(W_center, outside, axis=0)      # [B, 1, E]
    all_vocabs_embedding = jnp.take(W_center, all_vocabs, axis=0)  # [B, V, E]
    # outside_embedding.bmm(center_embedding.transpose(1,2)).squeeze(2) -> [B, 1]
    top_term = jnp.exp(jnp.squeeze(jnp.einsum('boe,bce->boc', outside_embedding, center_embedding), axis=2))
    # all_vocabs_embedding.bmm(center_embedding.transpose(1,2)).squeeze(2) -> [B, V]
    lower_term = jnp.squeeze(jnp.einsum('bve,bce->bvc', all_vocabs_embedding, center_embedding), axis=2)
    lower_term_sum = jnp.sum(jnp.exp(lower_term), axis=1)  # [B]
    # NOTE: top_term [B,1] / lower_term_sum [B] broadcasts to [B,B],
    # exactly as in the original torch code.
    loss = -jnp.mean(jnp.log(top_term / lower_term_sum))
    return loss

if __name__ == "__main__":
    import jax
    _d = setup_inputs()
    print(jax.jit(kernel)(*tuple(_d.values())))

</pallas_src>

<mosaic_0001>
#map = affine_map<(d0, d1) -> (0, 0)>
#map1 = affine_map<(d0, d1) -> (0)>
module attributes {stable_mosaic.version = 14 : i64} {
  func.func @_sc_body(%arg0: i32, %arg1: i32, %arg2: memref<8000x128xf32, #tpu.memory_space<hbm>>, %arg3: memref<1024xi32, #tpu.memory_space<hbm>>, %arg4: memref<8192x128xi32, #tpu.memory_space<hbm>>, %arg5: memref<1024xi32, #tpu.memory_space<hbm>>, %arg6: memref<16384xf32, #tpu.memory_space<hbm>>, %arg7: memref<1024xf32, #tpu.memory_space<hbm>>, %arg8: memref<32xi32, #tpu.memory_space<vmem>>, %arg9: memref<32xi32, #tpu.memory_space<vmem>>, %arg10: memref<2x128xi32, #tpu.memory_space<vmem>>, %arg11: memref<256x128xf32, #tpu.memory_space<vmem>>, %arg12: memref<256x128xi32, #tpu.memory_space<vmem>>, %arg13: memref<32xi32, #tpu.memory_space<vmem>>, %arg14: memref<512xf32, #tpu.memory_space<vmem>>, %arg15: memref<32xf32, #tpu.memory_space<vmem>>, %arg16: memref<!tpu.dma_semaphore, #tpu.memory_space<semaphore_mem>>, %arg17: memref<!tpu.dma_semaphore, #tpu.memory_space<semaphore_mem>>) attributes {dimension_semantics = [#tpu.dimension_semantics<core_parallel>, #tpu.dimension_semantics<subcore_parallel>], iteration_bounds = array<i64: 2, 16>, scalar_prefetch = 0 : i64, scratch_operands = 10 : i64, tpu.core_type = #tpu.core_type<sc_vector_subcore>, window_params = [{transform_indices = #map}, {transform_indices = #map1}, {transform_indices = #map}, {transform_indices = #map1}, {transform_indices = #map1}, {transform_indices = #map1}]} {
    %mul3A = arith.constant 2 : i32
    %mul3A_0 = arith.muli %arg1, %mul3A : i32
    %add3A = arith.addi %mul3A_0, %arg0 : i32
    %mul3A_1 = arith.constant 32 : i32
    %mul3A_2 = arith.muli %add3A, %mul3A_1 : i32
    "tpu.region"() ({
      %run_scoped3A = tpu.sem_alloc : memref<!tpu.dma_semaphore, #tpu.memory_space<semaphore_mem>>
      %dma_start3A_360 = tpu.memref_slice %arg3[%mul3A_2] : memref<1024xi32, #tpu.memory_space<hbm>> -> memref<32xi32, #tpu.memory_space<hbm>>
      %dma_start3A_361 = tpu.memref_slice %arg3[%mul3A_2] : memref<1024xi32, #tpu.memory_space<hbm>> -> memref<32xi32, #tpu.memory_space<hbm>>
      tpu.enqueue_dma source(%dma_start3A_361 : memref<32xi32, #tpu.memory_space<hbm>>) target(%arg8 : memref<32xi32, #tpu.memory_space<vmem>>) target_semaphore(%run_scoped3A : memref<!tpu.dma_semaphore, #tpu.memory_space<semaphore_mem>>)
      %dma_wait3A_362 = tpu.memref_slice %arg3[%mul3A_2] : memref<1024xi32, #tpu.memory_space<hbm>> -> memref<32xi32, #tpu.memory_space<hbm>>
      %dma_wait3A_363 = tpu.memref_slice %arg3[%mul3A_2] : memref<1024xi32, #tpu.memory_space<hbm>> -> memref<32xi32, #tpu.memory_space<hbm>>
      tpu.wait_dma2 semaphore(%run_scoped3A : memref<!tpu.dma_semaphore, #tpu.memory_space<semaphore_mem>>) src(%dma_wait3A_363 : memref<32xi32, #tpu.memory_space<hbm>>) dst(%arg8 : memref<32xi32, #tpu.memory_space<vmem>>)
      tpu.yield
    }) : () -> ()
    "tpu.region"() ({
      %run_scoped3A = tpu.sem_alloc : memref<!tpu.dma_semaphore, #tpu.memory_space<semaphore_mem>>
      %dma_start3A_360 = tpu.memref_slice %arg5[%mul3A_2] : memref<1024xi32, #tpu.memory_space<hbm>> -> memref<32xi32, #tpu.memory_space<hbm>>
      %dma_start3A_361 = tpu.memref_slice %arg5[%mul3A_2] : memref<1024xi32, #tpu.memory_space<hbm>> -> memref<32xi32, #tpu.memory_space<hbm>>
      tpu.enqueue_dma source(%dma_start3A_361 : memref<32xi32, #tpu.memory_space<hbm>>) target(%arg13 : memref<32xi32, #tpu.memory_space<vmem>>) target_semaphore(%run_scoped3A : memref<!tpu.dma_semaphore, #tpu.memory_space<semaphore_mem>>)
      %dma_wait3A_362 = tpu.memref_slice %arg5[%mul3A_2] : memref<1024xi32, #tpu.memory_space<hbm>> -> memref<32xi32, #tpu.memory_space<hbm>>
      %dma_wait3A_363 = tpu.memref_slice %arg5[%mul3A_2] : memref<1024xi32, #tpu.memory_space<hbm>> -> memref<32xi32, #tpu.memory_space<hbm>>
      tpu.wait_dma2 semaphore(%run_scoped3A : memref<!tpu.dma_semaphore, #tpu.memory_space<semaphore_mem>>) src(%dma_wait3A_363 : memref<32xi32, #tpu.memory_space<hbm>>) dst(%arg13 : memref<32xi32, #tpu.memory_space<vmem>>)
      tpu.yield
    }) : () -> ()
    %iota3A = tpu.iota {dimensions = array<i32: 0>} : vector<16xi32>
    %get3A = arith.constant 0 : index
    %get3A_3 = tpu.vector_load %arg8[%get3A] {strides = array<i32>} : memref<32xi32, #tpu.memory_space<vmem>>, vector<16xi32>,
    %shift_right_logical3A = arith.constant 3 : i32
    %shift_right_logical3A_4 = vector.broadcast %shift_right_logical3A : i32 to vector<16xi32>
    %shift_right_logical3A_5 = arith.shrui %get3A_3, %shift_right_logical3A_4 : vector<16xi32>
    %mul3A_6 = arith.constant 64 : i32
    %mul3A_7 = vector.broadcast %mul3A_6 : i32 to vector<16xi32>
    %mul3A_8 = arith.muli %shift_right_logical3A_5, %mul3A_7 : vector<16xi32>
    %and3A = arith.constant 7 : i32
    %and3A_9 = vector.broadcast %and3A : i32 to vector<16xi32>
    %and3A_10 = arith.andi %get3A_3, %and3A_9 : vector<16xi32>
    %add3A_11 = arith.addi %mul3A_8, %and3A_10 : vector<16xi32>
    %swap3A = arith.constant 0 : index
    %swap3A_12 = tpu.vector_load %arg9[%swap3A] {strides = array<i32>} : memref<32xi32, #tpu.memory_space<vmem>>, vector<16xi32>,
    tpu.vector_store %arg9[%swap3A], %add3A_11 {strides = array<i32>} : memref<32xi32, #tpu.memory_space<vmem>>, vector<16xi32>,
    %get3A_13 = arith.constant 16 : index
    %get3A_14 = tpu.vector_load %arg8[%get3A_13] {strides = array<i32>} : memref<32xi32, #tpu.memory_space<vmem>>, vector<16xi32>,
    %shift_right_logical3A_15 = arith.constant 3 : i32
    %shift_right_logical3A_16 = vector.broadcast %shift_right_logical3A_15 : i32 to vector<16xi32>
    %shift_right_logical3A_17 = arith.shrui %get3A_14, %shift_right_logical3A_16 : vector<16xi32>
    %mul3A_18 = arith.constant 64 : i32
    %mul3A_19 = vector.broadcast %mul3A_18 : i32 to vector<16xi32>
    %mul3A_20 = arith.muli %shift_right_logical3A_17, %mul3A_19 : vector<16xi32>
    %and3A_21 = arith.constant 7 : i32
    %and3A_22 = vector.broadcast %and3A_21 : i32 to vector<16xi32>
    %and3A_23 = arith.andi %get3A_14, %and3A_22 : vector<16xi32>
    %add3A_24 = arith.addi %mul3A_20, %and3A_23 : vector<16xi32>
    %swap3A_25 = arith.constant 16 : index
    %swap3A_26 = tpu.vector_load %arg9[%swap3A_25] {strides = array<i32>} : memref<32xi32, #tpu.memory_space<vmem>>, vector<16xi32>,
    tpu.vector_store %arg9[%swap3A_25], %add3A_24 {strides = array<i32>} : memref<32xi32, #tpu.memory_space<vmem>>, vector<16xi32>,
    %and3A_27 = arith.constant 7 : i32
    %and3A_28 = vector.broadcast %and3A_27 : i32 to vector<16xi32>
    %and3A_29 = arith.andi %iota3A, %and3A_28 : vector<16xi32>
    %mul3A_30 = arith.constant 8 : i32
    %mul3A_31 = vector.broadcast %mul3A_30 : i32 to vector<16xi32>
    %mul3A_32 = arith.muli %mul3A_31, %and3A_29 : vector<16xi32>
    %broadcast_in_dim3A = arith.constant 0 : i32
    %broadcast_in_dim3A_33 = vector.broadcast %broadcast_in_dim3A : i32 to vector<16xi32>
    %shift_right_logical3A_34 = arith.constant 3 : i32
    %shift_right_logical3A_35 = vector.broadcast %shift_right_logical3A_34 : i32 to vector<16xi32>
    %shift_right_logical3A_36 = arith.shrui %iota3A, %shift_right_logical3A_35 : vector<16xi32>
    %add3A_37 = arith.addi %broadcast_in_dim3A_33, %shift_right_logical3A_36 : vector<16xi32>
    %gather3A = tpu.vector_load_idx %arg9[%add3A_37] : memref<32xi32, #tpu.memory_space<vmem>>[vector<16xi32>], vector<16xi32>,
    %add3A_38 = arith.addi %gather3A, %mul3A_32 : vector<16xi32>
    %swap3A_39 = arith.constant 0 : i32
    %swap3A_40 = arith.index_cast %swap3A_39 : i32 to index
    %swap3A_41 = arith.constant 0 : index
    %swap3A_42 = tpu.vector_load %arg10[%swap3A_40, %swap3A_41] {strides = array<i32>} : memref<2x128xi32, #tpu.memory_space<vmem>>, vector<16xi32>,
    tpu.vector_store %arg10[%swap3A_40, %swap3A_41], %add3A_38 {strides = array<i32>} : memref<2x128xi32, #tpu.memory_space<vmem>>, vector<16xi32>,
    %broadcast_in_dim3A_43 = arith.constant 2 : i32
    %broadcast_in_dim3A_44 = vector.broadcast %broadcast_in_dim3A_43 : i32 to vector<16xi32>
    %shift_right_logical3A_45 = arith.constant 3 : i32
    %shift_right_logical3A_46 = vector.broadcast %shift_right_logical3A_45 : i32 to vector<16xi32>
    %shift_right_logical3A_47 = arith.shrui %iota3A, %shift_right_logical3A_46 : vector<16xi32>
    %add3A_48 = arith.addi %broadcast_in_dim3A_44, %shift_right_logical3A_47 : vector<16xi32>
    %gather3A_49 = tpu.vector_load_idx %arg9[%add3A_48] : memref<32xi32, #tpu.memory_space<vmem>>[vector<16xi32>], vector<16xi32>,
    %add3A_50 = arith.addi %gather3A_49, %mul3A_32 : vector<16xi32>
    %swap3A_51 = arith.constant 0 : i32
    %swap3A_52 = arith.index_cast %swap3A_51 : i32 to index
    %swap3A_53 = arith.constant 16 : index
    %swap3A_54 = tpu.vector_load %arg10[%swap3A_52, %swap3A_53] {strides = array<i32>} : memref<2x128xi32, #tpu.memory_space<vmem>>, vector<16xi32>,
    tpu.vector_store %arg10[%swap3A_52, %swap3A_53], %add3A_50 {strides = array<i32>} : memref<2x128xi32, #tpu.memory_space<vmem>>, vector<16xi32>,
    %broadcast_in_dim3A_55 = arith.constant 4 : i32
    %broadcast_in_dim3A_56 = vector.broadcast %broadcast_in_dim3A_55 : i32 to vector<16xi32>
    %shift_right_logical3A_57 = arith.constant 3 : i32
    %shift_right_logical3A_58 = vector.broadcast %shift_right_logical3A_57 : i32 to vector<16xi32>
    %shift_right_logical3A_59 = arith.shrui %iota3A, %shift_right_logical3A_58 : vector<16xi32>
    %add3A_60 = arith.addi %broadcast_in_dim3A_56, %shift_right_logical3A_59 : vector<16xi32>
    %gather3A_61 = tpu.vector_load_idx %arg9[%add3A_60] : memref<32xi32, #tpu.memory_space<vmem>>[vector<16xi32>], vector<16xi32>,
    %add3A_62 = arith.addi %gather3A_61, %mul3A_32 : vector<16xi32>
    %swap3A_63 = arith.constant 0 : i32
    %swap3A_64 = arith.index_cast %swap3A_63 : i32 to index
    %swap3A_65 = arith.constant 32 : index
    %swap3A_66 = tpu.vector_load %arg10[%swap3A_64, %swap3A_65] {strides = array<i32>} : memref<2x128xi32, #tpu.memory_space<vmem>>, vector<16xi32>,
    tpu.vector_store %arg10[%swap3A_64, %swap3A_65], %add3A_62 {strides = array<i32>} : memref<2x128xi32, #tpu.memory_space<vmem>>, vector<16xi32>,
    %broadcast_in_dim3A_67 = arith.constant 6 : i32
    %broadcast_in_dim3A_68 = vector.broadcast %broadcast_in_dim3A_67 : i32 to vector<16xi32>
    %shift_right_logical3A_69 = arith.constant 3 : i32
    %shift_right_logical3A_70 = vector.broadcast %shift_right_logical3A_69 : i32 to vector<16xi32>
    %shift_right_logical3A_71 = arith.shrui %iota3A, %shift_right_logical3A_70 : vector<16xi32>
    %add3A_72 = arith.addi %broadcast_in_dim3A_68, %shift_right_logical3A_71 : vector<16xi32>
    %gather3A_73 = tpu.vector_load_idx %arg9[%add3A_72] : memref<32xi32, #tpu.memory_space<vmem>>[vector<16xi32>], vector<16xi32>,
    %add3A_74 = arith.addi %gather3A_73, %mul3A_32 : vector<16xi32>
    %swap3A_75 = arith.constant 0 : i32
    %swap3A_76 = arith.index_cast %swap3A_75 : i32 to index
    %swap3A_77 = arith.constant 48 : index
    %swap3A_78 = tpu.vector_load %arg10[%swap3A_76, %swap3A_77] {strides = array<i32>} : memref<2x128xi32, #tpu.memory_space<vmem>>, vector<16xi32>,
    tpu.vector_store %arg10[%swap3A_76, %swap3A_77], %add3A_74 {strides = array<i32>} : memref<2x128xi32, #tpu.memory_space<vmem>>, vector<16xi32>,
    %broadcast_in_dim3A_79 = arith.constant 8 : i32
    %broadcast_in_dim3A_80 = vector.broadcast %broadcast_in_dim3A_79 : i32 to vector<16xi32>
    %shift_right_logical3A_81 = arith.constant 3 : i32
    %shift_right_logical3A_82 = vector.broadcast %shift_right_logical3A_81 : i32 to vector<16xi32>
    %shift_right_logical3A_83 = arith.shrui %iota3A, %shift_right_logical3A_82 : vector<16xi32>
    %add3A_84 = arith.addi %broadcast_in_dim3A_80, %shift_right_logical3A_83 : vector<16xi32>
    %gather3A_85 = tpu.vector_load_idx %arg9[%add3A_84] : memref<32xi32, #tpu.memory_space<vmem>>[vector<16xi32>], vector<16xi32>,
    %add3A_86 = arith.addi %gather3A_85, %mul3A_32 : vector<16xi32>
    %swap3A_87 = arith.constant 0 : i32
    %swap3A_88 = arith.index_cast %swap3A_87 : i32 to index
    %swap3A_89 = arith.constant 64 : index
    %swap3A_90 = tpu.vector_load %arg10[%swap3A_88, %swap3A_89] {strides = array<i32>} : memref<2x128xi32, #tpu.memory_space<vmem>>, vector<16xi32>,
    tpu.vector_store %arg10[%swap3A_88, %swap3A_89], %add3A_86 {strides = array<i32>} : memref<2x128xi32, #tpu.memory_space<vmem>>, vector<16xi32>,
    %broadcast_in_dim3A_91 = arith.constant 10 : i32
    %broadcast_in_dim3A_92 = vector.broadcast %broadcast_in_dim3A_91 : i32 to vector<16xi32>
    %shift_right_logical3A_93 = arith.constant 3 : i32
    %shift_right_logical3A_94 = vector.broadcast %shift_right_logical3A_93 : i32 to vector<16xi32>
    %shift_right_logical3A_95 = arith.shrui %iota3A, %shift_right_logical3A_94 : vector<16xi32>
    %add3A_96 = arith.addi %broadcast_in_dim3A_92, %shift_right_logical3A_95 : vector<16xi32>
    %gather3A_97 = tpu.vector_load_idx %arg9[%add3A_96] : memref<32xi32, #tpu.memory_space<vmem>>[vector<16xi32>], vector<16xi32>,
    %add3A_98 = arith.addi %gather3A_97, %mul3A_32 : vector<16xi32>
    %swap3A_99 = arith.constant 0 : i32
    %swap3A_100 = arith.index_cast %swap3A_99 : i32 to index
    %swap3A_101 = arith.constant 80 : index
    %swap3A_102 = tpu.vector_load %arg10[%swap3A_100, %swap3A_101] {strides = array<i32>} : memref<2x128xi32, #tpu.memory_space<vmem>>, vector<16xi32>,
    tpu.vector_store %arg10[%swap3A_100, %swap3A_101], %add3A_98 {strides = array<i32>} : memref<2x128xi32, #tpu.memory_space<vmem>>, vector<16xi32>,
    %broadcast_in_dim3A_103 = arith.constant 12 : i32
    %broadcast_in_dim3A_104 = vector.broadcast %broadcast_in_dim3A_103 : i32 to vector<16xi32>
    %shift_right_logical3A_105 = arith.constant 3 : i32
    %shift_right_logical3A_106 = vector.broadcast %shift_right_logical3A_105 : i32 to vector<16xi32>
    %shift_right_logical3A_107 = arith.shrui %iota3A, %shift_right_logical3A_106 : vector<16xi32>
    %add3A_108 = arith.addi %broadcast_in_dim3A_104, %shift_right_logical3A_107 : vector<16xi32>
    %gather3A_109 = tpu.vector_load_idx %arg9[%add3A_108] : memref<32xi32, #tpu.memory_space<vmem>>[vector<16xi32>], vector<16xi32>,
    %add3A_110 = arith.addi %gather3A_109, %mul3A_32 : vector<16xi32>
    %swap3A_111 = arith.constant 0 : i32
    %swap3A_112 = arith.index_cast %swap3A_111 : i32 to index
    %swap3A_113 = arith.constant 96 : index
    %swap3A_114 = tpu.vector_load %arg10[%swap3A_112, %swap3A_113] {strides = array<i32>} : memref<2x128xi32, #tpu.memory_space<vmem>>, vector<16xi32>,
    tpu.vector_store %arg10[%swap3A_112, %swap3A_113], %add3A_110 {strides = array<i32>} : memref<2x128xi32, #tpu.memory_space<vmem>>, vector<16xi32>,
    %broadcast_in_dim3A_115 = arith.constant 14 : i32
    %broadcast_in_dim3A_116 = vector.broadcast %broadcast_in_dim3A_115 : i32 to vector<16xi32>
    %shift_right_logical3A_117 = arith.constant 3 : i32
    %shift_right_logical3A_118 = vector.broadcast %shift_right_logical3A_117 : i32 to vector<16xi32>
    %shift_right_logical3A_119 = arith.shrui %iota3A, %shift_right_logical3A_118 : vector<16xi32>
    %add3A_120 = arith.addi %broadcast_in_dim3A_116, %shift_right_logical3A_119 : vector<16xi32>
    %gather3A_121 = tpu.vector_load_idx %arg9[%add3A_120] : memref<32xi32, #tpu.memory_space<vmem>>[vector<16xi32>], vector<16xi32>,
    %add3A_122 = arith.addi %gather3A_121, %mul3A_32 : vector<16xi32>
    %swap3A_123 = arith.constant 0 : i32
    %swap3A_124 = arith.index_cast %swap3A_123 : i32 to index
    %swap3A_125 = arith.constant 112 : index
    %swap3A_126 = tpu.vector_load %arg10[%swap3A_124, %swap3A_125] {strides = array<i32>} : memref<2x128xi32, #tpu.memory_space<vmem>>, vector<16xi32>,
    tpu.vector_store %arg10[%swap3A_124, %swap3A_125], %add3A_122 {strides = array<i32>} : memref<2x128xi32, #tpu.memory_space<vmem>>, vector<16xi32>,
    %broadcast_in_dim3A_127 = arith.constant 16 : i32
    %broadcast_in_dim3A_128 = vector.broadcast %broadcast_in_dim3A_127 : i32 to vector<16xi32>
    %shift_right_logical3A_129 = arith.constant 3 : i32
    %shift_right_logical3A_130 = vector.broadcast %shift_right_logical3A_129 : i32 to vector<16xi32>
    %shift_right_logical3A_131 = arith.shrui %iota3A, %shift_right_logical3A_130 : vector<16xi32>
    %add3A_132 = arith.addi %broadcast_in_dim3A_128, %shift_right_logical3A_131 : vector<16xi32>
    %gather3A_133 = tpu.vector_load_idx %arg9[%add3A_132] : memref<32xi32, #tpu.memory_space<vmem>>[vector<16xi32>], vector<16xi32>,
    %add3A_134 = arith.addi %gather3A_133, %mul3A_32 : vector<16xi32>
    %swap3A_135 = arith.constant 1 : i32
    %swap3A_136 = arith.index_cast %swap3A_135 : i32 to index
    %swap3A_137 = arith.constant 0 : index
    %swap3A_138 = tpu.vector_load %arg10[%swap3A_136, %swap3A_137] {strides = array<i32>} : memref<2x128xi32, #tpu.memory_space<vmem>>, vector<16xi32>,
    tpu.vector_store %arg10[%swap3A_136, %swap3A_137], %add3A_134 {strides = array<i32>} : memref<2x128xi32, #tpu.memory_space<vmem>>, vector<16xi32>,
    %broadcast_in_dim3A_139 = arith.constant 18 : i32
    %broadcast_in_dim3A_140 = vector.broadcast %broadcast_in_dim3A_139 : i32 to vector<16xi32>
    %shift_right_logical3A_141 = arith.constant 3 : i32
    %shift_right_logical3A_142 = vector.broadcast %shift_right_logical3A_141 : i32 to vector<16xi32>
    %shift_right_logical3A_143 = arith.shrui %iota3A, %shift_right_logical3A_142 : vector<16xi32>
    %add3A_144 = arith.addi %broadcast_in_dim3A_140, %shift_right_logical3A_143 : vector<16xi32>
    %gather3A_145 = tpu.vector_load_idx %arg9[%add3A_144] : memref<32xi32, #tpu.memory_space<vmem>>[vector<16xi32>], vector<16xi32>,
    %add3A_146 = arith.addi %gather3A_145, %mul3A_32 : vector<16xi32>
    %swap3A_147 = arith.constant 1 : i32
    %swap3A_148 = arith.index_cast %swap3A_147 : i32 to index
    %swap3A_149 = arith.constant 16 : index
    %swap3A_150 = tpu.vector_load %arg10[%swap3A_148, %swap3A_149] {strides = array<i32>} : memref<2x128xi32, #tpu.memory_space<vmem>>, vector<16xi32>,
    tpu.vector_store %arg10[%swap3A_148, %swap3A_149], %add3A_146 {strides = array<i32>} : memref<2x128xi32, #tpu.memory_space<vmem>>, vector<16xi32>,
    %broadcast_in_dim3A_151 = arith.constant 20 : i32
    %broadcast_in_dim3A_152 = vector.broadcast %broadcast_in_dim3A_151 : i32 to vector<16xi32>
    %shift_right_logical3A_153 = arith.constant 3 : i32
    %shift_right_logical3A_154 = vector.broadcast %shift_right_logical3A_153 : i32 to vector<16xi32>
    %shift_right_logical3A_155 = arith.shrui %iota3A, %shift_right_logical3A_154 : vector<16xi32>
    %add3A_156 = arith.addi %broadcast_in_dim3A_152, %shift_right_logical3A_155 : vector<16xi32>
    %gather3A_157 = tpu.vector_load_idx %arg9[%add3A_156] : memref<32xi32, #tpu.memory_space<vmem>>[vector<16xi32>], vector<16xi32>,
    %add3A_158 = arith.addi %gather3A_157, %mul3A_32 : vector<16xi32>
    %swap3A_159 = arith.constant 1 : i32
    %swap3A_160 = arith.index_cast %swap3A_159 : i32 to index
    %swap3A_161 = arith.constant 32 : index
    %swap3A_162 = tpu.vector_load %arg10[%swap3A_160, %swap3A_161] {strides = array<i32>} : memref<2x128xi32, #tpu.memory_space<vmem>>, vector<16xi32>,
    tpu.vector_store %arg10[%swap3A_160, %swap3A_161], %add3A_158 {strides = array<i32>} : memref<2x128xi32, #tpu.memory_space<vmem>>, vector<16xi32>,
    %broadcast_in_dim3A_163 = arith.constant 22 : i32
    %broadcast_in_dim3A_164 = vector.broadcast %broadcast_in_dim3A_163 : i32 to vector<16xi32>
    %shift_right_logical3A_165 = arith.constant 3 : i32
    %shift_right_logical3A_166 = vector.broadcast %shift_right_logical3A_165 : i32 to vector<16xi32>
    %shift_right_logical3A_167 = arith.shrui %iota3A, %shift_right_logical3A_166 : vector<16xi32>
    %add3A_168 = arith.addi %broadcast_in_dim3A_164, %shift_right_logical3A_167 : vector<16xi32>
    %gather3A_169 = tpu.vector_load_idx %arg9[%add3A_168] : memref<32xi32, #tpu.memory_space<vmem>>[vector<16xi32>], vector<16xi32>,
    %add3A_170 = arith.addi %gather3A_169, %mul3A_32 : vector<16xi32>
    %swap3A_171 = arith.constant 1 : i32
    %swap3A_172 = arith.index_cast %swap3A_171 : i32 to index
    %swap3A_173 = arith.constant 48 : index
    %swap3A_174 = tpu.vector_load %arg10[%swap3A_172, %swap3A_173] {strides = array<i32>} : memref<2x128xi32, #tpu.memory_space<vmem>>, vector<16xi32>,
    tpu.vector_store %arg10[%swap3A_172, %swap3A_173], %add3A_170 {strides = array<i32>} : memref<2x128xi32, #tpu.memory_space<vmem>>, vector<16xi32>,
    %broadcast_in_dim3A_175 = arith.constant 24 : i32
    %broadcast_in_dim3A_176 = vector.broadcast %broadcast_in_dim3A_175 : i32 to vector<16xi32>
    %shift_right_logical3A_177 = arith.constant 3 : i32
    %shift_right_logical3A_178 = vector.broadcast %shift_right_logical3A_177 : i32 to vector<16xi32>
    %shift_right_logical3A_179 = arith.shrui %iota3A, %shift_right_logical3A_178 : vector<16xi32>
    %add3A_180 = arith.addi %broadcast_in_dim3A_176, %shift_right_logical3A_179 : vector<16xi32>
    %gather3A_181 = tpu.vector_load_idx %arg9[%add3A_180] : memref<32xi32, #tpu.memory_space<vmem>>[vector<16xi32>], vector<16xi32>,
    %add3A_182 = arith.addi %gather3A_181, %mul3A_32 : vector<16xi32>
    %swap3A_183 = arith.constant 1 : i32
    %swap3A_184 = arith.index_cast %swap3A_183 : i32 to index
    %swap3A_185 = arith.constant 64 : index
    %swap3A_186 = tpu.vector_load %arg10[%swap3A_184, %swap3A_185] {strides = array<i32>} : memref<2x128xi32, #tpu.memory_space<vmem>>, vector<16xi32>,
    tpu.vector_store %arg10[%swap3A_184, %swap3A_185], %add3A_182 {strides = array<i32>} : memref<2x128xi32, #tpu.memory_space<vmem>>, vector<16xi32>,
    %broadcast_in_dim3A_187 = arith.constant 26 : i32
    %broadcast_in_dim3A_188 = vector.broadcast %broadcast_in_dim3A_187 : i32 to vector<16xi32>
    %shift_right_logical3A_189 = arith.constant 3 : i32
    %shift_right_logical3A_190 = vector.broadcast %shift_right_logical3A_189 : i32 to vector<16xi32>
    %shift_right_logical3A_191 = arith.shrui %iota3A, %shift_right_logical3A_190 : vector<16xi32>
    %add3A_192 = arith.addi %broadcast_in_dim3A_188, %shift_right_logical3A_191 : vector<16xi32>
    %gather3A_193 = tpu.vector_load_idx %arg9[%add3A_192] : memref<32xi32, #tpu.memory_space<vmem>>[vector<16xi32>], vector<16xi32>,
    %add3A_194 = arith.addi %gather3A_193, %mul3A_32 : vector<16xi32>
    %swap3A_195 = arith.constant 1 : i32
    %swap3A_196 = arith.index_cast %swap3A_195 : i32 to index
    %swap3A_197 = arith.constant 80 : index
    %swap3A_198 = tpu.vector_load %arg10[%swap3A_196, %swap3A_197] {strides = array<i32>} : memref<2x128xi32, #tpu.memory_space<vmem>>, vector<16xi32>,
    tpu.vector_store %arg10[%swap3A_196, %swap3A_197], %add3A_194 {strides = array<i32>} : memref<2x128xi32, #tpu.memory_space<vmem>>, vector<16xi32>,
    %broadcast_in_dim3A_199 = arith.constant 28 : i32
    %broadcast_in_dim3A_200 = vector.broadcast %broadcast_in_dim3A_199 : i32 to vector<16xi32>
    %shift_right_logical3A_201 = arith.constant 3 : i32
    %shift_right_logical3A_202 = vector.broadcast %shift_right_logical3A_201 : i32 to vector<16xi32>
    %shift_right_logical3A_203 = arith.shrui %iota3A, %shift_right_logical3A_202 : vector<16xi32>
    %add3A_204 = arith.addi %broadcast_in_dim3A_200, %shift_right_logical3A_203 : vector<16xi32>
    %gather3A_205 = tpu.vector_load_idx %arg9[%add3A_204] : memref<32xi32, #tpu.memory_space<vmem>>[vector<16xi32>], vector<16xi32>,
    %add3A_206 = arith.addi %gather3A_205, %mul3A_32 : vector<16xi32>
    %swap3A_207 = arith.constant 1 : i32
    %swap3A_208 = arith.index_cast %swap3A_207 : i32 to index
    %swap3A_209 = arith.constant 96 : index
    %swap3A_210 = tpu.vector_load %arg10[%swap3A_208, %swap3A_209] {strides = array<i32>} : memref<2x128xi32, #tpu.memory_space<vmem>>, vector<16xi32>,
    tpu.vector_store %arg10[%swap3A_208, %swap3A_209], %add3A_206 {strides = array<i32>} : memref<2x128xi32, #tpu.memory_space<vmem>>, vector<16xi32>,
    %broadcast_in_dim3A_211 = arith.constant 30 : i32
    %broadcast_in_dim3A_212 = vector.broadcast %broadcast_in_dim3A_211 : i32 to vector<16xi32>
    %shift_right_logical3A_213 = arith.constant 3 : i32
    %shift_right_logical3A_214 = vector.broadcast %shift_right_logical3A_213 : i32 to vector<16xi32>
    %shift_right_logical3A_215 = arith.shrui %iota3A, %shift_right_logical3A_214 : vector<16xi32>
    %add3A_216 = arith.addi %broadcast_in_dim3A_212, %shift_right_logical3A_215 : vector<16xi32>
    %gather3A_217 = tpu.vector_load_idx %arg9[%add3A_216] : memref<32xi32, #tpu.memory_space<vmem>>[vector<16xi32>], vector<16xi32>,
    %add3A_218 = arith.addi %gather3A_217, %mul3A_32 : vector<16xi32>
    %swap3A_219 = arith.constant 1 : i32
    %swap3A_220 = arith.index_cast %swap3A_219 : i32 to index
    %swap3A_221 = arith.constant 112 : index
    %swap3A_222 = tpu.vector_load %arg10[%swap3A_220, %swap3A_221] {strides = array<i32>} : memref<2x128xi32, #tpu.memory_space<vmem>>, vector<16xi32>,
    tpu.vector_store %arg10[%swap3A_220, %swap3A_221], %add3A_218 {strides = array<i32>} : memref<2x128xi32, #tpu.memory_space<vmem>>, vector<16xi32>,
    %mul3A_223 = arith.constant 8 : i32
    %mul3A_224 = arith.muli %mul3A_2, %mul3A_223 : i32
    %dma_start3A = arith.constant 0 : i32
    %dma_start3A_225 = arith.constant 0 : i32
    %dma_start3A_226 = tpu.memref_slice %arg12[%dma_start3A, %dma_start3A_225] : memref<256x128xi32, #tpu.memory_space<vmem>> -> memref<128x128xi32, #tpu.memory_space<vmem>>
    %dma_start3A_227 = arith.constant 0 : i32
    %dma_start3A_228 = tpu.memref_slice %arg4[%mul3A_224, %dma_start3A_227] : memref<8192x128xi32, #tpu.memory_space<hbm>> -> memref<128x128xi32, #tpu.memory_space<hbm>>
    %dma_start3A_229 = arith.constant 0 : i32
    %dma_start3A_230 = arith.constant 0 : i32
    %dma_start3A_231 = tpu.memref_slice %arg12[%dma_start3A_229, %dma_start3A_230] : memref<256x128xi32, #tpu.memory_space<vmem>> -> memref<128x128xi32, #tpu.memory_space<vmem>>
    %dma_start3A_232 = arith.constant 0 : i32
    %dma_start3A_233 = tpu.memref_slice %arg4[%mul3A_224, %dma_start3A_232] : memref<8192x128xi32, #tpu.memory_space<hbm>> -> memref<128x128xi32, #tpu.memory_space<hbm>>
    tpu.enqueue_dma source(%dma_start3A_233 : memref<128x128xi32, #tpu.memory_space<hbm>>) target(%dma_start3A_231 : memref<128x128xi32, #tpu.memory_space<vmem>>) target_semaphore(%arg17 : memref<!tpu.dma_semaphore, #tpu.memory_space<semaphore_mem>>)
    %dma_start3A_234 = arith.constant 0 : i32
    %dma_start3A_235 = arith.constant 0 : i32
    %dma_start3A_236 = arith.constant 0 : i32
    %dma_start3A_237 = tpu.memref_slice %arg11[%dma_start3A_235, %dma_start3A_236] : memref<256x128xf32, #tpu.memory_space<vmem>> -> memref<128x128xf32, #tpu.memory_space<vmem>>
    %dma_start3A_238 = arith.constant 0 : i32
    %dma_start3A_239 = tpu.memref_slice %arg10[%dma_start3A_234, %dma_start3A_238] : memref<2x128xi32, #tpu.memory_space<vmem>> -> memref<1x128xi32, #tpu.memory_space<vmem>>
    %dma_start3A_240 = tpu.memref_squeeze %dma_start3A_239 : memref<1x128xi32, #tpu.memory_space<vmem>> -> memref<128xi32, #tpu.memory_space<vmem>>
    %dma_start3A_241 = arith.constant 0 : i32
    %dma_start3A_242 = arith.constant 0 : i32
    %dma_start3A_243 = tpu.memref_slice %arg2[%dma_start3A_241, %dma_start3A_242] : memref<8000x128xf32, #tpu.memory_space<hbm>> -> memref<8000x128xf32, #tpu.memory_space<hbm>>
    tpu.enqueue_indirect_dma source(%dma_start3A_243 : memref<8000x128xf32, #tpu.memory_space<hbm>>) target(%dma_start3A_237 : memref<128x128xf32, #tpu.memory_space<vmem>>) offsets(%dma_start3A_240 : memref<128xi32, #tpu.memory_space<vmem>>) semaphore(%arg16 : memref<!tpu.dma_semaphore, #tpu.memory_space<semaphore_mem>>)
    %mul3A_244 = arith.constant 8 : i32
    %mul3A_245 = arith.muli %mul3A_2, %mul3A_244 : i32
    %add3A_246 = arith.constant 128 : i32
    %add3A_247 = arith.addi %mul3A_245, %add3A_246 : i32
    %dma_start3A_248 = arith.constant 128 : i32
    %dma_start3A_249 = arith.constant 0 : i32
    %dma_start3A_250 = tpu.memref_slice %arg12[%dma_start3A_248, %dma_start3A_249] : memref<256x128xi32, #tpu.memory_space<vmem>> -> memref<128x128xi32, #tpu.memory_space<vmem>>
    %dma_start3A_251 = arith.constant 0 : i32
    %dma_start3A_252 = tpu.memref_slice %arg4[%add3A_247, %dma_start3A_251] : memref<8192x128xi32, #tpu.memory_space<hbm>> -> memref<128x128xi32, #tpu.memory_space<hbm>>
    %dma_start3A_253 = arith.constant 128 : i32
    %dma_start3A_254 = arith.constant 0 : i32
    %dma_start3A_255 = tpu.memref_slice %arg12[%dma_start3A_253, %dma_start3A_254] : memref<256x128xi32, #tpu.memory_space<vmem>> -> memref<128x128xi32, #tpu.memory_space<vmem>>
    %dma_start3A_256 = arith.constant 0 : i32
    %dma_start3A_257 = tpu.memref_slice %arg4[%add3A_247, %dma_start3A_256] : memref<8192x128xi32, #tpu.memory_space<hbm>> -> memref<128x128xi32, #tpu.memory_space<hbm>>
    tpu.enqueue_dma source(%dma_start3A_257 : memref<128x128xi32, #tpu.memory_space<hbm>>) target(%dma_start3A_255 : memref<128x128xi32, #tpu.memory_space<vmem>>) target_semaphore(%arg17 : memref<!tpu.dma_semaphore, #tpu.memory_space<semaphore_mem>>)
    %dma_start3A_258 = arith.constant 1 : i32
    %dma_start3A_259 = arith.constant 128 : i32
    %dma_start3A_260 = arith.constant 0 : i32
    %dma_start3A_261 = tpu.memref_slice %arg11[%dma_start3A_259, %dma_start3A_260] : memref<256x128xf32, #tpu.memory_space<vmem>> -> memref<128x128xf32, #tpu.memory_space<vmem>>
    %dma_start3A_262 = arith.constant 0 : i32
    %dma_start3A_263 = tpu.memref_slice %arg10[%dma_start3A_258, %dma_start3A_262] : memref<2x128xi32, #tpu.memory_space<vmem>> -> memref<1x128xi32, #tpu.memory_space<vmem>>
    %dma_start3A_264 = tpu.memref_squeeze %dma_start3A_263 : memref<1x128xi32, #tpu.memory_space<vmem>> -> memref<128xi32, #tpu.memory_space<vmem>>
    %dma_start3A_265 = arith.constant 0 : i32
    %dma_start3A_266 = arith.constant 0 : i32
    %dma_start3A_267 = tpu.memref_slice %arg2[%dma_start3A_265, %dma_start3A_266] : memref<8000x128xf32, #tpu.memory_space<hbm>> -> memref<8000x128xf32, #tpu.memory_space<hbm>>
    tpu.enqueue_indirect_dma source(%dma_start3A_267 : memref<8000x128xf32, #tpu.memory_space<hbm>>) target(%dma_start3A_261 : memref<128x128xf32, #tpu.memory_space<vmem>>) offsets(%dma_start3A_264 : memref<128xi32, #tpu.memory_space<vmem>>) semaphore(%arg16 : memref<!tpu.dma_semaphore, #tpu.memory_space<semaphore_mem>>)
    %ge3A = arith.constant 8 : i32
    %ge3A_268 = vector.broadcast %ge3A : i32 to vector<16xi32>
    %ge3A_269 = arith.cmpi sge, %iota3A, %ge3A_268 : vector<16xi32>
    %dma_wait3A = arith.constant 0 : i32
    %dma_wait3A_270 = arith.constant 0 : i32
    %dma_wait3A_271 = tpu.memref_slice %arg12[%dma_wait3A, %dma_wait3A_270] : memref<256x128xi32, #tpu.memory_space<vmem>> -> memref<128x128xi32, #tpu.memory_space<vmem>>
    %dma_wait3A_272 = arith.constant 0 : i32
    %dma_wait3A_273 = tpu.memref_slice %arg4[%mul3A_224, %dma_wait3A_272] : memref<8192x128xi32, #tpu.memory_space<hbm>> -> memref<128x128xi32, #tpu.memory_space<hbm>>
    %dma_wait3A_274 = arith.constant 0 : i32
    %dma_wait3A_275 = arith.constant 0 : i32
    %dma_wait3A_276 = tpu.memref_slice %arg12[%dma_wait3A_274, %dma_wait3A_275] : memref<256x128xi32, #tpu.memory_space<vmem>> -> memref<128x128xi32, #tpu.memory_space<vmem>>
    %dma_wait3A_277 = arith.constant 0 : i32
    %dma_wait3A_278 = tpu.memref_slice %arg4[%mul3A_224, %dma_wait3A_277] : memref<8192x128xi32, #tpu.memory_space<hbm>> -> memref<128x128xi32, #tpu.memory_space<hbm>>
    tpu.wait_dma2 semaphore(%arg17 : memref<!tpu.dma_semaphore, #tpu.memory_space<semaphore_mem>>) src(%dma_wait3A_278 : memref<128x128xi32, #tpu.memory_space<hbm>>) dst(%dma_wait3A_276 : memref<128x128xi32, #tpu.memory_space<vmem>>)
    %dma_wait3A_279 = arith.constant 0 : i32
    %dma_wait3A_280 = arith.constant 0 : i32
    %dma_wait3A_281 = arith.constant 0 : i32
    %dma_wait3A_282 = tpu.memref_slice %arg11[%dma_wait3A_280, %dma_wait3A_281] : memref<256x128xf32, #tpu.memory_space<vmem>> -> memref<128x128xf32, #tpu.memory_space<vmem>>
    %dma_wait3A_283 = arith.constant 0 : i32
    %dma_wait3A_284 = tpu.memref_slice %arg10[%dma_wait3A_279, %dma_wait3A_283] : memref<2x128xi32, #tpu.memory_space<vmem>> -> memref<1x128xi32, #tpu.memory_space<vmem>>
    %dma_wait3A_285 = tpu.memref_squeeze %dma_wait3A_284 : memref<1x128xi32, #tpu.memory_space<vmem>> -> memref<128xi32, #tpu.memory_space<vmem>>
    %dma_wait3A_286 = arith.constant 0 : i32
    %dma_wait3A_287 = arith.constant 0 : i32
    %dma_wait3A_288 = tpu.memref_slice %arg2[%dma_wait3A_286, %dma_wait3A_287] : memref<8000x128xf32, #tpu.memory_space<hbm>> -> memref<8000x128xf32, #tpu.memory_space<hbm>>
    tpu.wait_indirect_dma semaphore(%arg16 : memref<!tpu.dma_semaphore, #tpu.memory_space<semaphore_mem>>) src(%dma_wait3A_288 : memref<8000x128xf32, #tpu.memory_space<hbm>>) dst(%dma_wait3A_282 : memref<128x128xf32, #tpu.memory_space<vmem>>)
    %scan3A = arith.constant 0 : i32
    %scan3A_289 = arith.constant 0 : i32
    %scan3A_290 = arith.constant 16 : i32
    %scan3A_291 = arith.addi %scan3A_289, %scan3A_290 : i32
    %scan3A_292 = arith.constant 1 : i32
    %scan3A_293 = scf.for %scan3A_360 = %scan3A_289 to %scan3A_291 step %scan3A_292 iter_args(%scan3A_361 = %scan3A) -> (i32)  : i32 {
      %mul3A_362 = arith.constant 8 : i32
      %mul3A_363 = arith.muli %scan3A_360, %mul3A_362 : i32
      %broadcast_in_dim3A_364 = vector.broadcast %mul3A_363 : i32 to vector<16xi32>
      %jit3A = arith.constant 8 : i32
      %div3A = arith.divsi %scan3A_360, %jit3A : i32
      %sign3A = arith.constant 0 : i32
      %sign3A_365 = arith.cmpi sgt, %scan3A_360, %sign3A : i32
      %sign3A_366 = arith.extui %sign3A_365 : i1 to i32
      %sign3A_367 = arith.constant 0 : i32
      %sign3A_368 = arith.cmpi slt, %scan3A_360, %sign3A_367 : i32
      %sign3A_369 = arith.extui %sign3A_368 : i1 to i32
      %sign3A_370 = arith.subi %sign3A_366, %sign3A_369 : i32
      %sign3A_371 = arith.constant 0 : i32
      %sign3A_372 = arith.cmpi sgt, %jit3A, %sign3A_371 : i32
      %sign3A_373 = arith.extui %sign3A_372 : i1 to i32
      %sign3A_374 = arith.constant 0 : i32
      %sign3A_375 = arith.cmpi slt, %jit3A, %sign3A_374 : i32
      %sign3A_376 = arith.extui %sign3A_375 : i1 to i32
      %sign3A_377 = arith.subi %sign3A_373, %sign3A_376 : i32
      %ne3A = arith.cmpi ne, %sign3A_370, %sign3A_377 : i32
      %rem3A = arith.remsi %scan3A_360, %jit3A : i32
      %ne3A_378 = arith.constant 0 : i32
      %ne3A_379 = arith.cmpi ne, %rem3A, %ne3A_378 : i32
      %and3A_380 = arith.andi %ne3A, %ne3A_379 : i1
      %sub3A = arith.constant 1 : i32
      %sub3A_381 = arith.subi %div3A, %sub3A : i32
      %select_n3A = arith.select %and3A_380, %sub3A_381, %div3A : i32
      %mul3A_382 = arith.constant 64 : i32
      %mul3A_383 = arith.muli %select_n3A, %mul3A_382 : i32
      %jit3A_384 = arith.constant 8 : i32
      %eq3A = arith.constant 0 : i32
      %eq3A_385 = arith.cmpi eq, %jit3A_384, %eq3A : i32
      %jit3A_386 = arith.constant 1 : i32
      %select_n3A_387 = arith.select %eq3A_385, %jit3A_386, %jit3A_384 : i32
      %rem3A_388 = arith.remsi %scan3A_360, %select_n3A_387 : i32
      %ne3A_389 = arith.constant 0 : i32
      %ne3A_390 = arith.cmpi ne, %rem3A_388, %ne3A_389 : i32
      %lt3A = arith.constant 0 : i32
      %lt3A_391 = arith.cmpi slt, %rem3A_388, %lt3A : i32
      %lt3A_392 = arith.constant 0 : i32
      %lt3A_393 = arith.cmpi slt, %select_n3A_387, %lt3A_392 : i32
      %ne3A_394 = arith.xori %lt3A_391, %lt3A_393 : i1
      %and3A_395 = arith.andi %ne3A_394, %ne3A_390 : i1
      %add3A_396 = arith.addi %rem3A_388, %select_n3A_387 : i32
      %select_n3A_397 = arith.select %and3A_395, %add3A_396, %rem3A_388 : i32
      %add3A_398 = arith.addi %mul3A_383, %select_n3A_397 : i32
      %broadcast_in_dim3A_399 = arith.constant 0.000000e+00 : f32
      %broadcast_in_dim3A_400 = vector.broadcast %broadcast_in_dim3A_399 : f32 to vector<16xf32>
      %scan3A_401 = arith.constant 0 : i32
      %scan3A_402 = arith.constant 56 : i32
      %scan3A_403 = arith.addi %scan3A_401, %scan3A_402 : i32
      %scan3A_404 = arith.constant 8 : i32
      %scan3A_405 = scf.for %scan3A_783 = %scan3A_401 to %scan3A_403 step %scan3A_404 iter_args(%scan3A_784 = %broadcast_in_dim3A_400) -> (vector<16xf32>)  : i32 {
        %jit3A_785 = arith.constant 8 : i32
        %div3A_786 = arith.divsi %scan3A_783, %jit3A_785 : i32
        %sign3A_787 = arith.constant 0 : i32
        %sign3A_788 = arith.cmpi sgt, %scan3A_783, %sign3A_787 : i32
        %sign3A_789 = arith.extui %sign3A_788 : i1 to i32
        %sign3A_790 = arith.constant 0 : i32
        %sign3A_791 = arith.cmpi slt, %scan3A_783, %sign3A_790 : i32
        %sign3A_792 = arith.extui %sign3A_791 : i1 to i32
        %sign3A_793 = arith.subi %sign3A_789, %sign3A_792 : i32
        %sign3A_794 = arith.constant 0 : i32
        %sign3A_795 = arith.cmpi sgt, %jit3A_785, %sign3A_794 : i32
        %sign3A_796 = arith.extui %sign3A_795 : i1 to i32
        %sign3A_797 = arith.constant 0 : i32
        %sign3A_798 = arith.cmpi slt, %jit3A_785, %sign3A_797 : i32
        %sign3A_799 = arith.extui %sign3A_798 : i1 to i32
        %sign3A_800 = arith.subi %sign3A_796, %sign3A_799 : i32
        %ne3A_801 = arith.cmpi ne, %sign3A_793, %sign3A_800 : i32
        %rem3A_802 = arith.remsi %scan3A_783, %jit3A_785 : i32
        %ne3A_803 = arith.constant 0 : i32
        %ne3A_804 = arith.cmpi ne, %rem3A_802, %ne3A_803 : i32
        %and3A_805 = arith.andi %ne3A_801, %ne3A_804 : i1
        %sub3A_806 = arith.constant 1 : i32
        %sub3A_807 = arith.subi %div3A_786, %sub3A_806 : i32
        %select_n3A_808 = arith.select %and3A_805, %sub3A_807, %div3A_786 : i32
        %mul3A_809 = arith.constant 8 : i32
        %mul3A_810 = arith.muli %mul3A_809, %select_n3A_808 : i32
        %add3A_811 = arith.addi %add3A_398, %mul3A_810 : i32
        %jit3A_812 = arith.constant 8 : i32
        %eq3A_813 = arith.constant 0 : i32
        %eq3A_814 = arith.cmpi eq, %jit3A_812, %eq3A_813 : i32
        %jit3A_815 = arith.constant 1 : i32
        %select_n3A_816 = arith.select %eq3A_814, %jit3A_815, %jit3A_812 : i32
        %rem3A_817 = arith.remsi %scan3A_783, %select_n3A_816 : i32
        %ne3A_818 = arith.constant 0 : i32
        %ne3A_819 = arith.cmpi ne, %rem3A_817, %ne3A_818 : i32
        %lt3A_820 = arith.constant 0 : i32
        %lt3A_821 = arith.cmpi slt, %rem3A_817, %lt3A_820 : i32
        %lt3A_822 = arith.constant 0 : i32
        %lt3A_823 = arith.cmpi slt, %select_n3A_816, %lt3A_822 : i32
        %ne3A_824 = arith.xori %lt3A_821, %lt3A_823 : i1
        %and3A_825 = arith.andi %ne3A_824, %ne3A_819 : i1
        %add3A_826 = arith.addi %rem3A_817, %select_n3A_816 : i32
        %select_n3A_827 = arith.select %and3A_825, %add3A_826, %rem3A_817 : i32
        %mul3A_828 = arith.constant 16 : i32
        %mul3A_829 = arith.muli %select_n3A_827, %mul3A_828 : i32
        %get3A_830 = arith.index_cast %add3A_811 : i32 to index
        %get3A_831 = arith.index_cast %mul3A_829 : i32 to index
        %get3A_832 = tpu.vector_load %arg12[%get3A_830, %get3A_831] {strides = array<i32>} : memref<256x128xi32, #tpu.memory_space<vmem>>, vector<16xi32>,
        %shift_right_logical3A_833 = arith.constant 7 : i32
        %shift_right_logical3A_834 = vector.broadcast %shift_right_logical3A_833 : i32 to vector<16xi32>
        %shift_right_logical3A_835 = arith.shrui %get3A_832, %shift_right_logical3A_834 : vector<16xi32>
        %add3A_836 = arith.addi %broadcast_in_dim3A_364, %shift_right_logical3A_835 : vector<16xi32>
        %and3A_837 = arith.constant 127 : i32
        %and3A_838 = vector.broadcast %and3A_837 : i32 to vector<16xi32>
        %and3A_839 = arith.andi %get3A_832, %and3A_838 : vector<16xi32>
        %gather3A_840 = tpu.vector_load_idx %arg11[%add3A_836, %and3A_839] : memref<256x128xf32, #tpu.memory_space<vmem>>[vector<16xi32>, vector<16xi32>], vector<16xf32>,
        %add3A_841 = arith.addf %scan3A_784, %gather3A_840 : vector<16xf32>
        %scan3A_842 = arith.constant 1 : i32
        %scan3A_843 = arith.addi %scan3A_783, %scan3A_842 : i32
        %jit3A_844 = arith.constant 8 : i32
        %div3A_845 = arith.divsi %scan3A_843, %jit3A_844 : i32
        %sign3A_846 = arith.constant 0 : i32
        %sign3A_847 = arith.cmpi sgt, %scan3A_843, %sign3A_846 : i32
        %sign3A_848 = arith.extui %sign3A_847 : i1 to i32
        %sign3A_849 = arith.constant 0 : i32
        %sign3A_850 = arith.cmpi slt, %scan3A_843, %sign3A_849 : i32
        %sign3A_851 = arith.extui %sign3A_850 : i1 to i32
        %sign3A_852 = arith.subi %sign3A_848, %sign3A_851 : i32
        %sign3A_853 = arith.constant 0 : i32
        %sign3A_854 = arith.cmpi sgt, %jit3A_844, %sign3A_853 : i32
        %sign3A_855 = arith.extui %sign3A_854 : i1 to i32
        %sign3A_856 = arith.constant 0 : i32
        %sign3A_857 = arith.cmpi slt, %jit3A_844, %sign3A_856 : i32
        %sign3A_858 = arith.extui %sign3A_857 : i1 to i32
        %sign3A_859 = arith.subi %sign3A_855, %sign3A_858 : i32
        %ne3A_860 = arith.cmpi ne, %sign3A_852, %sign3A_859 : i32
        %rem3A_861 = arith.remsi %scan3A_843, %jit3A_844 : i32
        %ne3A_862 = arith.constant 0 : i32
        %ne3A_863 = arith.cmpi ne, %rem3A_861, %ne3A_862 : i32
        %and3A_864 = arith.andi %ne3A_860, %ne3A_863 : i1
        %sub3A_865 = arith.constant 1 : i32
        %sub3A_866 = arith.subi %div3A_845, %sub3A_865 : i32
        %select_n3A_867 = arith.select %and3A_864, %sub3A_866, %div3A_845 : i32
        %mul3A_868 = arith.constant 8 : i32
        %mul3A_869 = arith.muli %mul3A_868, %select_n3A_867 : i32
        %add3A_870 = arith.addi %add3A_398, %mul3A_869 : i32
        %jit3A_871 = arith.constant 8 : i32
        %eq3A_872 = arith.constant 0 : i32
        %eq3A_873 = arith.cmpi eq, %jit3A_871, %eq3A_872 : i32
        %jit3A_874 = arith.constant 1 : i32
        %select_n3A_875 = arith.select %eq3A_873, %jit3A_874, %jit3A_871 : i32
        %rem3A_876 = arith.remsi %scan3A_843, %select_n3A_875 : i32
        %ne3A_877 = arith.constant 0 : i32
        %ne3A_878 = arith.cmpi ne, %rem3A_876, %ne3A_877 : i32
        %lt3A_879 = arith.constant 0 : i32
        %lt3A_880 = arith.cmpi slt, %rem3A_876, %lt3A_879 : i32
        %lt3A_881 = arith.constant 0 : i32
        %lt3A_882 = arith.cmpi slt, %select_n3A_875, %lt3A_881 : i32
        %ne3A_883 = arith.xori %lt3A_880, %lt3A_882 : i1
        %and3A_884 = arith.andi %ne3A_883, %ne3A_878 : i1
        %add3A_885 = arith.addi %rem3A_876, %select_n3A_875 : i32
        %select_n3A_886 = arith.select %and3A_884, %add3A_885, %rem3A_876 : i32
        %mul3A_887 = arith.constant 16 : i32
        %mul3A_888 = arith.muli %select_n3A_886, %mul3A_887 : i32
        %get3A_889 = arith.index_cast %add3A_870 : i32 to index
        %get3A_890 = arith.index_cast %mul3A_888 : i32 to index
        %get3A_891 = tpu.vector_load %arg12[%get3A_889, %get3A_890] {strides = array<i32>} : memref<256x128xi32, #tpu.memory_space<vmem>>, vector<16xi32>,
        %shift_right_logical3A_892 = arith.constant 7 : i32
        %shift_right_logical3A_893 = vector.broadcast %shift_right_logical3A_892 : i32 to vector<16xi32>
        %shift_right_logical3A_894 = arith.shrui %get3A_891, %shift_right_logical3A_893 : vector<16xi32>
        %add3A_895 = arith.addi %broadcast_in_dim3A_364, %shift_right_logical3A_894 : vector<16xi32>
        %and3A_896 = arith.constant 127 : i32
        %and3A_897 = vector.broadcast %and3A_896 : i32 to vector<16xi32>
        %and3A_898 = arith.andi %get3A_891, %and3A_897 : vector<16xi32>
        %gather3A_899 = tpu.vector_load_idx %arg11[%add3A_895, %and3A_898] : memref<256x128xf32, #tpu.memory_space<vmem>>[vector<16xi32>, vector<16xi32>], vector<16xf32>,
        %add3A_900 = arith.addf %add3A_841, %gather3A_899 : vector<16xf32>
        %scan3A_901 = arith.constant 2 : i32
        %scan3A_902 = arith.addi %scan3A_783, %scan3A_901 : i32
        %jit3A_903 = arith.constant 8 : i32
        %div3A_904 = arith.divsi %scan3A_902, %jit3A_903 : i32
        %sign3A_905 = arith.constant 0 : i32
        %sign3A_906 = arith.cmpi sgt, %scan3A_902, %sign3A_905 : i32
        %sign3A_907 = arith.extui %sign3A_906 : i1 to i32
        %sign3A_908 = arith.constant 0 : i32
        %sign3A_909 = arith.cmpi slt, %scan3A_902, %sign3A_908 : i32
        %sign3A_910 = arith.extui %sign3A_909 : i1 to i32
        %sign3A_911 = arith.subi %sign3A_907, %sign3A_910 : i32
        %sign3A_912 = arith.constant 0 : i32
        %sign3A_913 = arith.cmpi sgt, %jit3A_903, %sign3A_912 : i32
        %sign3A_914 = arith.extui %sign3A_913 : i1 to i32
        %sign3A_915 = arith.constant 0 : i32
        %sign3A_916 = arith.cmpi slt, %jit3A_903, %sign3A_915 : i32
        %sign3A_917 = arith.extui %sign3A_916 : i1 to i32
        %sign3A_918 = arith.subi %sign3A_914, %sign3A_917 : i32
        %ne3A_919 = arith.cmpi ne, %sign3A_911, %sign3A_918 : i32
        %rem3A_920 = arith.remsi %scan3A_902, %jit3A_903 : i32
        %ne3A_921 = arith.constant 0 : i32
        %ne3A_922 = arith.cmpi ne, %rem3A_920, %ne3A_921 : i32
        %and3A_923 = arith.andi %ne3A_919, %ne3A_922 : i1
        %sub3A_924 = arith.constant 1 : i32
        %sub3A_925 = arith.subi %div3A_904, %sub3A_924 : i32
        %select_n3A_926 = arith.select %and3A_923, %sub3A_925, %div3A_904 : i32
        %mul3A_927 = arith.constant 8 : i32
        %mul3A_928 = arith.muli %mul3A_927, %select_n3A_926 : i32
        %add3A_929 = arith.addi %add3A_398, %mul3A_928 : i32
        %jit3A_930 = arith.constant 8 : i32
        %eq3A_931 = arith.constant 0 : i32
        %eq3A_932 = arith.cmpi eq, %jit3A_930, %eq3A_931 : i32
        %jit3A_933 = arith.constant 1 : i32
        %select_n3A_934 = arith.select %eq3A_932, %jit3A_933, %jit3A_930 : i32
        %rem3A_935 = arith.remsi %scan3A_902, %select_n3A_934 : i32
        %ne3A_936 = arith.constant 0 : i32
        %ne3A_937 = arith.cmpi ne, %rem3A_935, %ne3A_936 : i32
        %lt3A_938 = arith.constant 0 : i32
        %lt3A_939 = arith.cmpi slt, %rem3A_935, %lt3A_938 : i32
        %lt3A_940 = arith.constant 0 : i32
        %lt3A_941 = arith.cmpi slt, %select_n3A_934, %lt3A_940 : i32
        %ne3A_942 = arith.xori %lt3A_939, %lt3A_941 : i1
        %and3A_943 = arith.andi %ne3A_942, %ne3A_937 : i1
        %add3A_944 = arith.addi %rem3A_935, %select_n3A_934 : i32
        %select_n3A_945 = arith.select %and3A_943, %add3A_944, %rem3A_935 : i32
        %mul3A_946 = arith.constant 16 : i32
        %mul3A_947 = arith.muli %select_n3A_945, %mul3A_946 : i32
        %get3A_948 = arith.index_cast %add3A_929 : i32 to index
        %get3A_949 = arith.index_cast %mul3A_947 : i32 to index
        %get3A_950 = tpu.vector_load %arg12[%get3A_948, %get3A_949] {strides = array<i32>} : memref<256x128xi32, #tpu.memory_space<vmem>>, vector<16xi32>,
        %shift_right_logical3A_951 = arith.constant 7 : i32
        %shift_right_logical3A_952 = vector.broadcast %shift_right_logical3A_951 : i32 to vector<16xi32>
        %shift_right_logical3A_953 = arith.shrui %get3A_950, %shift_right_logical3A_952 : vector<16xi32>
        %add3A_954 = arith.addi %broadcast_in_dim3A_364, %shift_right_logical3A_953 : vector<16xi32>
        %and3A_955 = arith.constant 127 : i32
        %and3A_956 = vector.broadcast %and3A_955 : i32 to vector<16xi32>
        %and3A_957 = arith.andi %get3A_950, %and3A_956 : vector<16xi32>
        %gather3A_958 = tpu.vector_load_idx %arg11[%add3A_954, %and3A_957] : memref<256x128xf32, #tpu.memory_space<vmem>>[vector<16xi32>, vector<16xi32>], vector<16xf32>,
        %add3A_959 = arith.addf %add3A_900, %gather3A_958 : vector<16xf32>
        %scan3A_960 = arith.constant 3 : i32
        %scan3A_961 = arith.addi %scan3A_783, %scan3A_960 : i32
        %jit3A_962 = arith.constant 8 : i32
        %div3A_963 = arith.divsi %scan3A_961, %jit3A_962 : i32
        %sign3A_964 = arith.constant 0 : i32
        %sign3A_965 = arith.cmpi sgt, %scan3A_961, %sign3A_964 : i32
        %sign3A_966 = arith.extui %sign3A_965 : i1 to i32
        %sign3A_967 = arith.constant 0 : i32
        %sign3A_968 = arith.cmpi slt, %scan3A_961, %sign3A_967 : i32
        %sign3A_969 = arith.extui %sign3A_968 : i1 to i32
        %sign3A_970 = arith.subi %sign3A_966, %sign3A_969 : i32
        %sign3A_971 = arith.constant 0 : i32
        %sign3A_972 = arith.cmpi sgt, %jit3A_962, %sign3A_971 : i32
        %sign3A_973 = arith.extui %sign3A_972 : i1 to i32
        %sign3A_974 = arith.constant 0 : i32
        %sign3A_975 = arith.cmpi slt, %jit3A_962, %sign3A_974 : i32
        %sign3A_976 = arith.extui %sign3A_975 : i1 to i32
        %sign3A_977 = arith.subi %sign3A_973, %sign3A_976 : i32
        %ne3A_978 = arith.cmpi ne, %sign3A_970, %sign3A_977 : i32
        %rem3A_979 = arith.remsi %scan3A_961, %jit3A_962 : i32
        %ne3A_980 = arith.constant 0 : i32
        %ne3A_981 = arith.cmpi ne, %rem3A_979, %ne3A_980 : i32
        %and3A_982 = arith.andi %ne3A_978, %ne3A_981 : i1
        %sub3A_983 = arith.constant 1 : i32
        %sub3A_984 = arith.subi %div3A_963, %sub3A_983 : i32
        %select_n3A_985 = arith.select %and3A_982, %sub3A_984, %div3A_963 : i32
        %mul3A_986 = arith.constant 8 : i32
        %mul3A_987 = arith.muli %mul3A_986, %select_n3A_985 : i32
        %add3A_988 = arith.addi %add3A_398, %mul3A_987 : i32
        %jit3A_989 = arith.constant 8 : i32
        %eq3A_990 = arith.constant 0 : i32
        %eq3A_991 = arith.cmpi eq, %jit3A_989, %eq3A_990 : i32
        %jit3A_992 = arith.constant 1 : i32
        %select_n3A_993 = arith.select %eq3A_991, %jit3A_992, %jit3A_989 : i32
        %rem3A_994 = arith.remsi %scan3A_961, %select_n3A_993 : i32
        %ne3A_995 = arith.constant 0 : i32
        %ne3A_996 = arith.cmpi ne, %rem3A_994, %ne3A_995 : i32
        %lt3A_997 = arith.constant 0 : i32
        %lt3A_998 = arith.cmpi slt, %rem3A_994, %lt3A_997 : i32
        %lt3A_999 = arith.constant 0 : i32
        %lt3A_1000 = arith.cmpi slt, %select_n3A_993, %lt3A_999 : i32
        %ne3A_1001 = arith.xori %lt3A_998, %lt3A_1000 : i1
        %and3A_1002 = arith.andi %ne3A_1001, %ne3A_996 : i1
        %add3A_1003 = arith.addi %rem3A_994, %select_n3A_993 : i32
        %select_n3A_1004 = arith.select %and3A_1002, %add3A_1003, %rem3A_994 : i32
        %mul3A_1005 = arith.constant 16 : i32
        %mul3A_1006 = arith.muli %select_n3A_1004, %mul3A_1005 : i32
        %get3A_1007 = arith.index_cast %add3A_988 : i32 to index
        %get3A_1008 = arith.index_cast %mul3A_1006 : i32 to index
        %get3A_1009 = tpu.vector_load %arg12[%get3A_1007, %get3A_1008] {strides = array<i32>} : memref<256x128xi32, #tpu.memory_space<vmem>>, vector<16xi32>,
        %shift_right_logical3A_1010 = arith.constant 7 : i32
        %shift_right_logical3A_1011 = vector.broadcast %shift_right_logical3A_1010 : i32 to vector<16xi32>
        %shift_right_logical3A_1012 = arith.shrui %get3A_1009, %shift_right_logical3A_1011 : vector<16xi32>
        %add3A_1013 = arith.addi %broadcast_in_dim3A_364, %shift_right_logical3A_1012 : vector<16xi32>
        %and3A_1014 = arith.constant 127 : i32
        %and3A_1015 = vector.broadcast %and3A_1014 : i32 to vector<16xi32>
        %and3A_1016 = arith.andi %get3A_1009, %and3A_1015 : vector<16xi32>
        %gather3A_1017 = tpu.vector_load_idx %arg11[%add3A_1013, %and3A_1016] : memref<256x128xf32, #tpu.memory_space<vmem>>[vector<16xi32>, vector<16xi32>], vector<16xf32>,
        %add3A_1018 = arith.addf %add3A_959, %gather3A_1017 : vector<16xf32>
        %scan3A_1019 = arith.constant 4 : i32
        %scan3A_1020 = arith.addi %scan3A_783, %scan3A_1019 : i32
        %jit3A_1021 = arith.constant 8 : i32
        %div3A_1022 = arith.divsi %scan3A_1020, %jit3A_1021 : i32
        %sign3A_1023 = arith.constant 0 : i32
        %sign3A_1024 = arith.cmpi sgt, %scan3A_1020, %sign3A_1023 : i32
        %sign3A_1025 = arith.extui %sign3A_1024 : i1 to i32
        %sign3A_1026 = arith.constant 0 : i32
        %sign3A_1027 = arith.cmpi slt, %scan3A_1020, %sign3A_1026 : i32
        %sign3A_1028 = arith.extui %sign3A_1027 : i1 to i32
        %sign3A_1029 = arith.subi %sign3A_1025, %sign3A_1028 : i32
        %sign3A_1030 = arith.constant 0 : i32
        %sign3A_1031 = arith.cmpi sgt, %jit3A_1021, %sign3A_1030 : i32
        %sign3A_1032 = arith.extui %sign3A_1031 : i1 to i32
        %sign3A_1033 = arith.constant 0 : i32
        %sign3A_1034 = arith.cmpi slt, %jit3A_1021, %sign3A_1033 : i32
        %sign3A_1035 = arith.extui %sign3A_1034 : i1 to i32
        %sign3A_1036 = arith.subi %sign3A_1032, %sign3A_1035 : i32
        %ne3A_1037 = arith.cmpi ne, %sign3A_1029, %sign3A_1036 : i32
        %rem3A_1038 = arith.remsi %scan3A_1020, %jit3A_1021 : i32
        %ne3A_1039 = arith.constant 0 : i32
        %ne3A_1040 = arith.cmpi ne, %rem3A_1038, %ne3A_1039 : i32
        %and3A_1041 = arith.andi %ne3A_1037, %ne3A_1040 : i1
        %sub3A_1042 = arith.constant 1 : i32
        %sub3A_1043 = arith.subi %div3A_1022, %sub3A_1042 : i32
        %select_n3A_1044 = arith.select %and3A_1041, %sub3A_1043, %div3A_1022 : i32
        %mul3A_1045 = arith.constant 8 : i32
        %mul3A_1046 = arith.muli %mul3A_1045, %select_n3A_1044 : i32
        %add3A_1047 = arith.addi %add3A_398, %mul3A_1046 : i32
        %jit3A_1048 = arith.constant 8 : i32
        %eq3A_1049 = arith.constant 0 : i32
        %eq3A_1050 = arith.cmpi eq, %jit3A_1048, %eq3A_1049 : i32
        %jit3A_1051 = arith.constant 1 : i32
        %select_n3A_1052 = arith.select %eq3A_1050, %jit3A_1051, %jit3A_1048 : i32
        %rem3A_1053 = arith.remsi %scan3A_1020, %select_n3A_1052 : i32
        %ne3A_1054 = arith.constant 0 : i32
        %ne3A_1055 = arith.cmpi ne, %rem3A_1053, %ne3A_1054 : i32
        %lt3A_1056 = arith.constant 0 : i32
        %lt3A_1057 = arith.cmpi slt, %rem3A_1053, %lt3A_1056 : i32
        %lt3A_1058 = arith.constant 0 : i32
        %lt3A_1059 = arith.cmpi slt, %select_n3A_1052, %lt3A_1058 : i32
        %ne3A_1060 = arith.xori %lt3A_1057, %lt3A_1059 : i1
        %and3A_1061 = arith.andi %ne3A_1060, %ne3A_1055 : i1
        %add3A_1062 = arith.addi %rem3A_1053, %select_n3A_1052 : i32
        %select_n3A_1063 = arith.select %and3A_1061, %add3A_1062, %rem3A_1053 : i32
        %mul3A_1064 = arith.constant 16 : i32
        %mul3A_1065 = arith.muli %select_n3A_1063, %mul3A_1064 : i32
        %get3A_1066 = arith.index_cast %add3A_1047 : i32 to index
        %get3A_1067 = arith.index_cast %mul3A_1065 : i32 to index
        %get3A_1068 = tpu.vector_load %arg12[%get3A_1066, %get3A_1067] {strides = array<i32>} : memref<256x128xi32, #tpu.memory_space<vmem>>, vector<16xi32>,
        %shift_right_logical3A_1069 = arith.constant 7 : i32
        %shift_right_logical3A_1070 = vector.broadcast %shift_right_logical3A_1069 : i32 to vector<16xi32>
        %shift_right_logical3A_1071 = arith.shrui %get3A_1068, %shift_right_logical3A_1070 : vector<16xi32>
        %add3A_1072 = arith.addi %broadcast_in_dim3A_364, %shift_right_logical3A_1071 : vector<16xi32>
        %and3A_1073 = arith.constant 127 : i32
        %and3A_1074 = vector.broadcast %and3A_1073 : i32 to vector<16xi32>
        %and3A_1075 = arith.andi %get3A_1068, %and3A_1074 : vector<16xi32>
        %gather3A_1076 = tpu.vector_load_idx %arg11[%add3A_1072, %and3A_1075] : memref<256x128xf32, #tpu.memory_space<vmem>>[vector<16xi32>, vector<16xi32>], vector<16xf32>,
        %add3A_1077 = arith.addf %add3A_1018, %gather3A_1076 : vector<16xf32>
        %scan3A_1078 = arith.constant 5 : i32
        %scan3A_1079 = arith.addi %scan3A_783, %scan3A_1078 : i32
        %jit3A_1080 = arith.constant 8 : i32
        %div3A_1081 = arith.divsi %scan3A_1079, %jit3A_1080 : i32
        %sign3A_1082 = arith.constant 0 : i32
        %sign3A_1083 = arith.cmpi sgt, %scan3A_1079, %sign3A_1082 : i32
        %sign3A_1084 = arith.extui %sign3A_1083 : i1 to i32
        %sign3A_1085 = arith.constant 0 : i32
        %sign3A_1086 = arith.cmpi slt, %scan3A_1079, %sign3A_1085 : i32
        %sign3A_1087 = arith.extui %sign3A_1086 : i1 to i32
        %sign3A_1088 = arith.subi %sign3A_1084, %sign3A_1087 : i32
        %sign3A_1089 = arith.constant 0 : i32
        %sign3A_1090 = arith.cmpi sgt, %jit3A_1080, %sign3A_1089 : i32
        %sign3A_1091 = arith.extui %sign3A_1090 : i1 to i32
        %sign3A_1092 = arith.constant 0 : i32
        %sign3A_1093 = arith.cmpi slt, %jit3A_1080, %sign3A_1092 : i32
        %sign3A_1094 = arith.extui %sign3A_1093 : i1 to i32
        %sign3A_1095 = arith.subi %sign3A_1091, %sign3A_1094 : i32
        %ne3A_1096 = arith.cmpi ne, %sign3A_1088, %sign3A_1095 : i32
        %rem3A_1097 = arith.remsi %scan3A_1079, %jit3A_1080 : i32
        %ne3A_1098 = arith.constant 0 : i32
        %ne3A_1099 = arith.cmpi ne, %rem3A_1097, %ne3A_1098 : i32
        %and3A_1100 = arith.andi %ne3A_1096, %ne3A_1099 : i1
        %sub3A_1101 = arith.constant 1 : i32
        %sub3A_1102 = arith.subi %div3A_1081, %sub3A_1101 : i32
        %select_n3A_1103 = arith.select %and3A_1100, %sub3A_1102, %div3A_1081 : i32
        %mul3A_1104 = arith.constant 8 : i32
        %mul3A_1105 = arith.muli %mul3A_1104, %select_n3A_1103 : i32
        %add3A_1106 = arith.addi %add3A_398, %mul3A_1105 : i32
        %jit3A_1107 = arith.constant 8 : i32
        %eq3A_1108 = arith.constant 0 : i32
        %eq3A_1109 = arith.cmpi eq, %jit3A_1107, %eq3A_1108 : i32
        %jit3A_1110 = arith.constant 1 : i32
        %select_n3A_1111 = arith.select %eq3A_1109, %jit3A_1110, %jit3A_1107 : i32
        %rem3A_1112 = arith.remsi %scan3A_1079, %select_n3A_1111 : i32
        %ne3A_1113 = arith.constant 0 : i32
        %ne3A_1114 = arith.cmpi ne, %rem3A_1112, %ne3A_1113 : i32
        %lt3A_1115 = arith.constant 0 : i32
        %lt3A_1116 = arith.cmpi slt, %rem3A_1112, %lt3A_1115 : i32
        %lt3A_1117 = arith.constant 0 : i32
        %lt3A_1118 = arith.cmpi slt, %select_n3A_1111, %lt3A_1117 : i32
        %ne3A_1119 = arith.xori %lt3A_1116, %lt3A_1118 : i1
        %and3A_1120 = arith.andi %ne3A_1119, %ne3A_1114 : i1
        %add3A_1121 = arith.addi %rem3A_1112, %select_n3A_1111 : i32
        %select_n3A_1122 = arith.select %and3A_1120, %add3A_1121, %rem3A_1112 : i32
        %mul3A_1123 = arith.constant 16 : i32
        %mul3A_1124 = arith.muli %select_n3A_1122, %mul3A_1123 : i32
        %get3A_1125 = arith.index_cast %add3A_1106 : i32 to index
        %get3A_1126 = arith.index_cast %mul3A_1124 : i32 to index
        %get3A_1127 = tpu.vector_load %arg12[%get3A_1125, %get3A_1126] {strides = array<i32>} : memref<256x128xi32, #tpu.memory_space<vmem>>, vector<16xi32>,
        %shift_right_logical3A_1128 = arith.constant 7 : i32
        %shift_right_logical3A_1129 = vector.broadcast %shift_right_logical3A_1128 : i32 to vector<16xi32>
        %shift_right_logical3A_1130 = arith.shrui %get3A_1127, %shift_right_logical3A_1129 : vector<16xi32>
        %add3A_1131 = arith.addi %broadcast_in_dim3A_364, %shift_right_logical3A_1130 : vector<16xi32>
        %and3A_1132 = arith.constant 127 : i32
        %and3A_1133 = vector.broadcast %and3A_1132 : i32 to vector<16xi32>
        %and3A_1134 = arith.andi %get3A_1127, %and3A_1133 : vector<16xi32>
        %gather3A_1135 = tpu.vector_load_idx %arg11[%add3A_1131, %and3A_1134] : memref<256x128xf32, #tpu.memory_space<vmem>>[vector<16xi32>, vector<16xi32>], vector<16xf32>,
        %add3A_1136 = arith.addf %add3A_1077, %gather3A_1135 : vector<16xf32>
        %scan3A_1137 = arith.constant 6 : i32
        %scan3A_1138 = arith.addi %scan3A_783, %scan3A_1137 : i32
        %jit3A_1139 = arith.constant 8 : i32
        %div3A_1140 = arith.divsi %scan3A_1138, %jit3A_1139 : i32
        %sign3A_1141 = arith.constant 0 : i32
        %sign3A_1142 = arith.cmpi sgt, %scan3A_1138, %sign3A_1141 : i32
        %sign3A_1143 = arith.extui %sign3A_1142 : i1 to i32
        %sign3A_1144 = arith.constant 0 : i32
        %sign3A_1145 = arith.cmpi slt, %scan3A_1138, %sign3A_1144 : i32
        %sign3A_1146 = arith.extui %sign3A_1145 : i1 to i32
        %sign3A_1147 = arith.subi %sign3A_1143, %sign3A_1146 : i32
        %sign3A_1148 = arith.constant 0 : i32
        %sign3A_1149 = arith.cmpi sgt, %jit3A_1139, %sign3A_1148 : i32
        %sign3A_1150 = arith.extui %sign3A_1149 : i1 to i32
        %sign3A_1151 = arith.constant 0 : i32
        %sign3A_1152 = arith.cmpi slt, %jit3A_1139, %sign3A_1151 : i32
        %sign3A_1153 = arith.extui %sign3A_1152 : i1 to i32
        %sign3A_1154 = arith.subi %sign3A_1150, %sign3A_1153 : i32
        %ne3A_1155 = arith.cmpi ne, %sign3A_1147, %sign3A_1154 : i32
        %rem3A_1156 = arith.remsi %scan3A_1138, %jit3A_1139 : i32
        %ne3A_1157 = arith.constant 0 : i32
        %ne3A_1158 = arith.cmpi ne, %rem3A_1156, %ne3A_1157 : i32
        %and3A_1159 = arith.andi %ne3A_1155, %ne3A_1158 : i1
        %sub3A_1160 = arith.constant 1 : i32
        %sub3A_1161 = arith.subi %div3A_1140, %sub3A_1160 : i32
        %select_n3A_1162 = arith.select %and3A_1159, %sub3A_1161, %div3A_1140 : i32
        %mul3A_1163 = arith.constant 8 : i32
        %mul3A_1164 = arith.muli %mul3A_1163, %select_n3A_1162 : i32
        %add3A_1165 = arith.addi %add3A_398, %mul3A_1164 : i32
        %jit3A_1166 = arith.constant 8 : i32
        %eq3A_1167 = arith.constant 0 : i32
        %eq3A_1168 = arith.cmpi eq, %jit3A_1166, %eq3A_1167 : i32
        %jit3A_1169 = arith.constant 1 : i32
        %select_n3A_1170 = arith.select %eq3A_1168, %jit3A_1169, %jit3A_1166 : i32
        %rem3A_1171 = arith.remsi %scan3A_1138, %select_n3A_1170 : i32
        %ne3A_1172 = arith.constant 0 : i32
        %ne3A_1173 = arith.cmpi ne, %rem3A_1171, %ne3A_1172 : i32
        %lt3A_1174 = arith.constant 0 : i32
        %lt3A_1175 = arith.cmpi slt, %rem3A_1171, %lt3A_1174 : i32
        %lt3A_1176 = arith.constant 0 : i32
        %lt3A_1177 = arith.cmpi slt, %select_n3A_1170, %lt3A_1176 : i32
        %ne3A_1178 = arith.xori %lt3A_1175, %lt3A_1177 : i1
        %and3A_1179 = arith.andi %ne3A_1178, %ne3A_1173 : i1
        %add3A_1180 = arith.addi %rem3A_1171, %select_n3A_1170 : i32
        %select_n3A_1181 = arith.select %and3A_1179, %add3A_1180, %rem3A_1171 : i32
        %mul3A_1182 = arith.constant 16 : i32
        %mul3A_1183 = arith.muli %select_n3A_1181, %mul3A_1182 : i32
        %get3A_1184 = arith.index_cast %add3A_1165 : i32 to index
        %get3A_1185 = arith.index_cast %mul3A_1183 : i32 to index
        %get3A_1186 = tpu.vector_load %arg12[%get3A_1184, %get3A_1185] {strides = array<i32>} : memref<256x128xi32, #tpu.memory_space<vmem>>, vector<16xi32>,
        %shift_right_logical3A_1187 = arith.constant 7 : i32
        %shift_right_logical3A_1188 = vector.broadcast %shift_right_logical3A_1187 : i32 to vector<16xi32>
        %shift_right_logical3A_1189 = arith.shrui %get3A_1186, %shift_right_logical3A_1188 : vector<16xi32>
        %add3A_1190 = arith.addi %broadcast_in_dim3A_364, %shift_right_logical3A_1189 : vector<16xi32>
        %and3A_1191 = arith.constant 127 : i32
        %and3A_1192 = vector.broadcast %and3A_1191 : i32 to vector<16xi32>
        %and3A_1193 = arith.andi %get3A_1186, %and3A_1192 : vector<16xi32>
        %gather3A_1194 = tpu.vector_load_idx %arg11[%add3A_1190, %and3A_1193] : memref<256x128xf32, #tpu.memory_space<vmem>>[vector<16xi32>, vector<16xi32>], vector<16xf32>,
        %add3A_1195 = arith.addf %add3A_1136, %gather3A_1194 : vector<16xf32>
        %scan3A_1196 = arith.constant 7 : i32
        %scan3A_1197 = arith.addi %scan3A_783, %scan3A_1196 : i32
        %jit3A_1198 = arith.constant 8 : i32
        %div3A_1199 = arith.divsi %scan3A_1197, %jit3A_1198 : i32
        %sign3A_1200 = arith.constant 0 : i32
        %sign3A_1201 = arith.cmpi sgt, %scan3A_1197, %sign3A_1200 : i32
        %sign3A_1202 = arith.extui %sign3A_1201 : i1 to i32
        %sign3A_1203 = arith.constant 0 : i32
        %sign3A_1204 = arith.cmpi slt, %scan3A_1197, %sign3A_1203 : i32
        %sign3A_1205 = arith.extui %sign3A_1204 : i1 to i32
        %sign3A_1206 = arith.subi %sign3A_1202, %sign3A_1205 : i32
        %sign3A_1207 = arith.constant 0 : i32
        %sign3A_1208 = arith.cmpi sgt, %jit3A_1198, %sign3A_1207 : i32
        %sign3A_1209 = arith.extui %sign3A_1208 : i1 to i32
        %sign3A_1210 = arith.constant 0 : i32
        %sign3A_1211 = arith.cmpi slt, %jit3A_1198, %sign3A_1210 : i32
        %sign3A_1212 = arith.extui %sign3A_1211 : i1 to i32
        %sign3A_1213 = arith.subi %sign3A_1209, %sign3A_1212 : i32
        %ne3A_1214 = arith.cmpi ne, %sign3A_1206, %sign3A_1213 : i32
        %rem3A_1215 = arith.remsi %scan3A_1197, %jit3A_1198 : i32
        %ne3A_1216 = arith.constant 0 : i32
        %ne3A_1217 = arith.cmpi ne, %rem3A_1215, %ne3A_1216 : i32
        %and3A_1218 = arith.andi %ne3A_1214, %ne3A_1217 : i1
        %sub3A_1219 = arith.constant 1 : i32
        %sub3A_1220 = arith.subi %div3A_1199, %sub3A_1219 : i32
        %select_n3A_1221 = arith.select %and3A_1218, %sub3A_1220, %div3A_1199 : i32
        %mul3A_1222 = arith.constant 8 : i32
        %mul3A_1223 = arith.muli %mul3A_1222, %select_n3A_1221 : i32
        %add3A_1224 = arith.addi %add3A_398, %mul3A_1223 : i32
        %jit3A_1225 = arith.constant 8 : i32
        %eq3A_1226 = arith.constant 0 : i32
        %eq3A_1227 = arith.cmpi eq, %jit3A_1225, %eq3A_1226 : i32
        %jit3A_1228 = arith.constant 1 : i32
        %select_n3A_1229 = arith.select %eq3A_1227, %jit3A_1228, %jit3A_1225 : i32
        %rem3A_1230 = arith.remsi %scan3A_1197, %select_n3A_1229 : i32
        %ne3A_1231 = arith.constant 0 : i32
        %ne3A_1232 = arith.cmpi ne, %rem3A_1230, %ne3A_1231 : i32
        %lt3A_1233 = arith.constant 0 : i32
        %lt3A_1234 = arith.cmpi slt, %rem3A_1230, %lt3A_1233 : i32
        %lt3A_1235 = arith.constant 0 : i32
        %lt3A_1236 = arith.cmpi slt, %select_n3A_1229, %lt3A_1235 : i32
        %ne3A_1237 = arith.xori %lt3A_1234, %lt3A_1236 : i1
        %and3A_1238 = arith.andi %ne3A_1237, %ne3A_1232 : i1
        %add3A_1239 = arith.addi %rem3A_1230, %select_n3A_1229 : i32
        %select_n3A_1240 = arith.select %and3A_1238, %add3A_1239, %rem3A_1230 : i32
        %mul3A_1241 = arith.constant 16 : i32
        %mul3A_1242 = arith.muli %select_n3A_1240, %mul3A_1241 : i32
        %get3A_1243 = arith.index_cast %add3A_1224 : i32 to index
        %get3A_1244 = arith.index_cast %mul3A_1242 : i32 to index
        %get3A_1245 = tpu.vector_load %arg12[%get3A_1243, %get3A_1244] {strides = array<i32>} : memref<256x128xi32, #tpu.memory_space<vmem>>, vector<16xi32>,
        %shift_right_logical3A_1246 = arith.constant 7 : i32
        %shift_right_logical3A_1247 = vector.broadcast %shift_right_logical3A_1246 : i32 to vector<16xi32>
        %shift_right_logical3A_1248 = arith.shrui %get3A_1245, %shift_right_logical3A_1247 : vector<16xi32>
        %add3A_1249 = arith.addi %broadcast_in_dim3A_364, %shift_right_logical3A_1248 : vector<16xi32>
        %and3A_1250 = arith.constant 127 : i32
        %and3A_1251 = vector.broadcast %and3A_1250 : i32 to vector<16xi32>
        %and3A_1252 = arith.andi %get3A_1245, %and3A_1251 : vector<16xi32>
        %gather3A_1253 = tpu.vector_load_idx %arg11[%add3A_1249, %and3A_1252] : memref<256x128xf32, #tpu.memory_space<vmem>>[vector<16xi32>, vector<16xi32>], vector<16xf32>,
        %add3A_1254 = arith.addf %add3A_1195, %gather3A_1253 : vector<16xf32>
        scf.yield %add3A_1254 : vector<16xf32>
      }
      %scan3A_406 = arith.constant 56 : i32
      %scan3A_407 = arith.addi %scan3A_401, %scan3A_406 : i32
      %jit3A_408 = arith.constant 8 : i32
      %div3A_409 = arith.divsi %scan3A_407, %jit3A_408 : i32
      %sign3A_410 = arith.constant 0 : i32
      %sign3A_411 = arith.cmpi sgt, %scan3A_407, %sign3A_410 : i32
      %sign3A_412 = arith.extui %sign3A_411 : i1 to i32
      %sign3A_413 = arith.constant 0 : i32
      %sign3A_414 = arith.cmpi slt, %scan3A_407, %sign3A_413 : i32
      %sign3A_415 = arith.extui %sign3A_414 : i1 to i32
      %sign3A_416 = arith.subi %sign3A_412, %sign3A_415 : i32
      %sign3A_417 = arith.constant 0 : i32
      %sign3A_418 = arith.cmpi sgt, %jit3A_408, %sign3A_417 : i32
      %sign3A_419 = arith.extui %sign3A_418 : i1 to i32
      %sign3A_420 = arith.constant 0 : i32
      %sign3A_421 = arith.cmpi slt, %jit3A_408, %sign3A_420 : i32
      %sign3A_422 = arith.extui %sign3A_421 : i1 to i32
      %sign3A_423 = arith.subi %sign3A_419, %sign3A_422 : i32
      %ne3A_424 = arith.cmpi ne, %sign3A_416, %sign3A_423 : i32
      %rem3A_425 = arith.remsi %scan3A_407, %jit3A_408 : i32
      %ne3A_426 = arith.constant 0 : i32
      %ne3A_427 = arith.cmpi ne, %rem3A_425, %ne3A_426 : i32
      %and3A_428 = arith.andi %ne3A_424, %ne3A_427 : i1
      %sub3A_429 = arith.constant 1 : i32
      %sub3A_430 = arith.subi %div3A_409, %sub3A_429 : i32
      %select_n3A_431 = arith.select %and3A_428, %sub3A_430, %div3A_409 : i32
      %mul3A_432 = arith.constant 8 : i32
      %mul3A_433 = arith.muli %mul3A_432, %select_n3A_431 : i32
      %add3A_434 = arith.addi %add3A_398, %mul3A_433 : i32
      %jit3A_435 = arith.constant 8 : i32
      %eq3A_436 = arith.constant 0 : i32
      %eq3A_437 = arith.cmpi eq, %jit3A_435, %eq3A_436 : i32
      %jit3A_438 = arith.constant 1 : i32
      %select_n3A_439 = arith.select %eq3A_437, %jit3A_438, %jit3A_435 : i32
      %rem3A_440 = arith.remsi %scan3A_407, %select_n3A_439 : i32
      %ne3A_441 = arith.constant 0 : i32
      %ne3A_442 = arith.cmpi ne, %rem3A_440, %ne3A_441 : i32
      %lt3A_443 = arith.constant 0 : i32
      %lt3A_444 = arith.cmpi slt, %rem3A_440, %lt3A_443 : i32
      %lt3A_445 = arith.constant 0 : i32
      %lt3A_446 = arith.cmpi slt, %select_n3A_439, %lt3A_445 : i32
      %ne3A_447 = arith.xori %lt3A_444, %lt3A_446 : i1
      %and3A_448 = arith.andi %ne3A_447, %ne3A_442 : i1
      %add3A_449 = arith.addi %rem3A_440, %select_n3A_439 : i32
      %select_n3A_450 = arith.select %and3A_448, %add3A_449, %rem3A_440 : i32
      %mul3A_451 = arith.constant 16 : i32
      %mul3A_452 = arith.muli %select_n3A_450, %mul3A_451 : i32
      %get3A_453 = arith.index_cast %add3A_434 : i32 to index
      %get3A_454 = arith.index_cast %mul3A_452 : i32 to index
      %get3A_455 = tpu.vector_load %arg12[%get3A_453, %get3A_454] {strides = array<i32>} : memref<256x128xi32, #tpu.memory_space<vmem>>, vector<16xi32>,
      %shift_right_logical3A_456 = arith.constant 7 : i32
      %shift_right_logical3A_457 = vector.broadcast %shift_right_logical3A_456 : i32 to vector<16xi32>
      %shift_right_logical3A_458 = arith.shrui %get3A_455, %shift_right_logical3A_457 : vector<16xi32>
      %add3A_459 = arith.addi %broadcast_in_dim3A_364, %shift_right_logical3A_458 : vector<16xi32>
      %and3A_460 = arith.constant 127 : i32
      %and3A_461 = vector.broadcast %and3A_460 : i32 to vector<16xi32>
      %and3A_462 = arith.andi %get3A_455, %and3A_461 : vector<16xi32>
      %gather3A_463 = tpu.vector_load_idx %arg11[%add3A_459, %and3A_462] : memref<256x128xf32, #tpu.memory_space<vmem>>[vector<16xi32>, vector<16xi32>], vector<16xf32>,
      %add3A_464 = arith.addf %scan3A_405, %gather3A_463 : vector<16xf32>
      %scan3A_465 = arith.constant 57 : i32
      %scan3A_466 = arith.addi %scan3A_401, %scan3A_465 : i32
      %jit3A_467 = arith.constant 8 : i32
      %div3A_468 = arith.divsi %scan3A_466, %jit3A_467 : i32
      %sign3A_469 = arith.constant 0 : i32
      %sign3A_470 = arith.cmpi sgt, %scan3A_466, %sign3A_469 : i32
      %sign3A_471 = arith.extui %sign3A_470 : i1 to i32
      %sign3A_472 = arith.constant 0 : i32
      %sign3A_473 = arith.cmpi slt, %scan3A_466, %sign3A_472 : i32
      %sign3A_474 = arith.extui %sign3A_473 : i1 to i32
      %sign3A_475 = arith.subi %sign3A_471, %sign3A_474 : i32
      %sign3A_476 = arith.constant 0 : i32
      %sign3A_477 = arith.cmpi sgt, %jit3A_467, %sign3A_476 : i32
      %sign3A_478 = arith.extui %sign3A_477 : i1 to i32
      %sign3A_479 = arith.constant 0 : i32
      %sign3A_480 = arith.cmpi slt, %jit3A_467, %sign3A_479 : i32
      %sign3A_481 = arith.extui %sign3A_480 : i1 to i32
      %sign3A_482 = arith.subi %sign3A_478, %sign3A_481 : i32
      %ne3A_483 = arith.cmpi ne, %sign3A_475, %sign3A_482 : i32
      %rem3A_484 = arith.remsi %scan3A_466, %jit3A_467 : i32
      %ne3A_485 = arith.constant 0 : i32
      %ne3A_486 = arith.cmpi ne, %rem3A_484, %ne3A_485 : i32
      %and3A_487 = arith.andi %ne3A_483, %ne3A_486 : i1
      %sub3A_488 = arith.constant 1 : i32
      %sub3A_489 = arith.subi %div3A_468, %sub3A_488 : i32
      %select_n3A_490 = arith.select %and3A_487, %sub3A_489, %div3A_468 : i32
      %mul3A_491 = arith.constant 8 : i32
      %mul3A_492 = arith.muli %mul3A_491, %select_n3A_490 : i32
      %add3A_493 = arith.addi %add3A_398, %mul3A_492 : i32
      %jit3A_494 = arith.constant 8 : i32
      %eq3A_495 = arith.constant 0 : i32
      %eq3A_496 = arith.cmpi eq, %jit3A_494, %eq3A_495 : i32
      %jit3A_497 = arith.constant 1 : i32
      %select_n3A_498 = arith.select %eq3A_496, %jit3A_497, %jit3A_494 : i32
      %rem3A_499 = arith.remsi %scan3A_466, %select_n3A_498 : i32
      %ne3A_500 = arith.constant 0 : i32
      %ne3A_501 = arith.cmpi ne, %rem3A_499, %ne3A_500 : i32
      %lt3A_502 = arith.constant 0 : i32
      %lt3A_503 = arith.cmpi slt, %rem3A_499, %lt3A_502 : i32
      %lt3A_504 = arith.constant 0 : i32
      %lt3A_505 = arith.cmpi slt, %select_n3A_498, %lt3A_504 : i32
      %ne3A_506 = arith.xori %lt3A_503, %lt3A_505 : i1
      %and3A_507 = arith.andi %ne3A_506, %ne3A_501 : i1
      %add3A_508 = arith.addi %rem3A_499, %select_n3A_498 : i32
      %select_n3A_509 = arith.select %and3A_507, %add3A_508, %rem3A_499 : i32
      %mul3A_510 = arith.constant 16 : i32
      %mul3A_511 = arith.muli %select_n3A_509, %mul3A_510 : i32
      %get3A_512 = arith.index_cast %add3A_493 : i32 to index
      %get3A_513 = arith.index_cast %mul3A_511 : i32 to index
      %get3A_514 = tpu.vector_load %arg12[%get3A_512, %get3A_513] {strides = array<i32>} : memref<256x128xi32, #tpu.memory_space<vmem>>, vector<16xi32>,
      %shift_right_logical3A_515 = arith.constant 7 : i32
      %shift_right_logical3A_516 = vector.broadcast %shift_right_logical3A_515 : i32 to vector<16xi32>
      %shift_right_logical3A_517 = arith.shrui %get3A_514, %shift_right_logical3A_516 : vector<16xi32>
      %add3A_518 = arith.addi %broadcast_in_dim3A_364, %shift_right_logical3A_517 : vector<16xi32>
      %and3A_519 = arith.constant 127 : i32
      %and3A_520 = vector.broadcast %and3A_519 : i32 to vector<16xi32>
      %and3A_521 = arith.andi %get3A_514, %and3A_520 : vector<16xi32>
      %gather3A_522 = tpu.vector_load_idx %arg11[%add3A_518, %and3A_521] : memref<256x128xf32, #tpu.memory_space<vmem>>[vector<16xi32>, vector<16xi32>], vector<16xf32>,
      %add3A_523 = arith.addf %add3A_464, %gather3A_522 : vector<16xf32>
      %scan3A_524 = arith.constant 58 : i32
      %scan3A_525 = arith.addi %scan3A_401, %scan3A_524 : i32
      %jit3A_526 = arith.constant 8 : i32
      %div3A_527 = arith.divsi %scan3A_525, %jit3A_526 : i32
      %sign3A_528 = arith.constant 0 : i32
      %sign3A_529 = arith.cmpi sgt, %scan3A_525, %sign3A_528 : i32
      %sign3A_530 = arith.extui %sign3A_529 : i1 to i32
      %sign3A_531 = arith.constant 0 : i32
      %sign3A_532 = arith.cmpi slt, %scan3A_525, %sign3A_531 : i32
      %sign3A_533 = arith.extui %sign3A_532 : i1 to i32
      %sign3A_534 = arith.subi %sign3A_530, %sign3A_533 : i32
      %sign3A_535 = arith.constant 0 : i32
      %sign3A_536 = arith.cmpi sgt, %jit3A_526, %sign3A_535 : i32
      %sign3A_537 = arith.extui %sign3A_536 : i1 to i32
      %sign3A_538 = arith.constant 0 : i32
      %sign3A_539 = arith.cmpi slt, %jit3A_526, %sign3A_538 : i32
      %sign3A_540 = arith.extui %sign3A_539 : i1 to i32
      %sign3A_541 = arith.subi %sign3A_537, %sign3A_540 : i32
      %ne3A_542 = arith.cmpi ne, %sign3A_534, %sign3A_541 : i32
      %rem3A_543 = arith.remsi %scan3A_525, %jit3A_526 : i32
      %ne3A_544 = arith.constant 0 : i32
      %ne3A_545 = arith.cmpi ne, %rem3A_543, %ne3A_544 : i32
      %and3A_546 = arith.andi %ne3A_542, %ne3A_545 : i1
      %sub3A_547 = arith.constant 1 : i32
      %sub3A_548 = arith.subi %div3A_527, %sub3A_547 : i32
      %select_n3A_549 = arith.select %and3A_546, %sub3A_548, %div3A_527 : i32
      %mul3A_550 = arith.constant 8 : i32
      %mul3A_551 = arith.muli %mul3A_550, %select_n3A_549 : i32
      %add3A_552 = arith.addi %add3A_398, %mul3A_551 : i32
      %jit3A_553 = arith.constant 8 : i32
      %eq3A_554 = arith.constant 0 : i32
      %eq3A_555 = arith.cmpi eq, %jit3A_553, %eq3A_554 : i32
      %jit3A_556 = arith.constant 1 : i32
      %select_n3A_557 = arith.select %eq3A_555, %jit3A_556, %jit3A_553 : i32
      %rem3A_558 = arith.remsi %scan3A_525, %select_n3A_557 : i32
      %ne3A_559 = arith.constant 0 : i32
      %ne3A_560 = arith.cmpi ne, %rem3A_558, %ne3A_559 : i32
      %lt3A_561 = arith.constant 0 : i32
      %lt3A_562 = arith.cmpi slt, %rem3A_558, %lt3A_561 : i32
      %lt3A_563 = arith.constant 0 : i32
      %lt3A_564 = arith.cmpi slt, %select_n3A_557, %lt3A_563 : i32
      %ne3A_565 = arith.xori %lt3A_562, %lt3A_564 : i1
      %and3A_566 = arith.andi %ne3A_565, %ne3A_560 : i1
      %add3A_567 = arith.addi %rem3A_558, %select_n3A_557 : i32
      %select_n3A_568 = arith.select %and3A_566, %add3A_567, %rem3A_558 : i32
      %mul3A_569 = arith.constant 16 : i32
      %mul3A_570 = arith.muli %select_n3A_568, %mul3A_569 : i32
      %get3A_571 = arith.index_cast %add3A_552 : i32 to index
      %get3A_572 = arith.index_cast %mul3A_570 : i32 to index
      %get3A_573 = tpu.vector_load %arg12[%get3A_571, %get3A_572] {strides = array<i32>} : memref<256x128xi32, #tpu.memory_space<vmem>>, vector<16xi32>,
      %shift_right_logical3A_574 = arith.constant 7 : i32
      %shift_right_logical3A_575 = vector.broadcast %shift_right_logical3A_574 : i32 to vector<16xi32>
      %shift_right_logical3A_576 = arith.shrui %get3A_573, %shift_right_logical3A_575 : vector<16xi32>
      %add3A_577 = arith.addi %broadcast_in_dim3A_364, %shift_right_logical3A_576 : vector<16xi32>
      %and3A_578 = arith.constant 127 : i32
      %and3A_579 = vector.broadcast %and3A_578 : i32 to vector<16xi32>
      %and3A_580 = arith.andi %get3A_573, %and3A_579 : vector<16xi32>
      %gather3A_581 = tpu.vector_load_idx %arg11[%add3A_577, %and3A_580] : memref<256x128xf32, #tpu.memory_space<vmem>>[vector<16xi32>, vector<16xi32>], vector<16xf32>,
      %add3A_582 = arith.addf %add3A_523, %gather3A_581 : vector<16xf32>
      %scan3A_583 = arith.constant 59 : i32
      %scan3A_584 = arith.addi %scan3A_401, %scan3A_583 : i32
      %jit3A_585 = arith.constant 8 : i32
      %div3A_586 = arith.divsi %scan3A_584, %jit3A_585 : i32
      %sign3A_587 = arith.constant 0 : i32
      %sign3A_588 = arith.cmpi sgt, %scan3A_584, %sign3A_587 : i32
      %sign3A_589 = arith.extui %sign3A_588 : i1 to i32
      %sign3A_590 = arith.constant 0 : i32
      %sign3A_591 = arith.cmpi slt, %scan3A_584, %sign3A_590 : i32
      %sign3A_592 = arith.extui %sign3A_591 : i1 to i32
      %sign3A_593 = arith.subi %sign3A_589, %sign3A_592 : i32
      %sign3A_594 = arith.constant 0 : i32
      %sign3A_595 = arith.cmpi sgt, %jit3A_585, %sign3A_594 : i32
      %sign3A_596 = arith.extui %sign3A_595 : i1 to i32
      %sign3A_597 = arith.constant 0 : i32
      %sign3A_598 = arith.cmpi slt, %jit3A_585, %sign3A_597 : i32
      %sign3A_599 = arith.extui %sign3A_598 : i1 to i32
      %sign3A_600 = arith.subi %sign3A_596, %sign3A_599 : i32
      %ne3A_601 = arith.cmpi ne, %sign3A_593, %sign3A_600 : i32
      %rem3A_602 = arith.remsi %scan3A_584, %jit3A_585 : i32
      %ne3A_603 = arith.constant 0 : i32
      %ne3A_604 = arith.cmpi ne, %rem3A_602, %ne3A_603 : i32
      %and3A_605 = arith.andi %ne3A_601, %ne3A_604 : i1
      %sub3A_606 = arith.constant 1 : i32
      %sub3A_607 = arith.subi %div3A_586, %sub3A_606 : i32
      %select_n3A_608 = arith.select %and3A_605, %sub3A_607, %div3A_586 : i32
      %mul3A_609 = arith.constant 8 : i32
      %mul3A_610 = arith.muli %mul3A_609, %select_n3A_608 : i32
      %add3A_611 = arith.addi %add3A_398, %mul3A_610 : i32
      %jit3A_612 = arith.constant 8 : i32
      %eq3A_613 = arith.constant 0 : i32
      %eq3A_614 = arith.cmpi eq, %jit3A_612, %eq3A_613 : i32
      %jit3A_615 = arith.constant 1 : i32
      %select_n3A_616 = arith.select %eq3A_614, %jit3A_615, %jit3A_612 : i32
      %rem3A_617 = arith.remsi %scan3A_584, %select_n3A_616 : i32
      %ne3A_618 = arith.constant 0 : i32
      %ne3A_619 = arith.cmpi ne, %rem3A_617, %ne3A_618 : i32
      %lt3A_620 = arith.constant 0 : i32
      %lt3A_621 = arith.cmpi slt, %rem3A_617, %lt3A_620 : i32
      %lt3A_622 = arith.constant 0 : i32
      %lt3A_623 = arith.cmpi slt, %select_n3A_616, %lt3A_622 : i32
      %ne3A_624 = arith.xori %lt3A_621, %lt3A_623 : i1
      %and3A_625 = arith.andi %ne3A_624, %ne3A_619 : i1
      %add3A_626 = arith.addi %rem3A_617, %select_n3A_616 : i32
      %select_n3A_627 = arith.select %and3A_625, %add3A_626, %rem3A_617 : i32
      %mul3A_628 = arith.constant 16 : i32
      %mul3A_629 = arith.muli %select_n3A_627, %mul3A_628 : i32
      %get3A_630 = arith.index_cast %add3A_611 : i32 to index
      %get3A_631 = arith.index_cast %mul3A_629 : i32 to index
      %get3A_632 = tpu.vector_load %arg12[%get3A_630, %get3A_631] {strides = array<i32>} : memref<256x128xi32, #tpu.memory_space<vmem>>, vector<16xi32>,
      %shift_right_logical3A_633 = arith.constant 7 : i32
      %shift_right_logical3A_634 = vector.broadcast %shift_right_logical3A_633 : i32 to vector<16xi32>
      %shift_right_logical3A_635 = arith.shrui %get3A_632, %shift_right_logical3A_634 : vector<16xi32>
      %add3A_636 = arith.addi %broadcast_in_dim3A_364, %shift_right_logical3A_635 : vector<16xi32>
      %and3A_637 = arith.constant 127 : i32
      %and3A_638 = vector.broadcast %and3A_637 : i32 to vector<16xi32>
      %and3A_639 = arith.andi %get3A_632, %and3A_638 : vector<16xi32>
      %gather3A_640 = tpu.vector_load_idx %arg11[%add3A_636, %and3A_639] : memref<256x128xf32, #tpu.memory_space<vmem>>[vector<16xi32>, vector<16xi32>], vector<16xf32>,
      %add3A_641 = arith.addf %add3A_582, %gather3A_640 : vector<16xf32>
      %scan3A_642 = arith.constant 60 : i32
      %scan3A_643 = arith.addi %scan3A_401, %scan3A_642 : i32
      %jit3A_644 = arith.constant 8 : i32
      %div3A_645 = arith.divsi %scan3A_643, %jit3A_644 : i32
      %sign3A_646 = arith.constant 0 : i32
      %sign3A_647 = arith.cmpi sgt, %scan3A_643, %sign3A_646 : i32
      %sign3A_648 = arith.extui %sign3A_647 : i1 to i32
      %sign3A_649 = arith.constant 0 : i32
      %sign3A_650 = arith.cmpi slt, %scan3A_643, %sign3A_649 : i32
      %sign3A_651 = arith.extui %sign3A_650 : i1 to i32
      %sign3A_652 = arith.subi %sign3A_648, %sign3A_651 : i32
      %sign3A_653 = arith.constant 0 : i32
      %sign3A_654 = arith.cmpi sgt, %jit3A_644, %sign3A_653 : i32
      %sign3A_655 = arith.extui %sign3A_654 : i1 to i32
      %sign3A_656 = arith.constant 0 : i32
      %sign3A_657 = arith.cmpi slt, %jit3A_644, %sign3A_656 : i32
      %sign3A_658 = arith.extui %sign3A_657 : i1 to i32
      %sign3A_659 = arith.subi %sign3A_655, %sign3A_658 : i32
      %ne3A_660 = arith.cmpi ne, %sign3A_652, %sign3A_659 : i32
      %rem3A_661 = arith.remsi %scan3A_643, %jit3A_644 : i32
      %ne3A_662 = arith.constant 0 : i32
      %ne3A_663 = arith.cmpi ne, %rem3A_661, %ne3A_662 : i32
      %and3A_664 = arith.andi %ne3A_660, %ne3A_663 : i1
      %sub3A_665 = arith.constant 1 : i32
      %sub3A_666 = arith.subi %div3A_645, %sub3A_665 : i32
      %select_n3A_667 = arith.select %and3A_664, %sub3A_666, %div3A_645 : i32
      %mul3A_668 = arith.constant 8 : i32
      %mul3A_669 = arith.muli %mul3A_668, %select_n3A_667 : i32
      %add3A_670 = arith.addi %add3A_398, %mul3A_669 : i32
      %jit3A_671 = arith.constant 8 : i32
      %eq3A_672 = arith.constant 0 : i32
      %eq3A_673 = arith.cmpi eq, %jit3A_671, %eq3A_672 : i32
      %jit3A_674 = arith.constant 1 : i32
      %select_n3A_675 = arith.select %eq3A_673, %jit3A_674, %jit3A_671 : i32
      %rem3A_676 = arith.remsi %scan3A_643, %select_n3A_675 : i32
      %ne3A_677 = arith.constant 0 : i32
      %ne3A_678 = arith.cmpi ne, %rem3A_676, %ne3A_677 : i32
      %lt3A_679 = arith.constant 0 : i32
      %lt3A_680 = arith.cmpi slt, %rem3A_676, %lt3A_679 : i32
      %lt3A_681 = arith.constant 0 : i32
      %lt3A_682 = arith.cmpi slt, %select_n3A_675, %lt3A_681 : i32
      %ne3A_683 = arith.xori %lt3A_680, %lt3A_682 : i1
      %and3A_684 = arith.andi %ne3A_683, %ne3A_678 : i1
      %add3A_685 = arith.addi %rem3A_676, %select_n3A_675 : i32
      %select_n3A_686 = arith.select %and3A_684, %add3A_685, %rem3A_676 : i32
      %mul3A_687 = arith.constant 16 : i32
      %mul3A_688 = arith.muli %select_n3A_686, %mul3A_687 : i32
      %get3A_689 = arith.index_cast %add3A_670 : i32 to index
      %get3A_690 = arith.index_cast %mul3A_688 : i32 to index
      %get3A_691 = tpu.vector_load %arg12[%get3A_689, %get3A_690] {strides = array<i32>} : memref<256x128xi32, #tpu.memory_space<vmem>>, vector<16xi32>,
      %shift_right_logical3A_692 = arith.constant 7 : i32
      %shift_right_logical3A_693 = vector.broadcast %shift_right_logical3A_692 : i32 to vector<16xi32>
      %shift_right_logical3A_694 = arith.shrui %get3A_691, %shift_right_logical3A_693 : vector<16xi32>
      %add3A_695 = arith.addi %broadcast_in_dim3A_364, %shift_right_logical3A_694 : vector<16xi32>
      %and3A_696 = arith.constant 127 : i32
      %and3A_697 = vector.broadcast %and3A_696 : i32 to vector<16xi32>
      %and3A_698 = arith.andi %get3A_691, %and3A_697 : vector<16xi32>
      %gather3A_699 = tpu.vector_load_idx %arg11[%add3A_695, %and3A_698] : memref<256x128xf32, #tpu.memory_space<vmem>>[vector<16xi32>, vector<16xi32>], vector<16xf32>,
      %add3A_700 = arith.addf %add3A_641, %gather3A_699 : vector<16xf32>
      %scan3A_701 = arith.constant 61 : i32
      %scan3A_702 = arith.addi %scan3A_401, %scan3A_701 : i32
      %jit3A_703 = arith.constant 8 : i32
      %div3A_704 = arith.divsi %scan3A_702, %jit3A_703 : i32
      %sign3A_705 = arith.constant 0 : i32
      %sign3A_706 = arith.cmpi sgt, %scan3A_702, %sign3A_705 : i32
      %sign3A_707 = arith.extui %sign3A_706 : i1 to i32
      %sign3A_708 = arith.constant 0 : i32
      %sign3A_709 = arith.cmpi slt, %scan3A_702, %sign3A_708 : i32
      %sign3A_710 = arith.extui %sign3A_709 : i1 to i32
      %sign3A_711 = arith.subi %sign3A_707, %sign3A_710 : i32
      %sign3A_712 = arith.constant 0 : i32
      %sign3A_713 = arith.cmpi sgt, %jit3A_703, %sign3A_712 : i32
      %sign3A_714 = arith.extui %sign3A_713 : i1 to i32
      %sign3A_715 = arith.constant 0 : i32
      %sign3A_716 = arith.cmpi slt, %jit3A_703, %sign3A_715 : i32
      %sign3A_717 = arith.extui %sign3A_716 : i1 to i32
      %sign3A_718 = arith.subi %sign3A_714, %sign3A_717 : i32
      %ne3A_719 = arith.cmpi ne, %sign3A_711, %sign3A_718 : i32
      %rem3A_720 = arith.remsi %scan3A_702, %jit3A_703 : i32
      %ne3A_721 = arith.constant 0 : i32
      %ne3A_722 = arith.cmpi ne, %rem3A_720, %ne3A_721 : i32
      %and3A_723 = arith.andi %ne3A_719, %ne3A_722 : i1
      %sub3A_724 = arith.constant 1 : i32
      %sub3A_725 = arith.subi %div3A_704, %sub3A_724 : i32
      %select_n3A_726 = arith.select %and3A_723, %sub3A_725, %div3A_704 : i32
      %mul3A_727 = arith.constant 8 : i32
      %mul3A_728 = arith.muli %mul3A_727, %select_n3A_726 : i32
      %add3A_729 = arith.addi %add3A_398, %mul3A_728 : i32
      %jit3A_730 = arith.constant 8 : i32
      %eq3A_731 = arith.constant 0 : i32
      %eq3A_732 = arith.cmpi eq, %jit3A_730, %eq3A_731 : i32
      %jit3A_733 = arith.constant 1 : i32
      %select_n3A_734 = arith.select %eq3A_732, %jit3A_733, %jit3A_730 : i32
      %rem3A_735 = arith.remsi %scan3A_702, %select_n3A_734 : i32
      %ne3A_736 = arith.constant 0 : i32
      %ne3A_737 = arith.cmpi ne, %rem3A_735, %ne3A_736 : i32
      %lt3A_738 = arith.constant 0 : i32
      %lt3A_739 = arith.cmpi slt, %rem3A_735, %lt3A_738 : i32
      %lt3A_740 = arith.constant 0 : i32
      %lt3A_741 = arith.cmpi slt, %select_n3A_734, %lt3A_740 : i32
      %ne3A_742 = arith.xori %lt3A_739, %lt3A_741 : i1
      %and3A_743 = arith.andi %ne3A_742, %ne3A_737 : i1
      %add3A_744 = arith.addi %rem3A_735, %select_n3A_734 : i32
      %select_n3A_745 = arith.select %and3A_743, %add3A_744, %rem3A_735 : i32
      %mul3A_746 = arith.constant 16 : i32
      %mul3A_747 = arith.muli %select_n3A_745, %mul3A_746 : i32
      %get3A_748 = arith.index_cast %add3A_729 : i32 to index
      %get3A_749 = arith.index_cast %mul3A_747 : i32 to index
      %get3A_750 = tpu.vector_load %arg12[%get3A_748, %get3A_749] {strides = array<i32>} : memref<256x128xi32, #tpu.memory_space<vmem>>, vector<16xi32>,
      %shift_right_logical3A_751 = arith.constant 7 : i32
      %shift_right_logical3A_752 = vector.broadcast %shift_right_logical3A_751 : i32 to vector<16xi32>
      %shift_right_logical3A_753 = arith.shrui %get3A_750, %shift_right_logical3A_752 : vector<16xi32>
      %add3A_754 = arith.addi %broadcast_in_dim3A_364, %shift_right_logical3A_753 : vector<16xi32>
      %and3A_755 = arith.constant 127 : i32
      %and3A_756 = vector.broadcast %and3A_755 : i32 to vector<16xi32>
      %and3A_757 = arith.andi %get3A_750, %and3A_756 : vector<16xi32>
      %gather3A_758 = tpu.vector_load_idx %arg11[%add3A_754, %and3A_757] : memref<256x128xf32, #tpu.memory_space<vmem>>[vector<16xi32>, vector<16xi32>], vector<16xf32>,
      %add3A_759 = arith.addf %add3A_700, %gather3A_758 : vector<16xf32>
      %scan3A_760 = arith.constant 62 : i32
      %add3A_761 = arith.constant 56 : i32
      %add3A_762 = arith.addi %add3A_398, %add3A_761 : i32
      %get3A_763 = arith.index_cast %add3A_762 : i32 to index
      %get3A_764 = arith.constant 88 : index
      %get3A_765 = tpu.vector_load %arg12[%get3A_763, %get3A_764] {strides = array<i32>} : memref<256x128xi32, #tpu.memory_space<vmem>>, vector<16xi32>,
      %shift_right_logical3A_766 = arith.constant 7 : i32
      %shift_right_logical3A_767 = vector.broadcast %shift_right_logical3A_766 : i32 to vector<16xi32>
      %shift_right_logical3A_768 = arith.shrui %get3A_765, %shift_right_logical3A_767 : vector<16xi32>
      %add3A_769 = arith.addi %broadcast_in_dim3A_364, %shift_right_logical3A_768 : vector<16xi32>
      %and3A_770 = arith.constant 127 : i32
      %and3A_771 = vector.broadcast %and3A_770 : i32 to vector<16xi32>
      %and3A_772 = arith.andi %get3A_765, %and3A_771 : vector<16xi32>
      %gather3A_773 = tpu.vector_load_idx %arg11[%add3A_769, %and3A_772] masked %ge3A_269 : memref<256x128xf32, #tpu.memory_space<vmem>>[vector<16xi32>, vector<16xi32>], vector<16xf32>, vector<16xi1>
      %jit3A_774 = arith.constant 0.000000e+00 : f32
      %broadcast_in_dim3A_775 = vector.broadcast %jit3A_774 : f32 to vector<16xf32>
      %select_n3A_776 = arith.select %ge3A_269, %gather3A_773, %broadcast_in_dim3A_775 : vector<16xi1>, vector<16xf32>
      %add3A_777 = arith.addf %add3A_759, %select_n3A_776 : vector<16xf32>
      %mul3A_778 = arith.constant 16 : i32
      %mul3A_779 = arith.muli %scan3A_360, %mul3A_778 : i32
      %swap3A_780 = arith.index_cast %mul3A_779 : i32 to index
      %swap3A_781 = tpu.vector_load %arg14[%swap3A_780] {strides = array<i32>} : memref<512xf32, #tpu.memory_space<vmem>>, vector<16xf32>,
      tpu.vector_store %arg14[%swap3A_780], %add3A_777 {strides = array<i32>} : memref<512xf32, #tpu.memory_space<vmem>>, vector<16xf32>,
      %scan3A_782 = arith.constant 0 : i32
      scf.yield %scan3A_782 : i32
    }
    %scan3A_294 = arith.constant 16 : i32
    %dma_wait3A_295 = arith.constant 128 : i32
    %dma_wait3A_296 = arith.constant 0 : i32
    %dma_wait3A_297 = tpu.memref_slice %arg12[%dma_wait3A_295, %dma_wait3A_296] : memref<256x128xi32, #tpu.memory_space<vmem>> -> memref<128x128xi32, #tpu.memory_space<vmem>>
    %dma_wait3A_298 = arith.constant 0 : i32
    %dma_wait3A_299 = tpu.memref_slice %arg4[%add3A_247, %dma_wait3A_298] : memref<8192x128xi32, #tpu.memory_space<hbm>> -> memref<128x128xi32, #tpu.memory_space<hbm>>
    %dma_wait3A_300 = arith.constant 128 : i32
    %dma_wait3A_301 = arith.constant 0 : i32
    %dma_wait3A_302 = tpu.memref_slice %arg12[%dma_wait3A_300, %dma_wait3A_301] : memref<256x128xi32, #tpu.memory_space<vmem>> -> memref<128x128xi32, #tpu.memory_space<vmem>>
    %dma_wait3A_303 = arith.constant 0 : i32
    %dma_wait3A_304 = tpu.memref_slice %arg4[%add3A_247, %dma_wait3A_303] : memref<8192x128xi32, #tpu.memory_space<hbm>> -> memref<128x128xi32, #tpu.memory_space<hbm>>
    tpu.wait_dma2 semaphore(%arg17 : memref<!tpu.dma_semaphore, #tpu.memory_space<semaphore_mem>>) src(%dma_wait3A_304 : memref<128x128xi32, #tpu.memory_space<hbm>>) dst(%dma_wait3A_302 : memref<128x128xi32, #tpu.memory_space<vmem>>)
    %dma_wait3A_305 = arith.constant 1 : i32
    %dma_wait3A_306 = arith.constant 128 : i32
    %dma_wait3A_307 = arith.constant 0 : i32
    %dma_wait3A_308 = tpu.memref_slice %arg11[%dma_wait3A_306, %dma_wait3A_307] : memref<256x128xf32, #tpu.memory_space<vmem>> -> memref<128x128xf32, #tpu.memory_space<vmem>>
    %dma_wait3A_309 = arith.constant 0 : i32
    %dma_wait3A_310 = tpu.memref_slice %arg10[%dma_wait3A_305, %dma_wait3A_309] : memref<2x128xi32, #tpu.memory_space<vmem>> -> memref<1x128xi32, #tpu.memory_space<vmem>>
    %dma_wait3A_311 = tpu.memref_squeeze %dma_wait3A_310 : memref<1x128xi32, #tpu.memory_space<vmem>> -> memref<128xi32, #tpu.memory_space<vmem>>
    %dma_wait3A_312 = arith.constant 0 : i32
    %dma_wait3A_313 = arith.constant 0 : i32
    %dma_wait3A_314 = tpu.memref_slice %arg2[%dma_wait3A_312, %dma_wait3A_313] : memref<8000x128xf32, #tpu.memory_space<hbm>> -> memref<8000x128xf32, #tpu.memory_space<hbm>>
    tpu.wait_indirect_dma semaphore(%arg16 : memref<!tpu.dma_semaphore, #tpu.memory_space<semaphore_mem>>) src(%dma_wait3A_314 : memref<8000x128xf32, #tpu.memory_space<hbm>>) dst(%dma_wait3A_308 : memref<128x128xf32, #tpu.memory_space<vmem>>)
    %scan3A_315 = arith.constant 0 : i32
    %scan3A_316 = arith.constant 16 : i32
    %scan3A_317 = arith.constant 16 : i32
    %scan3A_318 = arith.addi %scan3A_316, %scan3A_317 : i32
    %scan3A_319 = arith.constant 1 : i32
    %scan3A_320 = scf.for %scan3A_360 = %scan3A_316 to %scan3A_318 step %scan3A_319 iter_args(%scan3A_361 = %scan3A_315) -> (i32)  : i32 {
      %mul3A_362 = arith.constant 8 : i32
      %mul3A_363 = arith.muli %scan3A_360, %mul3A_362 : i32
      %broadcast_in_dim3A_364 = vector.broadcast %mul3A_363 : i32 to vector<16xi32>
      %jit3A = arith.constant 8 : i32
      %div3A = arith.divsi %scan3A_360, %jit3A : i32
      %sign3A = arith.constant 0 : i32
      %sign3A_365 = arith.cmpi sgt, %scan3A_360, %sign3A : i32
      %sign3A_366 = arith.extui %sign3A_365 : i1 to i32
      %sign3A_367 = arith.constant 0 : i32
      %sign3A_368 = arith.cmpi slt, %scan3A_360, %sign3A_367 : i32
      %sign3A_369 = arith.extui %sign3A_368 : i1 to i32
      %sign3A_370 = arith.subi %sign3A_366, %sign3A_369 : i32
      %sign3A_371 = arith.constant 0 : i32
      %sign3A_372 = arith.cmpi sgt, %jit3A, %sign3A_371 : i32
      %sign3A_373 = arith.extui %sign3A_372 : i1 to i32
      %sign3A_374 = arith.constant 0 : i32
      %sign3A_375 = arith.cmpi slt, %jit3A, %sign3A_374 : i32
      %sign3A_376 = arith.extui %sign3A_375 : i1 to i32
      %sign3A_377 = arith.subi %sign3A_373, %sign3A_376 : i32
      %ne3A = arith.cmpi ne, %sign3A_370, %sign3A_377 : i32
      %rem3A = arith.remsi %scan3A_360, %jit3A : i32
      %ne3A_378 = arith.constant 0 : i32
      %ne3A_379 = arith.cmpi ne, %rem3A, %ne3A_378 : i32
      %and3A_380 = arith.andi %ne3A, %ne3A_379 : i1
      %sub3A = arith.constant 1 : i32
      %sub3A_381 = arith.subi %div3A, %sub3A : i32
      %select_n3A = arith.select %and3A_380, %sub3A_381, %div3A : i32
      %mul3A_382 = arith.constant 64 : i32
      %mul3A_383 = arith.muli %select_n3A, %mul3A_382 : i32
      %jit3A_384 = arith.constant 8 : i32
      %eq3A = arith.constant 0 : i32
      %eq3A_385 = arith.cmpi eq, %jit3A_384, %eq3A : i32
      %jit3A_386 = arith.constant 1 : i32
      %select_n3A_387 = arith.select %eq3A_385, %jit3A_386, %jit3A_384 : i32
      %rem3A_388 = arith.remsi %scan3A_360, %select_n3A_387 : i32
      %ne3A_389 = arith.constant 0 : i32
      %ne3A_390 = arith.cmpi ne, %rem3A_388, %ne3A_389 : i32
      %lt3A = arith.constant 0 : i32
      %lt3A_391 = arith.cmpi slt, %rem3A_388, %lt3A : i32
      %lt3A_392 = arith.constant 0 : i32
      %lt3A_393 = arith.cmpi slt, %select_n3A_387, %lt3A_392 : i32
      %ne3A_394 = arith.xori %lt3A_391, %lt3A_393 : i1
      %and3A_395 = arith.andi %ne3A_394, %ne3A_390 : i1
      %add3A_396 = arith.addi %rem3A_388, %select_n3A_387 : i32
      %select_n3A_397 = arith.select %and3A_395, %add3A_396, %rem3A_388 : i32
      %add3A_398 = arith.addi %mul3A_383, %select_n3A_397 : i32
      %broadcast_in_dim3A_399 = arith.constant 0.000000e+00 : f32
      %broadcast_in_dim3A_400 = vector.broadcast %broadcast_in_dim3A_399 : f32 to vector<16xf32>
      %scan3A_401 = arith.constant 0 : i32
      %scan3A_402 = arith.constant 56 : i32
      %scan3A_403 = arith.addi %scan3A_401, %scan3A_402 : i32
      %scan3A_404 = arith.constant 8 : i32
      %scan3A_405 = scf.for %scan3A_783 = %scan3A_401 to %scan3A_403 step %scan3A_404 iter_args(%scan3A_784 = %broadcast_in_dim3A_400) -> (vector<16xf32>)  : i32 {
        %jit3A_785 = arith.constant 8 : i32
        %div3A_786 = arith.divsi %scan3A_783, %jit3A_785 : i32
        %sign3A_787 = arith.constant 0 : i32
        %sign3A_788 = arith.cmpi sgt, %scan3A_783, %sign3A_787 : i32
        %sign3A_789 = arith.extui %sign3A_788 : i1 to i32
        %sign3A_790 = arith.constant 0 : i32
        %sign3A_791 = arith.cmpi slt, %scan3A_783, %sign3A_790 : i32
        %sign3A_792 = arith.extui %sign3A_791 : i1 to i32
        %sign3A_793 = arith.subi %sign3A_789, %sign3A_792 : i32
        %sign3A_794 = arith.constant 0 : i32
        %sign3A_795 = arith.cmpi sgt, %jit3A_785, %sign3A_794 : i32
        %sign3A_796 = arith.extui %sign3A_795 : i1 to i32
        %sign3A_797 = arith.constant 0 : i32
        %sign3A_798 = arith.cmpi slt, %jit3A_785, %sign3A_797 : i32
        %sign3A_799 = arith.extui %sign3A_798 : i1 to i32
        %sign3A_800 = arith.subi %sign3A_796, %sign3A_799 : i32
        %ne3A_801 = arith.cmpi ne, %sign3A_793, %sign3A_800 : i32
        %rem3A_802 = arith.remsi %scan3A_783, %jit3A_785 : i32
        %ne3A_803 = arith.constant 0 : i32
        %ne3A_804 = arith.cmpi ne, %rem3A_802, %ne3A_803 : i32
        %and3A_805 = arith.andi %ne3A_801, %ne3A_804 : i1
        %sub3A_806 = arith.constant 1 : i32
        %sub3A_807 = arith.subi %div3A_786, %sub3A_806 : i32
        %select_n3A_808 = arith.select %and3A_805, %sub3A_807, %div3A_786 : i32
        %mul3A_809 = arith.constant 8 : i32
        %mul3A_810 = arith.muli %mul3A_809, %select_n3A_808 : i32
        %add3A_811 = arith.addi %add3A_398, %mul3A_810 : i32
        %jit3A_812 = arith.constant 8 : i32
        %eq3A_813 = arith.constant 0 : i32
        %eq3A_814 = arith.cmpi eq, %jit3A_812, %eq3A_813 : i32
        %jit3A_815 = arith.constant 1 : i32
        %select_n3A_816 = arith.select %eq3A_814, %jit3A_815, %jit3A_812 : i32
        %rem3A_817 = arith.remsi %scan3A_783, %select_n3A_816 : i32
        %ne3A_818 = arith.constant 0 : i32
        %ne3A_819 = arith.cmpi ne, %rem3A_817, %ne3A_818 : i32
        %lt3A_820 = arith.constant 0 : i32
        %lt3A_821 = arith.cmpi slt, %rem3A_817, %lt3A_820 : i32
        %lt3A_822 = arith.constant 0 : i32
        %lt3A_823 = arith.cmpi slt, %select_n3A_816, %lt3A_822 : i32
        %ne3A_824 = arith.xori %lt3A_821, %lt3A_823 : i1
        %and3A_825 = arith.andi %ne3A_824, %ne3A_819 : i1
        %add3A_826 = arith.addi %rem3A_817, %select_n3A_816 : i32
        %select_n3A_827 = arith.select %and3A_825, %add3A_826, %rem3A_817 : i32
        %mul3A_828 = arith.constant 16 : i32
        %mul3A_829 = arith.muli %select_n3A_827, %mul3A_828 : i32
        %get3A_830 = arith.index_cast %add3A_811 : i32 to index
        %get3A_831 = arith.index_cast %mul3A_829 : i32 to index
        %get3A_832 = tpu.vector_load %arg12[%get3A_830, %get3A_831] {strides = array<i32>} : memref<256x128xi32, #tpu.memory_space<vmem>>, vector<16xi32>,
        %shift_right_logical3A_833 = arith.constant 7 : i32
        %shift_right_logical3A_834 = vector.broadcast %shift_right_logical3A_833 : i32 to vector<16xi32>
        %shift_right_logical3A_835 = arith.shrui %get3A_832, %shift_right_logical3A_834 : vector<16xi32>
        %add3A_836 = arith.addi %broadcast_in_dim3A_364, %shift_right_logical3A_835 : vector<16xi32>
        %and3A_837 = arith.constant 127 : i32
        %and3A_838 = vector.broadcast %and3A_837 : i32 to vector<16xi32>
        %and3A_839 = arith.andi %get3A_832, %and3A_838 : vector<16xi32>
        %gather3A_840 = tpu.vector_load_idx %arg11[%add3A_836, %and3A_839] : memref<256x128xf32, #tpu.memory_space<vmem>>[vector<16xi32>, vector<16xi32>], vector<16xf32>,
        %add3A_841 = arith.addf %scan3A_784, %gather3A_840 : vector<16xf32>
        %scan3A_842 = arith.constant 1 : i32
        %scan3A_843 = arith.addi %scan3A_783, %scan3A_842 : i32
        %jit3A_844 = arith.constant 8 : i32
        %div3A_845 = arith.divsi %scan3A_843, %jit3A_844 : i32
        %sign3A_846 = arith.constant 0 : i32
        %sign3A_847 = arith.cmpi sgt, %scan3A_843, %sign3A_846 : i32
        %sign3A_848 = arith.extui %sign3A_847 : i1 to i32
        %sign3A_849 = arith.constant 0 : i32
        %sign3A_850 = arith.cmpi slt, %scan3A_843, %sign3A_849 : i32
        %sign3A_851 = arith.extui %sign3A_850 : i1 to i32
        %sign3A_852 = arith.subi %sign3A_848, %sign3A_851 : i32
        %sign3A_853 = arith.constant 0 : i32
        %sign3A_854 = arith.cmpi sgt, %jit3A_844, %sign3A_853 : i32
        %sign3A_855 = arith.extui %sign3A_854 : i1 to i32
        %sign3A_856 = arith.constant 0 : i32
        %sign3A_857 = arith.cmpi slt, %jit3A_844, %sign3A_856 : i32
        %sign3A_858 = arith.extui %sign3A_857 : i1 to i32
        %sign3A_859 = arith.subi %sign3A_855, %sign3A_858 : i32
        %ne3A_860 = arith.cmpi ne, %sign3A_852, %sign3A_859 : i32
        %rem3A_861 = arith.remsi %scan3A_843, %jit3A_844 : i32
        %ne3A_862 = arith.constant 0 : i32
        %ne3A_863 = arith.cmpi ne, %rem3A_861, %ne3A_862 : i32
        %and3A_864 = arith.andi %ne3A_860, %ne3A_863 : i1
        %sub3A_865 = arith.constant 1 : i32
        %sub3A_866 = arith.subi %div3A_845, %sub3A_865 : i32
        %select_n3A_867 = arith.select %and3A_864, %sub3A_866, %div3A_845 : i32
        %mul3A_868 = arith.constant 8 : i32
        %mul3A_869 = arith.muli %mul3A_868, %select_n3A_867 : i32
        %add3A_870 = arith.addi %add3A_398, %mul3A_869 : i32
        %jit3A_871 = arith.constant 8 : i32
        %eq3A_872 = arith.constant 0 : i32
        %eq3A_873 = arith.cmpi eq, %jit3A_871, %eq3A_872 : i32
        %jit3A_874 = arith.constant 1 : i32
        %select_n3A_875 = arith.select %eq3A_873, %jit3A_874, %jit3A_871 : i32
        %rem3A_876 = arith.remsi %scan3A_843, %select_n3A_875 : i32
        %ne3A_877 = arith.constant 0 : i32
        %ne3A_878 = arith.cmpi ne, %rem3A_876, %ne3A_877 : i32
        %lt3A_879 = arith.constant 0 : i32
        %lt3A_880 = arith.cmpi slt, %rem3A_876, %lt3A_879 : i32
        %lt3A_881 = arith.constant 0 : i32
        %lt3A_882 = arith.cmpi slt, %select_n3A_875, %lt3A_881 : i32
        %ne3A_883 = arith.xori %lt3A_880, %lt3A_882 : i1
        %and3A_884 = arith.andi %ne3A_883, %ne3A_878 : i1
        %add3A_885 = arith.addi %rem3A_876, %select_n3A_875 : i32
        %select_n3A_886 = arith.select %and3A_884, %add3A_885, %rem3A_876 : i32
        %mul3A_887 = arith.constant 16 : i32
        %mul3A_888 = arith.muli %select_n3A_886, %mul3A_887 : i32
        %get3A_889 = arith.index_cast %add3A_870 : i32 to index
        %get3A_890 = arith.index_cast %mul3A_888 : i32 to index
        %get3A_891 = tpu.vector_load %arg12[%get3A_889, %get3A_890] {strides = array<i32>} : memref<256x128xi32, #tpu.memory_space<vmem>>, vector<16xi32>,
        %shift_right_logical3A_892 = arith.constant 7 : i32
        %shift_right_logical3A_893 = vector.broadcast %shift_right_logical3A_892 : i32 to vector<16xi32>
        %shift_right_logical3A_894 = arith.shrui %get3A_891, %shift_right_logical3A_893 : vector<16xi32>
        %add3A_895 = arith.addi %broadcast_in_dim3A_364, %shift_right_logical3A_894 : vector<16xi32>
        %and3A_896 = arith.constant 127 : i32
        %and3A_897 = vector.broadcast %and3A_896 : i32 to vector<16xi32>
        %and3A_898 = arith.andi %get3A_891, %and3A_897 : vector<16xi32>
        %gather3A_899 = tpu.vector_load_idx %arg11[%add3A_895, %and3A_898] : memref<256x128xf32, #tpu.memory_space<vmem>>[vector<16xi32>, vector<16xi32>], vector<16xf32>,
        %add3A_900 = arith.addf %add3A_841, %gather3A_899 : vector<16xf32>
        %scan3A_901 = arith.constant 2 : i32
        %scan3A_902 = arith.addi %scan3A_783, %scan3A_901 : i32
        %jit3A_903 = arith.constant 8 : i32
        %div3A_904 = arith.divsi %scan3A_902, %jit3A_903 : i32
        %sign3A_905 = arith.constant 0 : i32
        %sign3A_906 = arith.cmpi sgt, %scan3A_902, %sign3A_905 : i32
        %sign3A_907 = arith.extui %sign3A_906 : i1 to i32
        %sign3A_908 = arith.constant 0 : i32
        %sign3A_909 = arith.cmpi slt, %scan3A_902, %sign3A_908 : i32
        %sign3A_910 = arith.extui %sign3A_909 : i1 to i32
        %sign3A_911 = arith.subi %sign3A_907, %sign3A_910 : i32
        %sign3A_912 = arith.constant 0 : i32
        %sign3A_913 = arith.cmpi sgt, %jit3A_903, %sign3A_912 : i32
        %sign3A_914 = arith.extui %sign3A_913 : i1 to i32
        %sign3A_915 = arith.constant 0 : i32
        %sign3A_916 = arith.cmpi slt, %jit3A_903, %sign3A_915 : i32
        %sign3A_917 = arith.extui %sign3A_916 : i1 to i32
        %sign3A_918 = arith.subi %sign3A_914, %sign3A_917 : i32
        %ne3A_919 = arith.cmpi ne, %sign3A_911, %sign3A_918 : i32
        %rem3A_920 = arith.remsi %scan3A_902, %jit3A_903 : i32
        %ne3A_921 = arith.constant 0 : i32
        %ne3A_922 = arith.cmpi ne, %rem3A_920, %ne3A_921 : i32
        %and3A_923 = arith.andi %ne3A_919, %ne3A_922 : i1
        %sub3A_924 = arith.constant 1 : i32
        %sub3A_925 = arith.subi %div3A_904, %sub3A_924 : i32
        %select_n3A_926 = arith.select %and3A_923, %sub3A_925, %div3A_904 : i32
        %mul3A_927 = arith.constant 8 : i32
        %mul3A_928 = arith.muli %mul3A_927, %select_n3A_926 : i32
        %add3A_929 = arith.addi %add3A_398, %mul3A_928 : i32
        %jit3A_930 = arith.constant 8 : i32
        %eq3A_931 = arith.constant 0 : i32
        %eq3A_932 = arith.cmpi eq, %jit3A_930, %eq3A_931 : i32
        %jit3A_933 = arith.constant 1 : i32
        %select_n3A_934 = arith.select %eq3A_932, %jit3A_933, %jit3A_930 : i32
        %rem3A_935 = arith.remsi %scan3A_902, %select_n3A_934 : i32
        %ne3A_936 = arith.constant 0 : i32
        %ne3A_937 = arith.cmpi ne, %rem3A_935, %ne3A_936 : i32
        %lt3A_938 = arith.constant 0 : i32
        %lt3A_939 = arith.cmpi slt, %rem3A_935, %lt3A_938 : i32
        %lt3A_940 = arith.constant 0 : i32
        %lt3A_941 = arith.cmpi slt, %select_n3A_934, %lt3A_940 : i32
        %ne3A_942 = arith.xori %lt3A_939, %lt3A_941 : i1
        %and3A_943 = arith.andi %ne3A_942, %ne3A_937 : i1
        %add3A_944 = arith.addi %rem3A_935, %select_n3A_934 : i32
        %select_n3A_945 = arith.select %and3A_943, %add3A_944, %rem3A_935 : i32
        %mul3A_946 = arith.constant 16 : i32
        %mul3A_947 = arith.muli %select_n3A_945, %mul3A_946 : i32
        %get3A_948 = arith.index_cast %add3A_929 : i32 to index
        %get3A_949 = arith.index_cast %mul3A_947 : i32 to index
        %get3A_950 = tpu.vector_load %arg12[%get3A_948, %get3A_949] {strides = array<i32>} : memref<256x128xi32, #tpu.memory_space<vmem>>, vector<16xi32>,
        %shift_right_logical3A_951 = arith.constant 7 : i32
        %shift_right_logical3A_952 = vector.broadcast %shift_right_logical3A_951 : i32 to vector<16xi32>
        %shift_right_logical3A_953 = arith.shrui %get3A_950, %shift_right_logical3A_952 : vector<16xi32>
        %add3A_954 = arith.addi %broadcast_in_dim3A_364, %shift_right_logical3A_953 : vector<16xi32>
        %and3A_955 = arith.constant 127 : i32
        %and3A_956 = vector.broadcast %and3A_955 : i32 to vector<16xi32>
        %and3A_957 = arith.andi %get3A_950, %and3A_956 : vector<16xi32>
        %gather3A_958 = tpu.vector_load_idx %arg11[%add3A_954, %and3A_957] : memref<256x128xf32, #tpu.memory_space<vmem>>[vector<16xi32>, vector<16xi32>], vector<16xf32>,
        %add3A_959 = arith.addf %add3A_900, %gather3A_958 : vector<16xf32>
        %scan3A_960 = arith.constant 3 : i32
        %scan3A_961 = arith.addi %scan3A_783, %scan3A_960 : i32
        %jit3A_962 = arith.constant 8 : i32
        %div3A_963 = arith.divsi %scan3A_961, %jit3A_962 : i32
        %sign3A_964 = arith.constant 0 : i32
        %sign3A_965 = arith.cmpi sgt, %scan3A_961, %sign3A_964 : i32
        %sign3A_966 = arith.extui %sign3A_965 : i1 to i32
        %sign3A_967 = arith.constant 0 : i32
        %sign3A_968 = arith.cmpi slt, %scan3A_961, %sign3A_967 : i32
        %sign3A_969 = arith.extui %sign3A_968 : i1 to i32
        %sign3A_970 = arith.subi %sign3A_966, %sign3A_969 : i32
        %sign3A_971 = arith.constant 0 : i32
        %sign3A_972 = arith.cmpi sgt, %jit3A_962, %sign3A_971 : i32
        %sign3A_973 = arith.extui %sign3A_972 : i1 to i32
        %sign3A_974 = arith.constant 0 : i32
        %sign3A_975 = arith.cmpi slt, %jit3A_962, %sign3A_974 : i32
        %sign3A_976 = arith.extui %sign3A_975 : i1 to i32
        %sign3A_977 = arith.subi %sign3A_973, %sign3A_976 : i32
        %ne3A_978 = arith.cmpi ne, %sign3A_970, %sign3A_977 : i32
        %rem3A_979 = arith.remsi %scan3A_961, %jit3A_962 : i32
        %ne3A_980 = arith.constant 0 : i32
        %ne3A_981 = arith.cmpi ne, %rem3A_979, %ne3A_980 : i32
        %and3A_982 = arith.andi %ne3A_978, %ne3A_981 : i1
        %sub3A_983 = arith.constant 1 : i32
        %sub3A_984 = arith.subi %div3A_963, %sub3A_983 : i32
        %select_n3A_985 = arith.select %and3A_982, %sub3A_984, %div3A_963 : i32
        %mul3A_986 = arith.constant 8 : i32
        %mul3A_987 = arith.muli %mul3A_986, %select_n3A_985 : i32
        %add3A_988 = arith.addi %add3A_398, %mul3A_987 : i32
        %jit3A_989 = arith.constant 8 : i32
        %eq3A_990 = arith.constant 0 : i32
        %eq3A_991 = arith.cmpi eq, %jit3A_989, %eq3A_990 : i32
        %jit3A_992 = arith.constant 1 : i32
        %select_n3A_993 = arith.select %eq3A_991, %jit3A_992, %jit3A_989 : i32
        %rem3A_994 = arith.remsi %scan3A_961, %select_n3A_993 : i32
        %ne3A_995 = arith.constant 0 : i32
        %ne3A_996 = arith.cmpi ne, %rem3A_994, %ne3A_995 : i32
        %lt3A_997 = arith.constant 0 : i32
        %lt3A_998 = arith.cmpi slt, %rem3A_994, %lt3A_997 : i32
        %lt3A_999 = arith.constant 0 : i32
        %lt3A_1000 = arith.cmpi slt, %select_n3A_993, %lt3A_999 : i32
        %ne3A_1001 = arith.xori %lt3A_998, %lt3A_1000 : i1
        %and3A_1002 = arith.andi %ne3A_1001, %ne3A_996 : i1
        %add3A_1003 = arith.addi %rem3A_994, %select_n3A_993 : i32
        %select_n3A_1004 = arith.select %and3A_1002, %add3A_1003, %rem3A_994 : i32
        %mul3A_1005 = arith.constant 16 : i32
        %mul3A_1006 = arith.muli %select_n3A_1004, %mul3A_1005 : i32
        %get3A_1007 = arith.index_cast %add3A_988 : i32 to index
        %get3A_1008 = arith.index_cast %mul3A_1006 : i32 to index
        %get3A_1009 = tpu.vector_load %arg12[%get3A_1007, %get3A_1008] {strides = array<i32>} : memref<256x128xi32, #tpu.memory_space<vmem>>, vector<16xi32>,
        %shift_right_logical3A_1010 = arith.constant 7 : i32
        %shift_right_logical3A_1011 = vector.broadcast %shift_right_logical3A_1010 : i32 to vector<16xi32>
        %shift_right_logical3A_1012 = arith.shrui %get3A_1009, %shift_right_logical3A_1011 : vector<16xi32>
        %add3A_1013 = arith.addi %broadcast_in_dim3A_364, %shift_right_logical3A_1012 : vector<16xi32>
        %and3A_1014 = arith.constant 127 : i32
        %and3A_1015 = vector.broadcast %and3A_1014 : i32 to vector<16xi32>
        %and3A_1016 = arith.andi %get3A_1009, %and3A_1015 : vector<16xi32>
        %gather3A_1017 = tpu.vector_load_idx %arg11[%add3A_1013, %and3A_1016] : memref<256x128xf32, #tpu.memory_space<vmem>>[vector<16xi32>, vector<16xi32>], vector<16xf32>,
        %add3A_1018 = arith.addf %add3A_959, %gather3A_1017 : vector<16xf32>
        %scan3A_1019 = arith.constant 4 : i32
        %scan3A_1020 = arith.addi %scan3A_783, %scan3A_1019 : i32
        %jit3A_1021 = arith.constant 8 : i32
        %div3A_1022 = arith.divsi %scan3A_1020, %jit3A_1021 : i32
        %sign3A_1023 = arith.constant 0 : i32
        %sign3A_1024 = arith.cmpi sgt, %scan3A_1020, %sign3A_1023 : i32
        %sign3A_1025 = arith.extui %sign3A_1024 : i1 to i32
        %sign3A_1026 = arith.constant 0 : i32
        %sign3A_1027 = arith.cmpi slt, %scan3A_1020, %sign3A_1026 : i32
        %sign3A_1028 = arith.extui %sign3A_1027 : i1 to i32
        %sign3A_1029 = arith.subi %sign3A_1025, %sign3A_1028 : i32
        %sign3A_1030 = arith.constant 0 : i32
        %sign3A_1031 = arith.cmpi sgt, %jit3A_1021, %sign3A_1030 : i32
        %sign3A_1032 = arith.extui %sign3A_1031 : i1 to i32
        %sign3A_1033 = arith.constant 0 : i32
        %sign3A_1034 = arith.cmpi slt, %jit3A_1021, %sign3A_1033 : i32
        %sign3A_1035 = arith.extui %sign3A_1034 : i1 to i32
        %sign3A_1036 = arith.subi %sign3A_1032, %sign3A_1035 : i32
        %ne3A_1037 = arith.cmpi ne, %sign3A_1029, %sign3A_1036 : i32
        %rem3A_1038 = arith.remsi %scan3A_1020, %jit3A_1021 : i32
        %ne3A_1039 = arith.constant 0 : i32
        %ne3A_1040 = arith.cmpi ne, %rem3A_1038, %ne3A_1039 : i32
        %and3A_1041 = arith.andi %ne3A_1037, %ne3A_1040 : i1
        %sub3A_1042 = arith.constant 1 : i32
        %sub3A_1043 = arith.subi %div3A_1022, %sub3A_1042 : i32
        %select_n3A_1044 = arith.select %and3A_1041, %sub3A_1043, %div3A_1022 : i32
        %mul3A_1045 = arith.constant 8 : i32
        %mul3A_1046 = arith.muli %mul3A_1045, %select_n3A_1044 : i32
        %add3A_1047 = arith.addi %add3A_398, %mul3A_1046 : i32
        %jit3A_1048 = arith.constant 8 : i32
        %eq3A_1049 = arith.constant 0 : i32
        %eq3A_1050 = arith.cmpi eq, %jit3A_1048, %eq3A_1049 : i32
        %jit3A_1051 = arith.constant 1 : i32
        %select_n3A_1052 = arith.select %eq3A_1050, %jit3A_1051, %jit3A_1048 : i32
        %rem3A_1053 = arith.remsi %scan3A_1020, %select_n3A_1052 : i32
        %ne3A_1054 = arith.constant 0 : i32
        %ne3A_1055 = arith.cmpi ne, %rem3A_1053, %ne3A_1054 : i32
        %lt3A_1056 = arith.constant 0 : i32
        %lt3A_1057 = arith.cmpi slt, %rem3A_1053, %lt3A_1056 : i32
        %lt3A_1058 = arith.constant 0 : i32
        %lt3A_1059 = arith.cmpi slt, %select_n3A_1052, %lt3A_1058 : i32
        %ne3A_1060 = arith.xori %lt3A_1057, %lt3A_1059 : i1
        %and3A_1061 = arith.andi %ne3A_1060, %ne3A_1055 : i1
        %add3A_1062 = arith.addi %rem3A_1053, %select_n3A_1052 : i32
        %select_n3A_1063 = arith.select %and3A_1061, %add3A_1062, %rem3A_1053 : i32
        %mul3A_1064 = arith.constant 16 : i32
        %mul3A_1065 = arith.muli %select_n3A_1063, %mul3A_1064 : i32
        %get3A_1066 = arith.index_cast %add3A_1047 : i32 to index
        %get3A_1067 = arith.index_cast %mul3A_1065 : i32 to index
        %get3A_1068 = tpu.vector_load %arg12[%get3A_1066, %get3A_1067] {strides = array<i32>} : memref<256x128xi32, #tpu.memory_space<vmem>>, vector<16xi32>,
        %shift_right_logical3A_1069 = arith.constant 7 : i32
        %shift_right_logical3A_1070 = vector.broadcast %shift_right_logical3A_1069 : i32 to vector<16xi32>
        %shift_right_logical3A_1071 = arith.shrui %get3A_1068, %shift_right_logical3A_1070 : vector<16xi32>
        %add3A_1072 = arith.addi %broadcast_in_dim3A_364, %shift_right_logical3A_1071 : vector<16xi32>
        %and3A_1073 = arith.constant 127 : i32
        %and3A_1074 = vector.broadcast %and3A_1073 : i32 to vector<16xi32>
        %and3A_1075 = arith.andi %get3A_1068, %and3A_1074 : vector<16xi32>
        %gather3A_1076 = tpu.vector_load_idx %arg11[%add3A_1072, %and3A_1075] : memref<256x128xf32, #tpu.memory_space<vmem>>[vector<16xi32>, vector<16xi32>], vector<16xf32>,
        %add3A_1077 = arith.addf %add3A_1018, %gather3A_1076 : vector<16xf32>
        %scan3A_1078 = arith.constant 5 : i32
        %scan3A_1079 = arith.addi %scan3A_783, %scan3A_1078 : i32
        %jit3A_1080 = arith.constant 8 : i32
        %div3A_1081 = arith.divsi %scan3A_1079, %jit3A_1080 : i32
        %sign3A_1082 = arith.constant 0 : i32
        %sign3A_1083 = arith.cmpi sgt, %scan3A_1079, %sign3A_1082 : i32
        %sign3A_1084 = arith.extui %sign3A_1083 : i1 to i32
        %sign3A_1085 = arith.constant 0 : i32
        %sign3A_1086 = arith.cmpi slt, %scan3A_1079, %sign3A_1085 : i32
        %sign3A_1087 = arith.extui %sign3A_1086 : i1 to i32
        %sign3A_1088 = arith.subi %sign3A_1084, %sign3A_1087 : i32
        %sign3A_1089 = arith.constant 0 : i32
        %sign3A_1090 = arith.cmpi sgt, %jit3A_1080, %sign3A_1089 : i32
        %sign3A_1091 = arith.extui %sign3A_1090 : i1 to i32
        %sign3A_1092 = arith.constant 0 : i32
        %sign3A_1093 = arith.cmpi slt, %jit3A_1080, %sign3A_1092 : i32
        %sign3A_1094 = arith.extui %sign3A_1093 : i1 to i32
        %sign3A_1095 = arith.subi %sign3A_1091, %sign3A_1094 : i32
        %ne3A_1096 = arith.cmpi ne, %sign3A_1088, %sign3A_1095 : i32
        %rem3A_1097 = arith.remsi %scan3A_1079, %jit3A_1080 : i32
        %ne3A_1098 = arith.constant 0 : i32
        %ne3A_1099 = arith.cmpi ne, %rem3A_1097, %ne3A_1098 : i32
        %and3A_1100 = arith.andi %ne3A_1096, %ne3A_1099 : i1
        %sub3A_1101 = arith.constant 1 : i32
        %sub3A_1102 = arith.subi %div3A_1081, %sub3A_1101 : i32
        %select_n3A_1103 = arith.select %and3A_1100, %sub3A_1102, %div3A_1081 : i32
        %mul3A_1104 = arith.constant 8 : i32
        %mul3A_1105 = arith.muli %mul3A_1104, %select_n3A_1103 : i32
        %add3A_1106 = arith.addi %add3A_398, %mul3A_1105 : i32
        %jit3A_1107 = arith.constant 8 : i32
        %eq3A_1108 = arith.constant 0 : i32
        %eq3A_1109 = arith.cmpi eq, %jit3A_1107, %eq3A_1108 : i32
        %jit3A_1110 = arith.constant 1 : i32
        %select_n3A_1111 = arith.select %eq3A_1109, %jit3A_1110, %jit3A_1107 : i32
        %rem3A_1112 = arith.remsi %scan3A_1079, %select_n3A_1111 : i32
        %ne3A_1113 = arith.constant 0 : i32
        %ne3A_1114 = arith.cmpi ne, %rem3A_1112, %ne3A_1113 : i32
        %lt3A_1115 = arith.constant 0 : i32
        %lt3A_1116 = arith.cmpi slt, %rem3A_1112, %lt3A_1115 : i32
        %lt3A_1117 = arith.constant 0 : i32
        %lt3A_1118 = arith.cmpi slt, %select_n3A_1111, %lt3A_1117 : i32
        %ne3A_1119 = arith.xori %lt3A_1116, %lt3A_1118 : i1
        %and3A_1120 = arith.andi %ne3A_1119, %ne3A_1114 : i1
        %add3A_1121 = arith.addi %rem3A_1112, %select_n3A_1111 : i32
        %select_n3A_1122 = arith.select %and3A_1120, %add3A_1121, %rem3A_1112 : i32
        %mul3A_1123 = arith.constant 16 : i32
        %mul3A_1124 = arith.muli %select_n3A_1122, %mul3A_1123 : i32
        %get3A_1125 = arith.index_cast %add3A_1106 : i32 to index
        %get3A_1126 = arith.index_cast %mul3A_1124 : i32 to index
        %get3A_1127 = tpu.vector_load %arg12[%get3A_1125, %get3A_1126] {strides = array<i32>} : memref<256x128xi32, #tpu.memory_space<vmem>>, vector<16xi32>,
        %shift_right_logical3A_1128 = arith.constant 7 : i32
        %shift_right_logical3A_1129 = vector.broadcast %shift_right_logical3A_1128 : i32 to vector<16xi32>
        %shift_right_logical3A_1130 = arith.shrui %get3A_1127, %shift_right_logical3A_1129 : vector<16xi32>
        %add3A_1131 = arith.addi %broadcast_in_dim3A_364, %shift_right_logical3A_1130 : vector<16xi32>
        %and3A_1132 = arith.constant 127 : i32
        %and3A_1133 = vector.broadcast %and3A_1132 : i32 to vector<16xi32>
        %and3A_1134 = arith.andi %get3A_1127, %and3A_1133 : vector<16xi32>
        %gather3A_1135 = tpu.vector_load_idx %arg11[%add3A_1131, %and3A_1134] : memref<256x128xf32, #tpu.memory_space<vmem>>[vector<16xi32>, vector<16xi32>], vector<16xf32>,
        %add3A_1136 = arith.addf %add3A_1077, %gather3A_1135 : vector<16xf32>
        %scan3A_1137 = arith.constant 6 : i32
        %scan3A_1138 = arith.addi %scan3A_783, %scan3A_1137 : i32
        %jit3A_1139 = arith.constant 8 : i32
        %div3A_1140 = arith.divsi %scan3A_1138, %jit3A_1139 : i32
        %sign3A_1141 = arith.constant 0 : i32
        %sign3A_1142 = arith.cmpi sgt, %scan3A_1138, %sign3A_1141 : i32
        %sign3A_1143 = arith.extui %sign3A_1142 : i1 to i32
        %sign3A_1144 = arith.constant 0 : i32
        %sign3A_1145 = arith.cmpi slt, %scan3A_1138, %sign3A_1144 : i32
        %sign3A_1146 = arith.extui %sign3A_1145 : i1 to i32
        %sign3A_1147 = arith.subi %sign3A_1143, %sign3A_1146 : i32
        %sign3A_1148 = arith.constant 0 : i32
        %sign3A_1149 = arith.cmpi sgt, %jit3A_1139, %sign3A_1148 : i32
        %sign3A_1150 = arith.extui %sign3A_1149 : i1 to i32
        %sign3A_1151 = arith.constant 0 : i32
        %sign3A_1152 = arith.cmpi slt, %jit3A_1139, %sign3A_1151 : i32
        %sign3A_1153 = arith.extui %sign3A_1152 : i1 to i32
        %sign3A_1154 = arith.subi %sign3A_1150, %sign3A_1153 : i32
        %ne3A_1155 = arith.cmpi ne, %sign3A_1147, %sign3A_1154 : i32
        %rem3A_1156 = arith.remsi %scan3A_1138, %jit3A_1139 : i32
        %ne3A_1157 = arith.constant 0 : i32
        %ne3A_1158 = arith.cmpi ne, %rem3A_1156, %ne3A_1157 : i32
        %and3A_1159 = arith.andi %ne3A_1155, %ne3A_1158 : i1
        %sub3A_1160 = arith.constant 1 : i32
        %sub3A_1161 = arith.subi %div3A_1140, %sub3A_1160 : i32
        %select_n3A_1162 = arith.select %and3A_1159, %sub3A_1161, %div3A_1140 : i32
        %mul3A_1163 = arith.constant 8 : i32
        %mul3A_1164 = arith.muli %mul3A_1163, %select_n3A_1162 : i32
        %add3A_1165 = arith.addi %add3A_398, %mul3A_1164 : i32
        %jit3A_1166 = arith.constant 8 : i32
        %eq3A_1167 = arith.constant 0 : i32
        %eq3A_1168 = arith.cmpi eq, %jit3A_1166, %eq3A_1167 : i32
        %jit3A_1169 = arith.constant 1 : i32
        %select_n3A_1170 = arith.select %eq3A_1168, %jit3A_1169, %jit3A_1166 : i32
        %rem3A_1171 = arith.remsi %scan3A_1138, %select_n3A_1170 : i32
        %ne3A_1172 = arith.constant 0 : i32
        %ne3A_1173 = arith.cmpi ne, %rem3A_1171, %ne3A_1172 : i32
        %lt3A_1174 = arith.constant 0 : i32
        %lt3A_1175 = arith.cmpi slt, %rem3A_1171, %lt3A_1174 : i32
        %lt3A_1176 = arith.constant 0 : i32
        %lt3A_1177 = arith.cmpi slt, %select_n3A_1170, %lt3A_1176 : i32
        %ne3A_1178 = arith.xori %lt3A_1175, %lt3A_1177 : i1
        %and3A_1179 = arith.andi %ne3A_1178, %ne3A_1173 : i1
        %add3A_1180 = arith.addi %rem3A_1171, %select_n3A_1170 : i32
        %select_n3A_1181 = arith.select %and3A_1179, %add3A_1180, %rem3A_1171 : i32
        %mul3A_1182 = arith.constant 16 : i32
        %mul3A_1183 = arith.muli %select_n3A_1181, %mul3A_1182 : i32
        %get3A_1184 = arith.index_cast %add3A_1165 : i32 to index
        %get3A_1185 = arith.index_cast %mul3A_1183 : i32 to index
        %get3A_1186 = tpu.vector_load %arg12[%get3A_1184, %get3A_1185] {strides = array<i32>} : memref<256x128xi32, #tpu.memory_space<vmem>>, vector<16xi32>,
        %shift_right_logical3A_1187 = arith.constant 7 : i32
        %shift_right_logical3A_1188 = vector.broadcast %shift_right_logical3A_1187 : i32 to vector<16xi32>
        %shift_right_logical3A_1189 = arith.shrui %get3A_1186, %shift_right_logical3A_1188 : vector<16xi32>
        %add3A_1190 = arith.addi %broadcast_in_dim3A_364, %shift_right_logical3A_1189 : vector<16xi32>
        %and3A_1191 = arith.constant 127 : i32
        %and3A_1192 = vector.broadcast %and3A_1191 : i32 to vector<16xi32>
        %and3A_1193 = arith.andi %get3A_1186, %and3A_1192 : vector<16xi32>
        %gather3A_1194 = tpu.vector_load_idx %arg11[%add3A_1190, %and3A_1193] : memref<256x128xf32, #tpu.memory_space<vmem>>[vector<16xi32>, vector<16xi32>], vector<16xf32>,
        %add3A_1195 = arith.addf %add3A_1136, %gather3A_1194 : vector<16xf32>
        %scan3A_1196 = arith.constant 7 : i32
        %scan3A_1197 = arith.addi %scan3A_783, %scan3A_1196 : i32
        %jit3A_1198 = arith.constant 8 : i32
        %div3A_1199 = arith.divsi %scan3A_1197, %jit3A_1198 : i32
        %sign3A_1200 = arith.constant 0 : i32
        %sign3A_1201 = arith.cmpi sgt, %scan3A_1197, %sign3A_1200 : i32
        %sign3A_1202 = arith.extui %sign3A_1201 : i1 to i32
        %sign3A_1203 = arith.constant 0 : i32
        %sign3A_1204 = arith.cmpi slt, %scan3A_1197, %sign3A_1203 : i32
        %sign3A_1205 = arith.extui %sign3A_1204 : i1 to i32
        %sign3A_1206 = arith.subi %sign3A_1202, %sign3A_1205 : i32
        %sign3A_1207 = arith.constant 0 : i32
        %sign3A_1208 = arith.cmpi sgt, %jit3A_1198, %sign3A_1207 : i32
        %sign3A_1209 = arith.extui %sign3A_1208 : i1 to i32
        %sign3A_1210 = arith.constant 0 : i32
        %sign3A_1211 = arith.cmpi slt, %jit3A_1198, %sign3A_1210 : i32
        %sign3A_1212 = arith.extui %sign3A_1211 : i1 to i32
        %sign3A_1213 = arith.subi %sign3A_1209, %sign3A_1212 : i32
        %ne3A_1214 = arith.cmpi ne, %sign3A_1206, %sign3A_1213 : i32
        %rem3A_1215 = arith.remsi %scan3A_1197, %jit3A_1198 : i32
        %ne3A_1216 = arith.constant 0 : i32
        %ne3A_1217 = arith.cmpi ne, %rem3A_1215, %ne3A_1216 : i32
        %and3A_1218 = arith.andi %ne3A_1214, %ne3A_1217 : i1
        %sub3A_1219 = arith.constant 1 : i32
        %sub3A_1220 = arith.subi %div3A_1199, %sub3A_1219 : i32
        %select_n3A_1221 = arith.select %and3A_1218, %sub3A_1220, %div3A_1199 : i32
        %mul3A_1222 = arith.constant 8 : i32
        %mul3A_1223 = arith.muli %mul3A_1222, %select_n3A_1221 : i32
        %add3A_1224 = arith.addi %add3A_398, %mul3A_1223 : i32
        %jit3A_1225 = arith.constant 8 : i32
        %eq3A_1226 = arith.constant 0 : i32
        %eq3A_1227 = arith.cmpi eq, %jit3A_1225, %eq3A_1226 : i32
        %jit3A_1228 = arith.constant 1 : i32
        %select_n3A_1229 = arith.select %eq3A_1227, %jit3A_1228, %jit3A_1225 : i32
        %rem3A_1230 = arith.remsi %scan3A_1197, %select_n3A_1229 : i32
        %ne3A_1231 = arith.constant 0 : i32
        %ne3A_1232 = arith.cmpi ne, %rem3A_1230, %ne3A_1231 : i32
        %lt3A_1233 = arith.constant 0 : i32
        %lt3A_1234 = arith.cmpi slt, %rem3A_1230, %lt3A_1233 : i32
        %lt3A_1235 = arith.constant 0 : i32
        %lt3A_1236 = arith.cmpi slt, %select_n3A_1229, %lt3A_1235 : i32
        %ne3A_1237 = arith.xori %lt3A_1234, %lt3A_1236 : i1
        %and3A_1238 = arith.andi %ne3A_1237, %ne3A_1232 : i1
        %add3A_1239 = arith.addi %rem3A_1230, %select_n3A_1229 : i32
        %select_n3A_1240 = arith.select %and3A_1238, %add3A_1239, %rem3A_1230 : i32
        %mul3A_1241 = arith.constant 16 : i32
        %mul3A_1242 = arith.muli %select_n3A_1240, %mul3A_1241 : i32
        %get3A_1243 = arith.index_cast %add3A_1224 : i32 to index
        %get3A_1244 = arith.index_cast %mul3A_1242 : i32 to index
        %get3A_1245 = tpu.vector_load %arg12[%get3A_1243, %get3A_1244] {strides = array<i32>} : memref<256x128xi32, #tpu.memory_space<vmem>>, vector<16xi32>,
        %shift_right_logical3A_1246 = arith.constant 7 : i32
        %shift_right_logical3A_1247 = vector.broadcast %shift_right_logical3A_1246 : i32 to vector<16xi32>
        %shift_right_logical3A_1248 = arith.shrui %get3A_1245, %shift_right_logical3A_1247 : vector<16xi32>
        %add3A_1249 = arith.addi %broadcast_in_dim3A_364, %shift_right_logical3A_1248 : vector<16xi32>
        %and3A_1250 = arith.constant 127 : i32
        %and3A_1251 = vector.broadcast %and3A_1250 : i32 to vector<16xi32>
        %and3A_1252 = arith.andi %get3A_1245, %and3A_1251 : vector<16xi32>
        %gather3A_1253 = tpu.vector_load_idx %arg11[%add3A_1249, %and3A_1252] : memref<256x128xf32, #tpu.memory_space<vmem>>[vector<16xi32>, vector<16xi32>], vector<16xf32>,
        %add3A_1254 = arith.addf %add3A_1195, %gather3A_1253 : vector<16xf32>
        scf.yield %add3A_1254 : vector<16xf32>
      }
      %scan3A_406 = arith.constant 56 : i32
      %scan3A_407 = arith.addi %scan3A_401, %scan3A_406 : i32
      %jit3A_408 = arith.constant 8 : i32
      %div3A_409 = arith.divsi %scan3A_407, %jit3A_408 : i32
      %sign3A_410 = arith.constant 0 : i32
      %sign3A_411 = arith.cmpi sgt, %scan3A_407, %sign3A_410 : i32
      %sign3A_412 = arith.extui %sign3A_411 : i1 to i32
      %sign3A_413 = arith.constant 0 : i32
      %sign3A_414 = arith.cmpi slt, %scan3A_407, %sign3A_413 : i32
      %sign3A_415 = arith.extui %sign3A_414 : i1 to i32
      %sign3A_416 = arith.subi %sign3A_412, %sign3A_415 : i32
      %sign3A_417 = arith.constant 0 : i32
      %sign3A_418 = arith.cmpi sgt, %jit3A_408, %sign3A_417 : i32
      %sign3A_419 = arith.extui %sign3A_418 : i1 to i32
      %sign3A_420 = arith.constant 0 : i32
      %sign3A_421 = arith.cmpi slt, %jit3A_408, %sign3A_420 : i32
      %sign3A_422 = arith.extui %sign3A_421 : i1 to i32
      %sign3A_423 = arith.subi %sign3A_419, %sign3A_422 : i32
      %ne3A_424 = arith.cmpi ne, %sign3A_416, %sign3A_423 : i32
      %rem3A_425 = arith.remsi %scan3A_407, %jit3A_408 : i32
      %ne3A_426 = arith.constant 0 : i32
      %ne3A_427 = arith.cmpi ne, %rem3A_425, %ne3A_426 : i32
      %and3A_428 = arith.andi %ne3A_424, %ne3A_427 : i1
      %sub3A_429 = arith.constant 1 : i32
      %sub3A_430 = arith.subi %div3A_409, %sub3A_429 : i32
      %select_n3A_431 = arith.select %and3A_428, %sub3A_430, %div3A_409 : i32
      %mul3A_432 = arith.constant 8 : i32
      %mul3A_433 = arith.muli %mul3A_432, %select_n3A_431 : i32
      %add3A_434 = arith.addi %add3A_398, %mul3A_433 : i32
      %jit3A_435 = arith.constant 8 : i32
      %eq3A_436 = arith.constant 0 : i32
      %eq3A_437 = arith.cmpi eq, %jit3A_435, %eq3A_436 : i32
      %jit3A_438 = arith.constant 1 : i32
      %select_n3A_439 = arith.select %eq3A_437, %jit3A_438, %jit3A_435 : i32
      %rem3A_440 = arith.remsi %scan3A_407, %select_n3A_439 : i32
      %ne3A_441 = arith.constant 0 : i32
      %ne3A_442 = arith.cmpi ne, %rem3A_440, %ne3A_441 : i32
      %lt3A_443 = arith.constant 0 : i32
      %lt3A_444 = arith.cmpi slt, %rem3A_440, %lt3A_443 : i32
      %lt3A_445 = arith.constant 0 : i32
      %lt3A_446 = arith.cmpi slt, %select_n3A_439, %lt3A_445 : i32
      %ne3A_447 = arith.xori %lt3A_444, %lt3A_446 : i1
      %and3A_448 = arith.andi %ne3A_447, %ne3A_442 : i1
      %add3A_449 = arith.addi %rem3A_440, %select_n3A_439 : i32
      %select_n3A_450 = arith.select %and3A_448, %add3A_449, %rem3A_440 : i32
      %mul3A_451 = arith.constant 16 : i32
      %mul3A_452 = arith.muli %select_n3A_450, %mul3A_451 : i32
      %get3A_453 = arith.index_cast %add3A_434 : i32 to index
      %get3A_454 = arith.index_cast %mul3A_452 : i32 to index
      %get3A_455 = tpu.vector_load %arg12[%get3A_453, %get3A_454] {strides = array<i32>} : memref<256x128xi32, #tpu.memory_space<vmem>>, vector<16xi32>,
      %shift_right_logical3A_456 = arith.constant 7 : i32
      %shift_right_logical3A_457 = vector.broadcast %shift_right_logical3A_456 : i32 to vector<16xi32>
      %shift_right_logical3A_458 = arith.shrui %get3A_455, %shift_right_logical3A_457 : vector<16xi32>
      %add3A_459 = arith.addi %broadcast_in_dim3A_364, %shift_right_logical3A_458 : vector<16xi32>
      %and3A_460 = arith.constant 127 : i32
      %and3A_461 = vector.broadcast %and3A_460 : i32 to vector<16xi32>
      %and3A_462 = arith.andi %get3A_455, %and3A_461 : vector<16xi32>
      %gather3A_463 = tpu.vector_load_idx %arg11[%add3A_459, %and3A_462] : memref<256x128xf32, #tpu.memory_space<vmem>>[vector<16xi32>, vector<16xi32>], vector<16xf32>,
      %add3A_464 = arith.addf %scan3A_405, %gather3A_463 : vector<16xf32>
      %scan3A_465 = arith.constant 57 : i32
      %scan3A_466 = arith.addi %scan3A_401, %scan3A_465 : i32
      %jit3A_467 = arith.constant 8 : i32
      %div3A_468 = arith.divsi %scan3A_466, %jit3A_467 : i32
      %sign3A_469 = arith.constant 0 : i32
      %sign3A_470 = arith.cmpi sgt, %scan3A_466, %sign3A_469 : i32
      %sign3A_471 = arith.extui %sign3A_470 : i1 to i32
      %sign3A_472 = arith.constant 0 : i32
      %sign3A_473 = arith.cmpi slt, %scan3A_466, %sign3A_472 : i32
      %sign3A_474 = arith.extui %sign3A_473 : i1 to i32
      %sign3A_475 = arith.subi %sign3A_471, %sign3A_474 : i32
      %sign3A_476 = arith.constant 0 : i32
      %sign3A_477 = arith.cmpi sgt, %jit3A_467, %sign3A_476 : i32
      %sign3A_478 = arith.extui %sign3A_477 : i1 to i32
      %sign3A_479 = arith.constant 0 : i32
      %sign3A_480 = arith.cmpi slt, %jit3A_467, %sign3A_479 : i32
      %sign3A_481 = arith.extui %sign3A_480 : i1 to i32
      %sign3A_482 = arith.subi %sign3A_478, %sign3A_481 : i32
      %ne3A_483 = arith.cmpi ne, %sign3A_475, %sign3A_482 : i32
      %rem3A_484 = arith.remsi %scan3A_466, %jit3A_467 : i32
      %ne3A_485 = arith.constant 0 : i32
      %ne3A_486 = arith.cmpi ne, %rem3A_484, %ne3A_485 : i32
      %and3A_487 = arith.andi %ne3A_483, %ne3A_486 : i1
      %sub3A_488 = arith.constant 1 : i32
      %sub3A_489 = arith.subi %div3A_468, %sub3A_488 : i32
      %select_n3A_490 = arith.select %and3A_487, %sub3A_489, %div3A_468 : i32
      %mul3A_491 = arith.constant 8 : i32
      %mul3A_492 = arith.muli %mul3A_491, %select_n3A_490 : i32
      %add3A_493 = arith.addi %add3A_398, %mul3A_492 : i32
      %jit3A_494 = arith.constant 8 : i32
      %eq3A_495 = arith.constant 0 : i32
      %eq3A_496 = arith.cmpi eq, %jit3A_494, %eq3A_495 : i32
      %jit3A_497 = arith.constant 1 : i32
      %select_n3A_498 = arith.select %eq3A_496, %jit3A_497, %jit3A_494 : i32
      %rem3A_499 = arith.remsi %scan3A_466, %select_n3A_498 : i32
      %ne3A_500 = arith.constant 0 : i32
      %ne3A_501 = arith.cmpi ne, %rem3A_499, %ne3A_500 : i32
      %lt3A_502 = arith.constant 0 : i32
      %lt3A_503 = arith.cmpi slt, %rem3A_499, %lt3A_502 : i32
      %lt3A_504 = arith.constant 0 : i32
      %lt3A_505 = arith.cmpi slt, %select_n3A_498, %lt3A_504 : i32
      %ne3A_506 = arith.xori %lt3A_503, %lt3A_505 : i1
      %and3A_507 = arith.andi %ne3A_506, %ne3A_501 : i1
      %add3A_508 = arith.addi %rem3A_499, %select_n3A_498 : i32
      %select_n3A_509 = arith.select %and3A_507, %add3A_508, %rem3A_499 : i32
      %mul3A_510 = arith.constant 16 : i32
      %mul3A_511 = arith.muli %select_n3A_509, %mul3A_510 : i32
      %get3A_512 = arith.index_cast %add3A_493 : i32 to index
      %get3A_513 = arith.index_cast %mul3A_511 : i32 to index
      %get3A_514 = tpu.vector_load %arg12[%get3A_512, %get3A_513] {strides = array<i32>} : memref<256x128xi32, #tpu.memory_space<vmem>>, vector<16xi32>,
      %shift_right_logical3A_515 = arith.constant 7 : i32
      %shift_right_logical3A_516 = vector.broadcast %shift_right_logical3A_515 : i32 to vector<16xi32>
      %shift_right_logical3A_517 = arith.shrui %get3A_514, %shift_right_logical3A_516 : vector<16xi32>
      %add3A_518 = arith.addi %broadcast_in_dim3A_364, %shift_right_logical3A_517 : vector<16xi32>
      %and3A_519 = arith.constant 127 : i32
      %and3A_520 = vector.broadcast %and3A_519 : i32 to vector<16xi32>
      %and3A_521 = arith.andi %get3A_514, %and3A_520 : vector<16xi32>
      %gather3A_522 = tpu.vector_load_idx %arg11[%add3A_518, %and3A_521] : memref<256x128xf32, #tpu.memory_space<vmem>>[vector<16xi32>, vector<16xi32>], vector<16xf32>,
      %add3A_523 = arith.addf %add3A_464, %gather3A_522 : vector<16xf32>
      %scan3A_524 = arith.constant 58 : i32
      %scan3A_525 = arith.addi %scan3A_401, %scan3A_524 : i32
      %jit3A_526 = arith.constant 8 : i32
      %div3A_527 = arith.divsi %scan3A_525, %jit3A_526 : i32
      %sign3A_528 = arith.constant 0 : i32
      %sign3A_529 = arith.cmpi sgt, %scan3A_525, %sign3A_528 : i32
      %sign3A_530 = arith.extui %sign3A_529 : i1 to i32
      %sign3A_531 = arith.constant 0 : i32
      %sign3A_532 = arith.cmpi slt, %scan3A_525, %sign3A_531 : i32
      %sign3A_533 = arith.extui %sign3A_532 : i1 to i32
      %sign3A_534 = arith.subi %sign3A_530, %sign3A_533 : i32
      %sign3A_535 = arith.constant 0 : i32
      %sign3A_536 = arith.cmpi sgt, %jit3A_526, %sign3A_535 : i32
      %sign3A_537 = arith.extui %sign3A_536 : i1 to i32
      %sign3A_538 = arith.constant 0 : i32
      %sign3A_539 = arith.cmpi slt, %jit3A_526, %sign3A_538 : i32
      %sign3A_540 = arith.extui %sign3A_539 : i1 to i32
      %sign3A_541 = arith.subi %sign3A_537, %sign3A_540 : i32
      %ne3A_542 = arith.cmpi ne, %sign3A_534, %sign3A_541 : i32
      %rem3A_543 = arith.remsi %scan3A_525, %jit3A_526 : i32
      %ne3A_544 = arith.constant 0 : i32
      %ne3A_545 = arith.cmpi ne, %rem3A_543, %ne3A_544 : i32
      %and3A_546 = arith.andi %ne3A_542, %ne3A_545 : i1
      %sub3A_547 = arith.constant 1 : i32
      %sub3A_548 = arith.subi %div3A_527, %sub3A_547 : i32
      %select_n3A_549 = arith.select %and3A_546, %sub3A_548, %div3A_527 : i32
      %mul3A_550 = arith.constant 8 : i32
      %mul3A_551 = arith.muli %mul3A_550, %select_n3A_549 : i32
      %add3A_552 = arith.addi %add3A_398, %mul3A_551 : i32
      %jit3A_553 = arith.constant 8 : i32
      %eq3A_554 = arith.constant 0 : i32
      %eq3A_555 = arith.cmpi eq, %jit3A_553, %eq3A_554 : i32
      %jit3A_556 = arith.constant 1 : i32
      %select_n3A_557 = arith.select %eq3A_555, %jit3A_556, %jit3A_553 : i32
      %rem3A_558 = arith.remsi %scan3A_525, %select_n3A_557 : i32
      %ne3A_559 = arith.constant 0 : i32
      %ne3A_560 = arith.cmpi ne, %rem3A_558, %ne3A_559 : i32
      %lt3A_561 = arith.constant 0 : i32
      %lt3A_562 = arith.cmpi slt, %rem3A_558, %lt3A_561 : i32
      %lt3A_563 = arith.constant 0 : i32
      %lt3A_564 = arith.cmpi slt, %select_n3A_557, %lt3A_563 : i32
      %ne3A_565 = arith.xori %lt3A_562, %lt3A_564 : i1
      %and3A_566 = arith.andi %ne3A_565, %ne3A_560 : i1
      %add3A_567 = arith.addi %rem3A_558, %select_n3A_557 : i32
      %select_n3A_568 = arith.select %and3A_566, %add3A_567, %rem3A_558 : i32
      %mul3A_569 = arith.constant 16 : i32
      %mul3A_570 = arith.muli %select_n3A_568, %mul3A_569 : i32
      %get3A_571 = arith.index_cast %add3A_552 : i32 to index
      %get3A_572 = arith.index_cast %mul3A_570 : i32 to index
      %get3A_573 = tpu.vector_load %arg12[%get3A_571, %get3A_572] {strides = array<i32>} : memref<256x128xi32, #tpu.memory_space<vmem>>, vector<16xi32>,
      %shift_right_logical3A_574 = arith.constant 7 : i32
      %shift_right_logical3A_575 = vector.broadcast %shift_right_logical3A_574 : i32 to vector<16xi32>
      %shift_right_logical3A_576 = arith.shrui %get3A_573, %shift_right_logical3A_575 : vector<16xi32>
      %add3A_577 = arith.addi %broadcast_in_dim3A_364, %shift_right_logical3A_576 : vector<16xi32>
      %and3A_578 = arith.constant 127 : i32
      %and3A_579 = vector.broadcast %and3A_578 : i32 to vector<16xi32>
      %and3A_580 = arith.andi %get3A_573, %and3A_579 : vector<16xi32>
      %gather3A_581 = tpu.vector_load_idx %arg11[%add3A_577, %and3A_580] : memref<256x128xf32, #tpu.memory_space<vmem>>[vector<16xi32>, vector<16xi32>], vector<16xf32>,
      %add3A_582 = arith.addf %add3A_523, %gather3A_581 : vector<16xf32>
      %scan3A_583 = arith.constant 59 : i32
      %scan3A_584 = arith.addi %scan3A_401, %scan3A_583 : i32
      %jit3A_585 = arith.constant 8 : i32
      %div3A_586 = arith.divsi %scan3A_584, %jit3A_585 : i32
      %sign3A_587 = arith.constant 0 : i32
      %sign3A_588 = arith.cmpi sgt, %scan3A_584, %sign3A_587 : i32
      %sign3A_589 = arith.extui %sign3A_588 : i1 to i32
      %sign3A_590 = arith.constant 0 : i32
      %sign3A_591 = arith.cmpi slt, %scan3A_584, %sign3A_590 : i32
      %sign3A_592 = arith.extui %sign3A_591 : i1 to i32
      %sign3A_593 = arith.subi %sign3A_589, %sign3A_592 : i32
      %sign3A_594 = arith.constant 0 : i32
      %sign3A_595 = arith.cmpi sgt, %jit3A_585, %sign3A_594 : i32
      %sign3A_596 = arith.extui %sign3A_595 : i1 to i32
      %sign3A_597 = arith.constant 0 : i32
      %sign3A_598 = arith.cmpi slt, %jit3A_585, %sign3A_597 : i32
      %sign3A_599 = arith.extui %sign3A_598 : i1 to i32
      %sign3A_600 = arith.subi %sign3A_596, %sign3A_599 : i32
      %ne3A_601 = arith.cmpi ne, %sign3A_593, %sign3A_600 : i32
      %rem3A_602 = arith.remsi %scan3A_584, %jit3A_585 : i32
      %ne3A_603 = arith.constant 0 : i32
      %ne3A_604 = arith.cmpi ne, %rem3A_602, %ne3A_603 : i32
      %and3A_605 = arith.andi %ne3A_601, %ne3A_604 : i1
      %sub3A_606 = arith.constant 1 : i32
      %sub3A_607 = arith.subi %div3A_586, %sub3A_606 : i32
      %select_n3A_608 = arith.select %and3A_605, %sub3A_607, %div3A_586 : i32
      %mul3A_609 = arith.constant 8 : i32
      %mul3A_610 = arith.muli %mul3A_609, %select_n3A_608 : i32
      %add3A_611 = arith.addi %add3A_398, %mul3A_610 : i32
      %jit3A_612 = arith.constant 8 : i32
      %eq3A_613 = arith.constant 0 : i32
      %eq3A_614 = arith.cmpi eq, %jit3A_612, %eq3A_613 : i32
      %jit3A_615 = arith.constant 1 : i32
      %select_n3A_616 = arith.select %eq3A_614, %jit3A_615, %jit3A_612 : i32
      %rem3A_617 = arith.remsi %scan3A_584, %select_n3A_616 : i32
      %ne3A_618 = arith.constant 0 : i32
      %ne3A_619 = arith.cmpi ne, %rem3A_617, %ne3A_618 : i32
      %lt3A_620 = arith.constant 0 : i32
      %lt3A_621 = arith.cmpi slt, %rem3A_617, %lt3A_620 : i32
      %lt3A_622 = arith.constant 0 : i32
      %lt3A_623 = arith.cmpi slt, %select_n3A_616, %lt3A_622 : i32
      %ne3A_624 = arith.xori %lt3A_621, %lt3A_623 : i1
      %and3A_625 = arith.andi %ne3A_624, %ne3A_619 : i1
      %add3A_626 = arith.addi %rem3A_617, %select_n3A_616 : i32
      %select_n3A_627 = arith.select %and3A_625, %add3A_626, %rem3A_617 : i32
      %mul3A_628 = arith.constant 16 : i32
      %mul3A_629 = arith.muli %select_n3A_627, %mul3A_628 : i32
      %get3A_630 = arith.index_cast %add3A_611 : i32 to index
      %get3A_631 = arith.index_cast %mul3A_629 : i32 to index
      %get3A_632 = tpu.vector_load %arg12[%get3A_630, %get3A_631] {strides = array<i32>} : memref<256x128xi32, #tpu.memory_space<vmem>>, vector<16xi32>,
      %shift_right_logical3A_633 = arith.constant 7 : i32
      %shift_right_logical3A_634 = vector.broadcast %shift_right_logical3A_633 : i32 to vector<16xi32>
      %shift_right_logical3A_635 = arith.shrui %get3A_632, %shift_right_logical3A_634 : vector<16xi32>
      %add3A_636 = arith.addi %broadcast_in_dim3A_364, %shift_right_logical3A_635 : vector<16xi32>
      %and3A_637 = arith.constant 127 : i32
      %and3A_638 = vector.broadcast %and3A_637 : i32 to vector<16xi32>
      %and3A_639 = arith.andi %get3A_632, %and3A_638 : vector<16xi32>
      %gather3A_640 = tpu.vector_load_idx %arg11[%add3A_636, %and3A_639] : memref<256x128xf32, #tpu.memory_space<vmem>>[vector<16xi32>, vector<16xi32>], vector<16xf32>,
      %add3A_641 = arith.addf %add3A_582, %gather3A_640 : vector<16xf32>
      %scan3A_642 = arith.constant 60 : i32
      %scan3A_643 = arith.addi %scan3A_401, %scan3A_642 : i32
      %jit3A_644 = arith.constant 8 : i32
      %div3A_645 = arith.divsi %scan3A_643, %jit3A_644 : i32
      %sign3A_646 = arith.constant 0 : i32
      %sign3A_647 = arith.cmpi sgt, %scan3A_643, %sign3A_646 : i32
      %sign3A_648 = arith.extui %sign3A_647 : i1 to i32
      %sign3A_649 = arith.constant 0 : i32
      %sign3A_650 = arith.cmpi slt, %scan3A_643, %sign3A_649 : i32
      %sign3A_651 = arith.extui %sign3A_650 : i1 to i32
      %sign3A_652 = arith.subi %sign3A_648, %sign3A_651 : i32
      %sign3A_653 = arith.constant 0 : i32
      %sign3A_654 = arith.cmpi sgt, %jit3A_644, %sign3A_653 : i32
      %sign3A_655 = arith.extui %sign3A_654 : i1 to i32
      %sign3A_656 = arith.constant 0 : i32
      %sign3A_657 = arith.cmpi slt, %jit3A_644, %sign3A_656 : i32
      %sign3A_658 = arith.extui %sign3A_657 : i1 to i32
      %sign3A_659 = arith.subi %sign3A_655, %sign3A_658 : i32
      %ne3A_660 = arith.cmpi ne, %sign3A_652, %sign3A_659 : i32
      %rem3A_661 = arith.remsi %scan3A_643, %jit3A_644 : i32
      %ne3A_662 = arith.constant 0 : i32
      %ne3A_663 = arith.cmpi ne, %rem3A_661, %ne3A_662 : i32
      %and3A_664 = arith.andi %ne3A_660, %ne3A_663 : i1
      %sub3A_665 = arith.constant 1 : i32
      %sub3A_666 = arith.subi %div3A_645, %sub3A_665 : i32
      %select_n3A_667 = arith.select %and3A_664, %sub3A_666, %div3A_645 : i32
      %mul3A_668 = arith.constant 8 : i32
      %mul3A_669 = arith.muli %mul3A_668, %select_n3A_667 : i32
      %add3A_670 = arith.addi %add3A_398, %mul3A_669 : i32
      %jit3A_671 = arith.constant 8 : i32
      %eq3A_672 = arith.constant 0 : i32
      %eq3A_673 = arith.cmpi eq, %jit3A_671, %eq3A_672 : i32
      %jit3A_674 = arith.constant 1 : i32
      %select_n3A_675 = arith.select %eq3A_673, %jit3A_674, %jit3A_671 : i32
      %rem3A_676 = arith.remsi %scan3A_643, %select_n3A_675 : i32
      %ne3A_677 = arith.constant 0 : i32
      %ne3A_678 = arith.cmpi ne, %rem3A_676, %ne3A_677 : i32
      %lt3A_679 = arith.constant 0 : i32
      %lt3A_680 = arith.cmpi slt, %rem3A_676, %lt3A_679 : i32
      %lt3A_681 = arith.constant 0 : i32
      %lt3A_682 = arith.cmpi slt, %select_n3A_675, %lt3A_681 : i32
      %ne3A_683 = arith.xori %lt3A_680, %lt3A_682 : i1
      %and3A_684 = arith.andi %ne3A_683, %ne3A_678 : i1
      %add3A_685 = arith.addi %rem3A_676, %select_n3A_675 : i32
      %select_n3A_686 = arith.select %and3A_684, %add3A_685, %rem3A_676 : i32
      %mul3A_687 = arith.constant 16 : i32
      %mul3A_688 = arith.muli %select_n3A_686, %mul3A_687 : i32
      %get3A_689 = arith.index_cast %add3A_670 : i32 to index
      %get3A_690 = arith.index_cast %mul3A_688 : i32 to index
      %get3A_691 = tpu.vector_load %arg12[%get3A_689, %get3A_690] {strides = array<i32>} : memref<256x128xi32, #tpu.memory_space<vmem>>, vector<16xi32>,
      %shift_right_logical3A_692 = arith.constant 7 : i32
      %shift_right_logical3A_693 = vector.broadcast %shift_right_logical3A_692 : i32 to vector<16xi32>
      %shift_right_logical3A_694 = arith.shrui %get3A_691, %shift_right_logical3A_693 : vector<16xi32>
      %add3A_695 = arith.addi %broadcast_in_dim3A_364, %shift_right_logical3A_694 : vector<16xi32>
      %and3A_696 = arith.constant 127 : i32
      %and3A_697 = vector.broadcast %and3A_696 : i32 to vector<16xi32>
      %and3A_698 = arith.andi %get3A_691, %and3A_697 : vector<16xi32>
      %gather3A_699 = tpu.vector_load_idx %arg11[%add3A_695, %and3A_698] : memref<256x128xf32, #tpu.memory_space<vmem>>[vector<16xi32>, vector<16xi32>], vector<16xf32>,
      %add3A_700 = arith.addf %add3A_641, %gather3A_699 : vector<16xf32>
      %scan3A_701 = arith.constant 61 : i32
      %scan3A_702 = arith.addi %scan3A_401, %scan3A_701 : i32
      %jit3A_703 = arith.constant 8 : i32
      %div3A_704 = arith.divsi %scan3A_702, %jit3A_703 : i32
      %sign3A_705 = arith.constant 0 : i32
      %sign3A_706 = arith.cmpi sgt, %scan3A_702, %sign3A_705 : i32
      %sign3A_707 = arith.extui %sign3A_706 : i1 to i32
      %sign3A_708 = arith.constant 0 : i32
      %sign3A_709 = arith.cmpi slt, %scan3A_702, %sign3A_708 : i32
      %sign3A_710 = arith.extui %sign3A_709 : i1 to i32
      %sign3A_711 = arith.subi %sign3A_707, %sign3A_710 : i32
      %sign3A_712 = arith.constant 0 : i32
      %sign3A_713 = arith.cmpi sgt, %jit3A_703, %sign3A_712 : i32
      %sign3A_714 = arith.extui %sign3A_713 : i1 to i32
      %sign3A_715 = arith.constant 0 : i32
      %sign3A_716 = arith.cmpi slt, %jit3A_703, %sign3A_715 : i32
      %sign3A_717 = arith.extui %sign3A_716 : i1 to i32
      %sign3A_718 = arith.subi %sign3A_714, %sign3A_717 : i32
      %ne3A_719 = arith.cmpi ne, %sign3A_711, %sign3A_718 : i32
      %rem3A_720 = arith.remsi %scan3A_702, %jit3A_703 : i32
      %ne3A_721 = arith.constant 0 : i32
      %ne3A_722 = arith.cmpi ne, %rem3A_720, %ne3A_721 : i32
      %and3A_723 = arith.andi %ne3A_719, %ne3A_722 : i1
      %sub3A_724 = arith.constant 1 : i32
      %sub3A_725 = arith.subi %div3A_704, %sub3A_724 : i32
      %select_n3A_726 = arith.select %and3A_723, %sub3A_725, %div3A_704 : i32
      %mul3A_727 = arith.constant 8 : i32
      %mul3A_728 = arith.muli %mul3A_727, %select_n3A_726 : i32
      %add3A_729 = arith.addi %add3A_398, %mul3A_728 : i32
      %jit3A_730 = arith.constant 8 : i32
      %eq3A_731 = arith.constant 0 : i32
      %eq3A_732 = arith.cmpi eq, %jit3A_730, %eq3A_731 : i32
      %jit3A_733 = arith.constant 1 : i32
      %select_n3A_734 = arith.select %eq3A_732, %jit3A_733, %jit3A_730 : i32
      %rem3A_735 = arith.remsi %scan3A_702, %select_n3A_734 : i32
      %ne3A_736 = arith.constant 0 : i32
      %ne3A_737 = arith.cmpi ne, %rem3A_735, %ne3A_736 : i32
      %lt3A_738 = arith.constant 0 : i32
      %lt3A_739 = arith.cmpi slt, %rem3A_735, %lt3A_738 : i32
      %lt3A_740 = arith.constant 0 : i32
      %lt3A_741 = arith.cmpi slt, %select_n3A_734, %lt3A_740 : i32
      %ne3A_742 = arith.xori %lt3A_739, %lt3A_741 : i1
      %and3A_743 = arith.andi %ne3A_742, %ne3A_737 : i1
      %add3A_744 = arith.addi %rem3A_735, %select_n3A_734 : i32
      %select_n3A_745 = arith.select %and3A_743, %add3A_744, %rem3A_735 : i32
      %mul3A_746 = arith.constant 16 : i32
      %mul3A_747 = arith.muli %select_n3A_745, %mul3A_746 : i32
      %get3A_748 = arith.index_cast %add3A_729 : i32 to index
      %get3A_749 = arith.index_cast %mul3A_747 : i32 to index
      %get3A_750 = tpu.vector_load %arg12[%get3A_748, %get3A_749] {strides = array<i32>} : memref<256x128xi32, #tpu.memory_space<vmem>>, vector<16xi32>,
      %shift_right_logical3A_751 = arith.constant 7 : i32
      %shift_right_logical3A_752 = vector.broadcast %shift_right_logical3A_751 : i32 to vector<16xi32>
      %shift_right_logical3A_753 = arith.shrui %get3A_750, %shift_right_logical3A_752 : vector<16xi32>
      %add3A_754 = arith.addi %broadcast_in_dim3A_364, %shift_right_logical3A_753 : vector<16xi32>
      %and3A_755 = arith.constant 127 : i32
      %and3A_756 = vector.broadcast %and3A_755 : i32 to vector<16xi32>
      %and3A_757 = arith.andi %get3A_750, %and3A_756 : vector<16xi32>
      %gather3A_758 = tpu.vector_load_idx %arg11[%add3A_754, %and3A_757] : memref<256x128xf32, #tpu.memory_space<vmem>>[vector<16xi32>, vector<16xi32>], vector<16xf32>,
      %add3A_759 = arith.addf %add3A_700, %gather3A_758 : vector<16xf32>
      %scan3A_760 = arith.constant 62 : i32
      %add3A_761 = arith.constant 56 : i32
      %add3A_762 = arith.addi %add3A_398, %add3A_761 : i32
      %get3A_763 = arith.index_cast %add3A_762 : i32 to index
      %get3A_764 = arith.constant 88 : index
      %get3A_765 = tpu.vector_load %arg12[%get3A_763, %get3A_764] {strides = array<i32>} : memref<256x128xi32, #tpu.memory_space<vmem>>, vector<16xi32>,
      %shift_right_logical3A_766 = arith.constant 7 : i32
      %shift_right_logical3A_767 = vector.broadcast %shift_right_logical3A_766 : i32 to vector<16xi32>
      %shift_right_logical3A_768 = arith.shrui %get3A_765, %shift_right_logical3A_767 : vector<16xi32>
      %add3A_769 = arith.addi %broadcast_in_dim3A_364, %shift_right_logical3A_768 : vector<16xi32>
      %and3A_770 = arith.constant 127 : i32
      %and3A_771 = vector.broadcast %and3A_770 : i32 to vector<16xi32>
      %and3A_772 = arith.andi %get3A_765, %and3A_771 : vector<16xi32>
      %gather3A_773 = tpu.vector_load_idx %arg11[%add3A_769, %and3A_772] masked %ge3A_269 : memref<256x128xf32, #tpu.memory_space<vmem>>[vector<16xi32>, vector<16xi32>], vector<16xf32>, vector<16xi1>
      %jit3A_774 = arith.constant 0.000000e+00 : f32
      %broadcast_in_dim3A_775 = vector.broadcast %jit3A_774 : f32 to vector<16xf32>
      %select_n3A_776 = arith.select %ge3A_269, %gather3A_773, %broadcast_in_dim3A_775 : vector<16xi1>, vector<16xf32>
      %add3A_777 = arith.addf %add3A_759, %select_n3A_776 : vector<16xf32>
      %mul3A_778 = arith.constant 16 : i32
      %mul3A_779 = arith.muli %scan3A_360, %mul3A_778 : i32
      %swap3A_780 = arith.index_cast %mul3A_779 : i32 to index
      %swap3A_781 = tpu.vector_load %arg14[%swap3A_780] {strides = array<i32>} : memref<512xf32, #tpu.memory_space<vmem>>, vector<16xf32>,
      tpu.vector_store %arg14[%swap3A_780], %add3A_777 {strides = array<i32>} : memref<512xf32, #tpu.memory_space<vmem>>, vector<16xf32>,
      %scan3A_782 = arith.constant 0 : i32
      scf.yield %scan3A_782 : i32
    }
    %scan3A_321 = arith.constant 16 : i32
    %add3A_322 = arith.constant 0 : i32
    %add3A_323 = vector.broadcast %add3A_322 : i32 to vector<16xi32>
    %add3A_324 = arith.addi %add3A_323, %iota3A : vector<16xi32>
    %get3A_325 = arith.constant 0 : index
    %get3A_326 = tpu.vector_load %arg13[%get3A_325] {strides = array<i32>} : memref<32xi32, #tpu.memory_space<vmem>>, vector<16xi32>,
    %mul3A_327 = arith.constant 8 : i32
    %mul3A_328 = vector.broadcast %mul3A_327 : i32 to vector<16xi32>
    %mul3A_329 = arith.muli %add3A_324, %mul3A_328 : vector<16xi32>
    %shift_right_logical3A_330 = arith.constant 7 : i32
    %shift_right_logical3A_331 = vector.broadcast %shift_right_logical3A_330 : i32 to vector<16xi32>
    %shift_right_logical3A_332 = arith.shrui %get3A_326, %shift_right_logical3A_331 : vector<16xi32>
    %add3A_333 = arith.addi %mul3A_329, %shift_right_logical3A_332 : vector<16xi32>
    %and3A_334 = arith.constant 127 : i32
    %and3A_335 = vector.broadcast %and3A_334 : i32 to vector<16xi32>
    %and3A_336 = arith.andi %get3A_326, %and3A_335 : vector<16xi32>
    %gather3A_337 = tpu.vector_load_idx %arg11[%add3A_333, %and3A_336] : memref<256x128xf32, #tpu.memory_space<vmem>>[vector<16xi32>, vector<16xi32>], vector<16xf32>,
    %swap3A_338 = arith.constant 0 : index
    %swap3A_339 = tpu.vector_load %arg15[%swap3A_338] {strides = array<i32>} : memref<32xf32, #tpu.memory_space<vmem>>, vector<16xf32>,
    tpu.vector_store %arg15[%swap3A_338], %gather3A_337 {strides = array<i32>} : memref<32xf32, #tpu.memory_space<vmem>>, vector<16xf32>,
    %add3A_340 = arith.constant 16 : i32
    %add3A_341 = vector.broadcast %add3A_340 : i32 to vector<16xi32>
    %add3A_342 = arith.addi %add3A_341, %iota3A : vector<16xi32>
    %get3A_343 = arith.constant 16 : index
    %get3A_344 = tpu.vector_load %arg13[%get3A_343] {strides = array<i32>} : memref<32xi32, #tpu.memory_space<vmem>>, vector<16xi32>,
    %mul3A_345 = arith.constant 8 : i32
    %mul3A_346 = vector.broadcast %mul3A_345 : i32 to vector<16xi32>
    %mul3A_347 = arith.muli %add3A_342, %mul3A_346 : vector<16xi32>
    %shift_right_logical3A_348 = arith.constant 7 : i32
    %shift_right_logical3A_349 = vector.broadcast %shift_right_logical3A_348 : i32 to vector<16xi32>
    %shift_right_logical3A_350 = arith.shrui %get3A_344, %shift_right_logical3A_349 : vector<16xi32>
    %add3A_351 = arith.addi %mul3A_347, %shift_right_logical3A_350 : vector<16xi32>
    %and3A_352 = arith.constant 127 : i32
    %and3A_353 = vector.broadcast %and3A_352 : i32 to vector<16xi32>
    %and3A_354 = arith.andi %get3A_344, %and3A_353 : vector<16xi32>
    %gather3A_355 = tpu.vector_load_idx %arg11[%add3A_351, %and3A_354] : memref<256x128xf32, #tpu.memory_space<vmem>>[vector<16xi32>, vector<16xi32>], vector<16xf32>,
    %swap3A_356 = arith.constant 16 : index
    %swap3A_357 = tpu.vector_load %arg15[%swap3A_356] {strides = array<i32>} : memref<32xf32, #tpu.memory_space<vmem>>, vector<16xf32>,
    tpu.vector_store %arg15[%swap3A_356], %gather3A_355 {strides = array<i32>} : memref<32xf32, #tpu.memory_space<vmem>>, vector<16xf32>,
    %mul3A_358 = arith.constant 16 : i32
    %mul3A_359 = arith.muli %mul3A_2, %mul3A_358 : i32
    "tpu.region"() ({
      %run_scoped3A = tpu.sem_alloc : memref<!tpu.dma_semaphore, #tpu.memory_space<semaphore_mem>>
      %dma_start3A_360 = tpu.memref_slice %arg6[%mul3A_359] : memref<16384xf32, #tpu.memory_space<hbm>> -> memref<512xf32, #tpu.memory_space<hbm>>
      %dma_start3A_361 = tpu.memref_slice %arg6[%mul3A_359] : memref<16384xf32, #tpu.memory_space<hbm>> -> memref<512xf32, #tpu.memory_space<hbm>>
      tpu.enqueue_dma source(%arg14 : memref<512xf32, #tpu.memory_space<vmem>>) target(%dma_start3A_361 : memref<512xf32, #tpu.memory_space<hbm>>) target_semaphore(%run_scoped3A : memref<!tpu.dma_semaphore, #tpu.memory_space<semaphore_mem>>)
      %dma_wait3A_362 = tpu.memref_slice %arg6[%mul3A_359] : memref<16384xf32, #tpu.memory_space<hbm>> -> memref<512xf32, #tpu.memory_space<hbm>>
      %dma_wait3A_363 = tpu.memref_slice %arg6[%mul3A_359] : memref<16384xf32, #tpu.memory_space<hbm>> -> memref<512xf32, #tpu.memory_space<hbm>>
      tpu.wait_dma2 semaphore(%run_scoped3A : memref<!tpu.dma_semaphore, #tpu.memory_space<semaphore_mem>>) src(%arg14 : memref<512xf32, #tpu.memory_space<vmem>>) dst(%dma_wait3A_363 : memref<512xf32, #tpu.memory_space<hbm>>)
      tpu.yield
    }) : () -> ()
    "tpu.region"() ({
      %run_scoped3A = tpu.sem_alloc : memref<!tpu.dma_semaphore, #tpu.memory_space<semaphore_mem>>
      %dma_start3A_360 = tpu.memref_slice %arg7[%mul3A_2] : memref<1024xf32, #tpu.memory_space<hbm>> -> memref<32xf32, #tpu.memory_space<hbm>>
      %dma_start3A_361 = tpu.memref_slice %arg7[%mul3A_2] : memref<1024xf32, #tpu.memory_space<hbm>> -> memref<32xf32, #tpu.memory_space<hbm>>
      tpu.enqueue_dma source(%arg15 : memref<32xf32, #tpu.memory_space<vmem>>) target(%dma_start3A_361 : memref<32xf32, #tpu.memory_space<hbm>>) target_semaphore(%run_scoped3A : memref<!tpu.dma_semaphore, #tpu.memory_space<semaphore_mem>>)
      %dma_wait3A_362 = tpu.memref_slice %arg7[%mul3A_2] : memref<1024xf32, #tpu.memory_space<hbm>> -> memref<32xf32, #tpu.memory_space<hbm>>
      %dma_wait3A_363 = tpu.memref_slice %arg7[%mul3A_2] : memref<1024xf32, #tpu.memory_space<hbm>> -> memref<32xf32, #tpu.memory_space<hbm>>
      tpu.wait_dma2 semaphore(%run_scoped3A : memref<!tpu.dma_semaphore, #tpu.memory_space<semaphore_mem>>) src(%arg15 : memref<32xf32, #tpu.memory_space<vmem>>) dst(%dma_wait3A_363 : memref<32xf32, #tpu.memory_space<hbm>>)
      tpu.yield
    }) : () -> ()
    return
  }
}

module attributes {stable_mosaic.version = 14 : i64} {
  func.func @_gram_exp_body(%arg0: memref<64x1000xf32, #tpu.memory_space<vmem>>, %arg1: memref<1000x1024xi32, #tpu.memory_space<hbm>>, %arg2: memref<125x8x8x128xf32, #tpu.memory_space<vmem>>, %arg3: memref<128x8x8x128xi32, #tpu.memory_space<vmem>>, %arg4: memref<1000x1024xi32, #tpu.memory_space<vmem>>, %arg5: memref<!tpu.dma_semaphore, #tpu.memory_space<semaphore_mem>>) attributes {dimension_semantics = [], scalar_prefetch = 0 : i64, scratch_operands = 2 : i64, tpu.core_type = #tpu.core_type<tc>} {
    tpu.enqueue_dma source(%arg1 : memref<1000x1024xi32, #tpu.memory_space<hbm>>) target(%arg4 : memref<1000x1024xi32, #tpu.memory_space<vmem>>) target_semaphore(%arg5 : memref<!tpu.dma_semaphore, #tpu.memory_space<semaphore_mem>>)
    %get3A = arith.constant 0 : index
    %get3A_0 = arith.constant 0 : index
    %get3A_1 = vector.load %arg0[%get3A, %get3A_0] : memref<64x1000xf32, #tpu.memory_space<vmem>>, vector<64x1000xf32>
    %dot_general3A = arith.constant dense<0.000000e+00> : vector<1000x1000xf32>
    %dot_general3A_2 = tpu.matmul %get3A_1, %get3A_1, %dot_general3A {dimension_numbers = #tpu.dot_dimension_numbers<[0], [0], [1], [1], [0, 1, 1, 1], [], []>, precision = #tpu.contract_precision<fp32>, transpose_lhs_hint = false} : vector<64x1000xf32>, vector<64x1000xf32>, vector<1000x1000xf32> -> vector<1000x1000xf32>
    %exp3A = math.exp %dot_general3A_2 : vector<1000x1000xf32>
    %slice3A = vector.extract_strided_slice %exp3A {offsets = [0, 0], sizes = [1000, 128], strides = [1, 1]} : vector<1000x1000xf32> to vector<1000x128xf32>
    %reshape3A = vector.shape_cast %slice3A : vector<1000x128xf32> to vector<125x8x128xf32>
    %swap3A = arith.constant 0 : index
    %swap3A_3 = arith.constant 0 : index
    %swap3A_4 = arith.constant 0 : index
    %swap3A_5 = arith.constant 0 : index
    %swap3A_6 = vector.load %arg2[%swap3A, %swap3A_3, %swap3A_4, %swap3A_5] : memref<125x8x8x128xf32, #tpu.memory_space<vmem>>, vector<125x1x8x128xf32>
    %swap3A_7 = vector.shape_cast %swap3A_6 : vector<125x1x8x128xf32> to vector<125x8x128xf32>
    %swap3A_8 = vector.shape_cast %reshape3A : vector<125x8x128xf32> to vector<125x1x8x128xf32>
    tpu.vector_store %arg2[%swap3A, %swap3A_3, %swap3A_4, %swap3A_5], %swap3A_8 {strides = array<i32>} : memref<125x8x8x128xf32, #tpu.memory_space<vmem>>, vector<125x1x8x128xf32>,
    %slice3A_9 = vector.extract_strided_slice %exp3A {offsets = [0, 128], sizes = [1000, 128], strides = [1, 1]} : vector<1000x1000xf32> to vector<1000x128xf32>
    %reshape3A_10 = vector.shape_cast %slice3A_9 : vector<1000x128xf32> to vector<125x8x128xf32>
    %swap3A_11 = arith.constant 0 : index
    %swap3A_12 = arith.constant 1 : index
    %swap3A_13 = arith.constant 0 : index
    %swap3A_14 = arith.constant 0 : index
    %swap3A_15 = vector.load %arg2[%swap3A_11, %swap3A_12, %swap3A_13, %swap3A_14] : memref<125x8x8x128xf32, #tpu.memory_space<vmem>>, vector<125x1x8x128xf32>
    %swap3A_16 = vector.shape_cast %swap3A_15 : vector<125x1x8x128xf32> to vector<125x8x128xf32>
    %swap3A_17 = vector.shape_cast %reshape3A_10 : vector<125x8x128xf32> to vector<125x1x8x128xf32>
    tpu.vector_store %arg2[%swap3A_11, %swap3A_12, %swap3A_13, %swap3A_14], %swap3A_17 {strides = array<i32>} : memref<125x8x8x128xf32, #tpu.memory_space<vmem>>, vector<125x1x8x128xf32>,
    %slice3A_18 = vector.extract_strided_slice %exp3A {offsets = [0, 256], sizes = [1000, 128], strides = [1, 1]} : vector<1000x1000xf32> to vector<1000x128xf32>
    %reshape3A_19 = vector.shape_cast %slice3A_18 : vector<1000x128xf32> to vector<125x8x128xf32>
    %swap3A_20 = arith.constant 0 : index
    %swap3A_21 = arith.constant 2 : index
    %swap3A_22 = arith.constant 0 : index
    %swap3A_23 = arith.constant 0 : index
    %swap3A_24 = vector.load %arg2[%swap3A_20, %swap3A_21, %swap3A_22, %swap3A_23] : memref<125x8x8x128xf32, #tpu.memory_space<vmem>>, vector<125x1x8x128xf32>
    %swap3A_25 = vector.shape_cast %swap3A_24 : vector<125x1x8x128xf32> to vector<125x8x128xf32>
    %swap3A_26 = vector.shape_cast %reshape3A_19 : vector<125x8x128xf32> to vector<125x1x8x128xf32>
    tpu.vector_store %arg2[%swap3A_20, %swap3A_21, %swap3A_22, %swap3A_23], %swap3A_26 {strides = array<i32>} : memref<125x8x8x128xf32, #tpu.memory_space<vmem>>, vector<125x1x8x128xf32>,
    %slice3A_27 = vector.extract_strided_slice %exp3A {offsets = [0, 384], sizes = [1000, 128], strides = [1, 1]} : vector<1000x1000xf32> to vector<1000x128xf32>
    %reshape3A_28 = vector.shape_cast %slice3A_27 : vector<1000x128xf32> to vector<125x8x128xf32>
    %swap3A_29 = arith.constant 0 : index
    %swap3A_30 = arith.constant 3 : index
    %swap3A_31 = arith.constant 0 : index
    %swap3A_32 = arith.constant 0 : index
    %swap3A_33 = vector.load %arg2[%swap3A_29, %swap3A_30, %swap3A_31, %swap3A_32] : memref<125x8x8x128xf32, #tpu.memory_space<vmem>>, vector<125x1x8x128xf32>
    %swap3A_34 = vector.shape_cast %swap3A_33 : vector<125x1x8x128xf32> to vector<125x8x128xf32>
    %swap3A_35 = vector.shape_cast %reshape3A_28 : vector<125x8x128xf32> to vector<125x1x8x128xf32>
    tpu.vector_store %arg2[%swap3A_29, %swap3A_30, %swap3A_31, %swap3A_32], %swap3A_35 {strides = array<i32>} : memref<125x8x8x128xf32, #tpu.memory_space<vmem>>, vector<125x1x8x128xf32>,
    %slice3A_36 = vector.extract_strided_slice %exp3A {offsets = [0, 512], sizes = [1000, 128], strides = [1, 1]} : vector<1000x1000xf32> to vector<1000x128xf32>
    %reshape3A_37 = vector.shape_cast %slice3A_36 : vector<1000x128xf32> to vector<125x8x128xf32>
    %swap3A_38 = arith.constant 0 : index
    %swap3A_39 = arith.constant 4 : index
    %swap3A_40 = arith.constant 0 : index
    %swap3A_41 = arith.constant 0 : index
    %swap3A_42 = vector.load %arg2[%swap3A_38, %swap3A_39, %swap3A_40, %swap3A_41] : memref<125x8x8x128xf32, #tpu.memory_space<vmem>>, vector<125x1x8x128xf32>
    %swap3A_43 = vector.shape_cast %swap3A_42 : vector<125x1x8x128xf32> to vector<125x8x128xf32>
    %swap3A_44 = vector.shape_cast %reshape3A_37 : vector<125x8x128xf32> to vector<125x1x8x128xf32>
    tpu.vector_store %arg2[%swap3A_38, %swap3A_39, %swap3A_40, %swap3A_41], %swap3A_44 {strides = array<i32>} : memref<125x8x8x128xf32, #tpu.memory_space<vmem>>, vector<125x1x8x128xf32>,
    %slice3A_45 = vector.extract_strided_slice %exp3A {offsets = [0, 640], sizes = [1000, 128], strides = [1, 1]} : vector<1000x1000xf32> to vector<1000x128xf32>
    %reshape3A_46 = vector.shape_cast %slice3A_45 : vector<1000x128xf32> to vector<125x8x128xf32>
    %swap3A_47 = arith.constant 0 : index
    %swap3A_48 = arith.constant 5 : index
    %swap3A_49 = arith.constant 0 : index
    %swap3A_50 = arith.constant 0 : index
    %swap3A_51 = vector.load %arg2[%swap3A_47, %swap3A_48, %swap3A_49, %swap3A_50] : memref<125x8x8x128xf32, #tpu.memory_space<vmem>>, vector<125x1x8x128xf32>
    %swap3A_52 = vector.shape_cast %swap3A_51 : vector<125x1x8x128xf32> to vector<125x8x128xf32>
    %swap3A_53 = vector.shape_cast %reshape3A_46 : vector<125x8x128xf32> to vector<125x1x8x128xf32>
    tpu.vector_store %arg2[%swap3A_47, %swap3A_48, %swap3A_49, %swap3A_50], %swap3A_53 {strides = array<i32>} : memref<125x8x8x128xf32, #tpu.memory_space<vmem>>, vector<125x1x8x128xf32>,
    %slice3A_54 = vector.extract_strided_slice %exp3A {offsets = [0, 768], sizes = [1000, 128], strides = [1, 1]} : vector<1000x1000xf32> to vector<1000x128xf32>
    %reshape3A_55 = vector.shape_cast %slice3A_54 : vector<1000x128xf32> to vector<125x8x128xf32>
    %swap3A_56 = arith.constant 0 : index
    %swap3A_57 = arith.constant 6 : index
    %swap3A_58 = arith.constant 0 : index
    %swap3A_59 = arith.constant 0 : index
    %swap3A_60 = vector.load %arg2[%swap3A_56, %swap3A_57, %swap3A_58, %swap3A_59] : memref<125x8x8x128xf32, #tpu.memory_space<vmem>>, vector<125x1x8x128xf32>
    %swap3A_61 = vector.shape_cast %swap3A_60 : vector<125x1x8x128xf32> to vector<125x8x128xf32>
    %swap3A_62 = vector.shape_cast %reshape3A_55 : vector<125x8x128xf32> to vector<125x1x8x128xf32>
    tpu.vector_store %arg2[%swap3A_56, %swap3A_57, %swap3A_58, %swap3A_59], %swap3A_62 {strides = array<i32>} : memref<125x8x8x128xf32, #tpu.memory_space<vmem>>, vector<125x1x8x128xf32>,
    %slice3A_63 = vector.extract_strided_slice %exp3A {offsets = [0, 896], sizes = [1000, 104], strides = [1, 1]} : vector<1000x1000xf32> to vector<1000x104xf32>
    %broadcast_in_dim3A = arith.constant 0.000000e+00 : f32
    %broadcast_in_dim3A_64 = vector.broadcast %broadcast_in_dim3A : f32 to vector<1000x24xf32>
    %concatenate3A = tpu.concatenate %slice3A_63, %broadcast_in_dim3A_64 in 1 : vector<1000x104xf32>, vector<1000x24xf32> -> vector<1000x128xf32>
    %reshape3A_65 = vector.shape_cast %concatenate3A : vector<1000x128xf32> to vector<125x8x128xf32>
    %swap3A_66 = arith.constant 0 : index
    %swap3A_67 = arith.constant 7 : index
    %swap3A_68 = arith.constant 0 : index
    %swap3A_69 = arith.constant 0 : index
    %swap3A_70 = vector.load %arg2[%swap3A_66, %swap3A_67, %swap3A_68, %swap3A_69] : memref<125x8x8x128xf32, #tpu.memory_space<vmem>>, vector<125x1x8x128xf32>
    %swap3A_71 = vector.shape_cast %swap3A_70 : vector<125x1x8x128xf32> to vector<125x8x128xf32>
    %swap3A_72 = vector.shape_cast %reshape3A_65 : vector<125x8x128xf32> to vector<125x1x8x128xf32>
    tpu.vector_store %arg2[%swap3A_66, %swap3A_67, %swap3A_68, %swap3A_69], %swap3A_72 {strides = array<i32>} : memref<125x8x8x128xf32, #tpu.memory_space<vmem>>, vector<125x1x8x128xf32>,
    tpu.wait_dma2 semaphore(%arg5 : memref<!tpu.dma_semaphore, #tpu.memory_space<semaphore_mem>>) src(%arg1 : memref<1000x1024xi32, #tpu.memory_space<hbm>>) dst(%arg4 : memref<1000x1024xi32, #tpu.memory_space<vmem>>)
    %get3A_73 = arith.constant 0 : index
    %get3A_74 = arith.constant 0 : index
    %get3A_75 = vector.load %arg4[%get3A_73, %get3A_74] : memref<1000x1024xi32, #tpu.memory_space<vmem>>, vector<1000x1024xi32>
    %transpose3A = tpu.transpose %get3A_75, [1, 0] : vector<1000x1024xi32> -> vector<1024x1000xi32>
    %slice3A_76 = vector.extract_strided_slice %transpose3A {offsets = [0, 0], sizes = [1024, 128], strides = [1, 1]} : vector<1024x1000xi32> to vector<1024x128xi32>
    %reshape3A_77 = vector.shape_cast %slice3A_76 : vector<1024x128xi32> to vector<128x8x128xi32>
    %swap3A_78 = arith.constant 0 : index
    %swap3A_79 = arith.constant 0 : index
    %swap3A_80 = arith.constant 0 : index
    %swap3A_81 = arith.constant 0 : index
    %swap3A_82 = vector.load %arg3[%swap3A_78, %swap3A_79, %swap3A_80, %swap3A_81] : memref<128x8x8x128xi32, #tpu.memory_space<vmem>>, vector<128x1x8x128xi32>
    %swap3A_83 = vector.shape_cast %swap3A_82 : vector<128x1x8x128xi32> to vector<128x8x128xi32>
    %swap3A_84 = vector.shape_cast %reshape3A_77 : vector<128x8x128xi32> to vector<128x1x8x128xi32>
    tpu.vector_store %arg3[%swap3A_78, %swap3A_79, %swap3A_80, %swap3A_81], %swap3A_84 {strides = array<i32>} : memref<128x8x8x128xi32, #tpu.memory_space<vmem>>, vector<128x1x8x128xi32>,
    %slice3A_85 = vector.extract_strided_slice %transpose3A {offsets = [0, 128], sizes = [1024, 128], strides = [1, 1]} : vector<1024x1000xi32> to vector<1024x128xi32>
    %reshape3A_86 = vector.shape_cast %slice3A_85 : vector<1024x128xi32> to vector<128x8x128xi32>
    %swap3A_87 = arith.constant 0 : index
    %swap3A_88 = arith.constant 1 : index
    %swap3A_89 = arith.constant 0 : index
    %swap3A_90 = arith.constant 0 : index
    %swap3A_91 = vector.load %arg3[%swap3A_87, %swap3A_88, %swap3A_89, %swap3A_90] : memref<128x8x8x128xi32, #tpu.memory_space<vmem>>, vector<128x1x8x128xi32>
    %swap3A_92 = vector.shape_cast %swap3A_91 : vector<128x1x8x128xi32> to vector<128x8x128xi32>
    %swap3A_93 = vector.shape_cast %reshape3A_86 : vector<128x8x128xi32> to vector<128x1x8x128xi32>
    tpu.vector_store %arg3[%swap3A_87, %swap3A_88, %swap3A_89, %swap3A_90], %swap3A_93 {strides = array<i32>} : memref<128x8x8x128xi32, #tpu.memory_space<vmem>>, vector<128x1x8x128xi32>,
    %slice3A_94 = vector.extract_strided_slice %transpose3A {offsets = [0, 256], sizes = [1024, 128], strides = [1, 1]} : vector<1024x1000xi32> to vector<1024x128xi32>
    %reshape3A_95 = vector.shape_cast %slice3A_94 : vector<1024x128xi32> to vector<128x8x128xi32>
    %swap3A_96 = arith.constant 0 : index
    %swap3A_97 = arith.constant 2 : index
    %swap3A_98 = arith.constant 0 : index
    %swap3A_99 = arith.constant 0 : index
    %swap3A_100 = vector.load %arg3[%swap3A_96, %swap3A_97, %swap3A_98, %swap3A_99] : memref<128x8x8x128xi32, #tpu.memory_space<vmem>>, vector<128x1x8x128xi32>
    %swap3A_101 = vector.shape_cast %swap3A_100 : vector<128x1x8x128xi32> to vector<128x8x128xi32>
    %swap3A_102 = vector.shape_cast %reshape3A_95 : vector<128x8x128xi32> to vector<128x1x8x128xi32>
    tpu.vector_store %arg3[%swap3A_96, %swap3A_97, %swap3A_98, %swap3A_99], %swap3A_102 {strides = array<i32>} : memref<128x8x8x128xi32, #tpu.memory_space<vmem>>, vector<128x1x8x128xi32>,
    %slice3A_103 = vector.extract_strided_slice %transpose3A {offsets = [0, 384], sizes = [1024, 128], strides = [1, 1]} : vector<1024x1000xi32> to vector<1024x128xi32>
    %reshape3A_104 = vector.shape_cast %slice3A_103 : vector<1024x128xi32> to vector<128x8x128xi32>
    %swap3A_105 = arith.constant 0 : index
    %swap3A_106 = arith.constant 3 : index
    %swap3A_107 = arith.constant 0 : index
    %swap3A_108 = arith.constant 0 : index
    %swap3A_109 = vector.load %arg3[%swap3A_105, %swap3A_106, %swap3A_107, %swap3A_108] : memref<128x8x8x128xi32, #tpu.memory_space<vmem>>, vector<128x1x8x128xi32>
    %swap3A_110 = vector.shape_cast %swap3A_109 : vector<128x1x8x128xi32> to vector<128x8x128xi32>
    %swap3A_111 = vector.shape_cast %reshape3A_104 : vector<128x8x128xi32> to vector<128x1x8x128xi32>
    tpu.vector_store %arg3[%swap3A_105, %swap3A_106, %swap3A_107, %swap3A_108], %swap3A_111 {strides = array<i32>} : memref<128x8x8x128xi32, #tpu.memory_space<vmem>>, vector<128x1x8x128xi32>,
    %slice3A_112 = vector.extract_strided_slice %transpose3A {offsets = [0, 512], sizes = [1024, 128], strides = [1, 1]} : vector<1024x1000xi32> to vector<1024x128xi32>
    %reshape3A_113 = vector.shape_cast %slice3A_112 : vector<1024x128xi32> to vector<128x8x128xi32>
    %swap3A_114 = arith.constant 0 : index
    %swap3A_115 = arith.constant 4 : index
    %swap3A_116 = arith.constant 0 : index
    %swap3A_117 = arith.constant 0 : index
    %swap3A_118 = vector.load %arg3[%swap3A_114, %swap3A_115, %swap3A_116, %swap3A_117] : memref<128x8x8x128xi32, #tpu.memory_space<vmem>>, vector<128x1x8x128xi32>
    %swap3A_119 = vector.shape_cast %swap3A_118 : vector<128x1x8x128xi32> to vector<128x8x128xi32>
    %swap3A_120 = vector.shape_cast %reshape3A_113 : vector<128x8x128xi32> to vector<128x1x8x128xi32>
    tpu.vector_store %arg3[%swap3A_114, %swap3A_115, %swap3A_116, %swap3A_117], %swap3A_120 {strides = array<i32>} : memref<128x8x8x128xi32, #tpu.memory_space<vmem>>, vector<128x1x8x128xi32>,
    %slice3A_121 = vector.extract_strided_slice %transpose3A {offsets = [0, 640], sizes = [1024, 128], strides = [1, 1]} : vector<1024x1000xi32> to vector<1024x128xi32>
    %reshape3A_122 = vector.shape_cast %slice3A_121 : vector<1024x128xi32> to vector<128x8x128xi32>
    %swap3A_123 = arith.constant 0 : index
    %swap3A_124 = arith.constant 5 : index
    %swap3A_125 = arith.constant 0 : index
    %swap3A_126 = arith.constant 0 : index
    %swap3A_127 = vector.load %arg3[%swap3A_123, %swap3A_124, %swap3A_125, %swap3A_126] : memref<128x8x8x128xi32, #tpu.memory_space<vmem>>, vector<128x1x8x128xi32>
    %swap3A_128 = vector.shape_cast %swap3A_127 : vector<128x1x8x128xi32> to vector<128x8x128xi32>
    %swap3A_129 = vector.shape_cast %reshape3A_122 : vector<128x8x128xi32> to vector<128x1x8x128xi32>
    tpu.vector_store %arg3[%swap3A_123, %swap3A_124, %swap3A_125, %swap3A_126], %swap3A_129 {strides = array<i32>} : memref<128x8x8x128xi32, #tpu.memory_space<vmem>>, vector<128x1x8x128xi32>,
    %slice3A_130 = vector.extract_strided_slice %transpose3A {offsets = [0, 768], sizes = [1024, 128], strides = [1, 1]} : vector<1024x1000xi32> to vector<1024x128xi32>
    %reshape3A_131 = vector.shape_cast %slice3A_130 : vector<1024x128xi32> to vector<128x8x128xi32>
    %swap3A_132 = arith.constant 0 : index
    %swap3A_133 = arith.constant 6 : index
    %swap3A_134 = arith.constant 0 : index
    %swap3A_135 = arith.constant 0 : index
    %swap3A_136 = vector.load %arg3[%swap3A_132, %swap3A_133, %swap3A_134, %swap3A_135] : memref<128x8x8x128xi32, #tpu.memory_space<vmem>>, vector<128x1x8x128xi32>
    %swap3A_137 = vector.shape_cast %swap3A_136 : vector<128x1x8x128xi32> to vector<128x8x128xi32>
    %swap3A_138 = vector.shape_cast %reshape3A_131 : vector<128x8x128xi32> to vector<128x1x8x128xi32>
    tpu.vector_store %arg3[%swap3A_132, %swap3A_133, %swap3A_134, %swap3A_135], %swap3A_138 {strides = array<i32>} : memref<128x8x8x128xi32, #tpu.memory_space<vmem>>, vector<128x1x8x128xi32>,
    %slice3A_139 = vector.extract_strided_slice %transpose3A {offsets = [0, 896], sizes = [1024, 104], strides = [1, 1]} : vector<1024x1000xi32> to vector<1024x104xi32>
    %broadcast_in_dim3A_140 = arith.constant 0 : i32
    %broadcast_in_dim3A_141 = vector.broadcast %broadcast_in_dim3A_140 : i32 to vector<1024x24xi32>
    %concatenate3A_142 = tpu.concatenate %slice3A_139, %broadcast_in_dim3A_141 in 1 : vector<1024x104xi32>, vector<1024x24xi32> -> vector<1024x128xi32>
    %reshape3A_143 = vector.shape_cast %concatenate3A_142 : vector<1024x128xi32> to vector<128x8x128xi32>
    %swap3A_144 = arith.constant 0 : index
    %swap3A_145 = arith.constant 7 : index
    %swap3A_146 = arith.constant 0 : index
    %swap3A_147 = arith.constant 0 : index
    %swap3A_148 = vector.load %arg3[%swap3A_144, %swap3A_145, %swap3A_146, %swap3A_147] : memref<128x8x8x128xi32, #tpu.memory_space<vmem>>, vector<128x1x8x128xi32>
    %swap3A_149 = vector.shape_cast %swap3A_148 : vector<128x1x8x128xi32> to vector<128x8x128xi32>
    %swap3A_150 = vector.shape_cast %reshape3A_143 : vector<128x8x128xi32> to vector<128x1x8x128xi32>
    tpu.vector_store %arg3[%swap3A_144, %swap3A_145, %swap3A_146, %swap3A_147], %swap3A_150 {strides = array<i32>} : memref<128x8x8x128xi32, #tpu.memory_space<vmem>>, vector<128x1x8x128xi32>,
    return
  }
}

module attributes {stable_mosaic.version = 14 : i64} {
  func.func @_loss_body(%arg0: memref<128x128xf32, #tpu.memory_space<vmem>>, %arg1: memref<8x128xf32, #tpu.memory_space<vmem>>, %arg2: memref<1x1xf32, #tpu.memory_space<smem>>) attributes {dimension_semantics = [], scalar_prefetch = 0 : i64, scratch_operands = 0 : i64, tpu.core_type = #tpu.core_type<tc>} {
    %get3A = arith.constant 0 : index
    %get3A_0 = arith.constant 0 : index
    %get3A_1 = vector.load %arg0[%get3A, %get3A_0] : memref<128x128xf32, #tpu.memory_space<vmem>>, vector<128x128xf32>
    %iota3A = tpu.iota {dimensions = array<i32: 0>} : vector<128x8xi32>
    %iota3A_2 = tpu.iota {dimensions = array<i32: 1>} : vector<128x8xi32>
    %jit3A = arith.constant 16 : i32
    %div3A = vector.broadcast %jit3A : i32 to vector<128x8xi32>
    %div3A_3 = arith.divsi %iota3A, %div3A : vector<128x8xi32>
    %sign3A = arith.constant 0 : i32
    %sign3A_4 = vector.broadcast %sign3A : i32 to vector<128x8xi32>
    %sign3A_5 = arith.cmpi sgt, %iota3A, %sign3A_4 : vector<128x8xi32>
    %sign3A_6 = arith.extui %sign3A_5 : vector<128x8xi1> to vector<128x8xi32>
    %sign3A_7 = arith.constant 0 : i32
    %sign3A_8 = vector.broadcast %sign3A_7 : i32 to vector<128x8xi32>
    %sign3A_9 = arith.cmpi slt, %iota3A, %sign3A_8 : vector<128x8xi32>
    %sign3A_10 = arith.extui %sign3A_9 : vector<128x8xi1> to vector<128x8xi32>
    %sign3A_11 = arith.subi %sign3A_6, %sign3A_10 : vector<128x8xi32>
    %sign3A_12 = arith.constant 0 : i32
    %sign3A_13 = arith.cmpi sgt, %jit3A, %sign3A_12 : i32
    %sign3A_14 = arith.extui %sign3A_13 : i1 to i32
    %sign3A_15 = arith.constant 0 : i32
    %sign3A_16 = arith.cmpi slt, %jit3A, %sign3A_15 : i32
    %sign3A_17 = arith.extui %sign3A_16 : i1 to i32
    %sign3A_18 = arith.subi %sign3A_14, %sign3A_17 : i32
    %ne3A = vector.broadcast %sign3A_18 : i32 to vector<128x8xi32>
    %ne3A_19 = arith.cmpi ne, %sign3A_11, %ne3A : vector<128x8xi32>
    %rem3A = vector.broadcast %jit3A : i32 to vector<128x8xi32>
    %rem3A_20 = arith.remsi %iota3A, %rem3A : vector<128x8xi32>
    %ne3A_21 = arith.constant 0 : i32
    %ne3A_22 = vector.broadcast %ne3A_21 : i32 to vector<128x8xi32>
    %ne3A_23 = arith.cmpi ne, %rem3A_20, %ne3A_22 : vector<128x8xi32>
    %and3A = arith.andi %ne3A_19, %ne3A_23 : vector<128x8xi1>
    %sub3A = arith.constant 1 : i32
    %sub3A_24 = vector.broadcast %sub3A : i32 to vector<128x8xi32>
    %sub3A_25 = arith.subi %div3A_3, %sub3A_24 : vector<128x8xi32>
    %select_n3A = arith.select %and3A, %sub3A_25, %div3A_3 : vector<128x8xi1>, vector<128x8xi32>
    %eq3A = arith.cmpi eq, %select_n3A, %iota3A_2 : vector<128x8xi32>
    %jit3A_26 = arith.constant 1.000000e+00 : f32
    %jit3A_27 = arith.constant 0.000000e+00 : f32
    %broadcast_in_dim3A = vector.broadcast %jit3A_26 : f32 to vector<128x8xf32>
    %broadcast_in_dim3A_28 = vector.broadcast %jit3A_27 : f32 to vector<128x8xf32>
    %select_n3A_29 = arith.select %eq3A, %broadcast_in_dim3A, %broadcast_in_dim3A_28 : vector<128x8xi1>, vector<128x8xf32>
    %dot_general3A = arith.constant dense<0.000000e+00> : vector<128x8xf32>
    %dot_general3A_30 = tpu.matmul %get3A_1, %select_n3A_29, %dot_general3A {dimension_numbers = #tpu.dot_dimension_numbers<[1], [0], [0], [1], [0, 0, 1, 1], [], []>, precision = #tpu.contract_precision<fp32>, transpose_lhs_hint = false} : vector<128x128xf32>, vector<128x8xf32>, vector<128x8xf32> -> vector<128x8xf32>
    %log3A = math.log %dot_general3A_30 : vector<128x8xf32>
    %reduce_sum3A = vector.shape_cast %log3A : vector<128x8xf32> to vector<1x128x8xf32>
    %reduce_sum3A_31 = arith.constant dense<0.000000e+00> : vector<1xf32>
    %reduce_sum3A_32 = vector.multi_reduction <add>, %reduce_sum3A, %reduce_sum3A_31 [1, 2] : vector<1x128x8xf32> to vector<1xf32>
    %reduce_sum3A_33 = vector.shape_cast %reduce_sum3A_32 : vector<1xf32> to vector<1x1x1xf32>
    %reduce_sum3A_34 = vector.extract %reduce_sum3A_33[0, 0, 0] : f32 from vector<1x1x1xf32>
    %div3A_35 = arith.constant 1.024000e+03 : f32
    %div3A_36 = arith.divf %reduce_sum3A_34, %div3A_35 : f32
    %get3A_37 = arith.constant 0 : index
    %get3A_38 = arith.constant 0 : index
    %get3A_39 = vector.load %arg1[%get3A_37, %get3A_38] : memref<8x128xf32, #tpu.memory_space<vmem>>, vector<8x128xf32>
    %log3A_40 = math.log %get3A_39 : vector<8x128xf32>
    %reduce_sum3A_41 = vector.shape_cast %log3A_40 : vector<8x128xf32> to vector<1x8x128xf32>
    %reduce_sum3A_42 = arith.constant dense<0.000000e+00> : vector<1xf32>
    %reduce_sum3A_43 = vector.multi_reduction <add>, %reduce_sum3A_41, %reduce_sum3A_42 [1, 2] : vector<1x8x128xf32> to vector<1xf32>
    %reduce_sum3A_44 = vector.shape_cast %reduce_sum3A_43 : vector<1xf32> to vector<1x1x1xf32>
    %reduce_sum3A_45 = vector.extract %reduce_sum3A_44[0, 0, 0] : f32 from vector<1x1x1xf32>
    %div3A_46 = arith.constant 1.024000e+03 : f32
    %div3A_47 = arith.divf %reduce_sum3A_45, %div3A_46 : f32
    %sub3A_48 = arith.subf %div3A_36, %div3A_47 : f32
    %swap3A = arith.constant 0 : index
    %swap3A_49 = arith.constant 0 : index
    %swap3A_50 = memref.load %arg2[%swap3A, %swap3A_49] : memref<1x1xf32, #tpu.memory_space<smem>>
    memref.store %sub3A_48, %arg2[%swap3A, %swap3A_49] : memref<1x1xf32, #tpu.memory_space<smem>>
    return
  }
}

</mosaic_0001>

<sc_bundles>
// kernel: kernel.5.cloned.1.call-start
scs
__scs_entry_jumppad:
0x0: {  	(pc) =	sbr.rel $0x88, $3  }
0x1: {  	(tag) =	ssettag $0x0;
	lr =	simm.s32 $0x1  }
0x2: {  	[smem:$0x3F9D] =	sst lr;
	_ =	strace $0xD0000000  }
0x3: {  	_ = 	snop  }
0x4: {  	_ = 	snop  }
0x5: {  	_ = 	snop  }
0x6: {  	_ = 	snop  }
0x7: {  	_ = 	snop  }
__scs_overlays_trampoline_lowered:
0x8: {  	[smem:$0x3FAC] =	sst s0  }
0x9: {  	[smem:$0x3FAD] =	sst s1  }
0xa: {  	[smem:$0x3FAE] =	sst s2  }
0xb: {  	[smem:$0x3FAF] =	sst s3  }
0xc: {  	[smem:$0x3FB0] =	sst s4  }
0xd: {  	[smem:$0x3FB1] =	sst s5  }
0xe: {  	[smem:$0x3FB2] =	sst s6  }
0xf: {  	[smem:$0x3FB3] =	sst s7  }
0x10: {  	[smem:$0x3FB4] =	sst s8  }
0x11: {  	[smem:$0x3FB5] =	sst s9;
	s0 =	simm.s32 @!p0 $0x0  }
0x12: {  	s1 =	sld [smem:$0x3F9B];
	s0 =	simm.s32 @p0 $0x1  }
0x13: {  	[smem:$0x3FB6] =	sst s0;
	s0 =	simm.s32 @!p1 $0x0  }
0x14: {  	s2 =	sld [smem:$0x3F9A];
	s0 =	simm.s32 @p1 $0x1  }
0x15: {  	[smem:$0x3FB7] =	sst s0;
	s0 =	simm.s32 @!p2 $0x0  }
0x16: {  	s3 =	sld [smem:$0x3FDB];
	s0 =	simm.s32 @p2 $0x1  }
0x17: {  	s4 =	simm.s32 $0x1BF5;
	[smem:$0x3FB9] =	sst s0  }
0x18: {  	s0 =	sld [smem:$0x3F9C];
	_ =	swait.ge [sflag:s4], $0x0  }
0x19: {  	s7 =	sld [smem:$0x3F9D]  }
0x1a: {  	s8 =	sadd.s32 $0xFFFFE003, lr  }
0x1b: {  	s9 =	sadd.s32 $0xFFFFFEF7, lr;
	s5 =	simm.s32 $0xFFFFFFFF;
	p2 =	slt.u32 s8, $0xFFFFF086  }
0x1c: {  	p1 =	slt.u32 s9, $0xF7A;
	s5 =	simm.s32 @!p2 $0x0  }
0x1d: {  	s5 =	simm.s32 @p1 $0x1;
	p0 =	seq.s32 s7, s2  }
0x1e: {  	s7 =	smul.u32 @!p0 $0xF7A, s2;
	p2 =	seq.s32 @!p0 s5, $0x0  }
0x1f: {  	s9 =	smul.u32 $0xF7A, s1;
	s8 =	simm.s32 @!p0 $0x1BF5;
	p2 =	por !p2, p0  }
0x20: {  	[sflag:s8] =	ssyncset.s32 @!p0 $0xFFFFF086;
	s6 =	sadd.s32 @!p0 s3, s7;
	s7 =	simm.s32 @!p0 $0x108  }
0x21: {  	s3 =	sadd.s32 s3, s9;
	s6 =	sadd.s32 @!p0 $0x88, s6;
	s7 =	simm.s32 @p2 $0x1082  }
0x22: {  	[simem:s7], [sflag:s8] =	dma.local @!p0 [hbm:s6], $0xF7A  }
0x23: {  	s9 =	sor.u32 $0xD0000000, s2;
	s6 =	simm.s32 $0x108;
	_ =	swait.ge @!p0 [sflag:s8], $0x0  }
0x24: {  	s3 =	sadd.s32 $0x88, s3;
	s6 =	simm.s32 @!p1 $0x1082;
	[sflag:s4] =	ssyncset.s32 $0xFFFFF086  }
0x25: {  	[simem:s6], [sflag:s4] =	dma.local [hbm:s3], $0xF7A  }
0x26: {  	[smem:$0x3F9D] =	sst s1;
	(tag) =	ssettag s2;
	_ =	strace s9  }
0x27: {  	s1 =	sld [smem:$0x3FAD]  }
0x28: {  	s2 =	sld [smem:$0x3FAE]  }
0x29: {  	s4 =	sld [smem:$0x3FB0]  }
0x2a: {  	p0 =	seq.s32 s5, $0x0;
	s5 =	sld [smem:$0x3FB1]  }
0x2b: {  	s6 =	sld [smem:$0x3FB2]  }
0x2c: {  	s7 =	sld [smem:$0x3FB3]  }
0x2d: {  	s3 =	simm.s32 $0x108;
	s8 =	sld [smem:$0x3FB4]  }
0x2e: {  	s3 =	simm.s32 @!p0 $0x1082;
	s9 =	sld [smem:$0x3FB5]  }
0x2f: {  	lr =	sadd.s32 s0, s3;
	s0 =	sld [smem:$0x3FAC]  }
0x30: {  	s3 =	sld [smem:$0x3FAF]  }
0x31: {  	[smem:$0x3FB8] =	sst s10  }
0x32: {  	s10 =	sld [smem:$0x3FB6];
	_ =	sdelay $0x3  }
0x33: {  	p0 =	seq.s32 s10, $0x1;
	s10 =	sld [smem:$0x3FB8];
	_ =	sdelay $0x3  }
0x34: {  	[smem:$0x3FB8] =	sst s10  }
0x35: {  	s10 =	sld [smem:$0x3FB7];
	_ =	sdelay $0x3  }
0x36: {  	p1 =	seq.s32 s10, $0x1;
	s10 =	sld [smem:$0x3FB8];
	_ =	sdelay $0x3  }
0x37: {  	[smem:$0x3FB8] =	sst s10  }
0x38: {  	s10 =	sld [smem:$0x3FB9]  }
0x39: {  	_ = 	snop;
	(pc) =	sbr.ind lr, $3  }
0x3a: {  	_ = 	snop  }
0x3b: {  	_ = 	snop  }
0x3c: {  	p2 =	seq.s32 s10, $0x1;
	s10 =	sld [smem:$0x3FB8]  }
0x3d: {  	_ =	shalt  }
0x3e: {  	_ =	shalt  }
0x3f: {  	_ =	shalt  }
0x40: {  	_ =	shalt  }
0x41: {  	_ =	shalt  }
0x42: {  	_ =	shalt  }
0x43: {  	_ =	shalt  }
0x44: {  	_ =	shalt  }
0x45: {  	_ =	shalt  }
0x46: {  	_ =	shalt  }
0x47: {  	_ =	shalt  }
0x48: {  	_ =	shalt  }
0x49: {  	_ =	shalt  }
0x4a: {  	_ =	shalt  }
0x4b: {  	_ =	shalt  }
0x4c: {  	_ =	shalt  }
0x4d: {  	_ =	shalt  }
0x4e: {  	_ =	shalt  }
0x4f: {  	_ =	shalt  }
0x50: {  	_ =	shalt  }
0x51: {  	_ =	shalt  }
0x52: {  	_ =	shalt  }
0x53: {  	_ =	shalt  }
0x54: {  	_ =	shalt  }
0x55: {  	_ =	shalt  }
0x56: {  	_ =	shalt  }
0x57: {  	_ =	shalt  }
0x58: {  	_ =	shalt  }
0x59: {  	_ =	shalt  }
0x5a: {  	_ =	shalt  }
0x5b: {  	_ =	shalt  }
0x5c: {  	_ =	shalt  }
0x5d: {  	_ =	shalt  }
0x5e: {  	_ =	shalt  }
0x5f: {  	_ =	shalt  }
0x60: {  	_ =	shalt  }
0x61: {  	_ =	shalt  }
0x62: {  	_ =	shalt  }
0x63: {  	_ =	shalt  }
0x64: {  	_ =	shalt  }
0x65: {  	_ =	shalt  }
0x66: {  	_ =	shalt  }
0x67: {  	_ =	shalt  }
0x68: {  	_ =	shalt  }
0x69: {  	_ =	shalt  }
0x6a: {  	_ =	shalt  }
0x6b: {  	_ =	shalt  }
0x6c: {  	_ =	shalt  }
0x6d: {  	_ =	shalt  }
0x6e: {  	_ =	shalt  }
0x6f: {  	_ =	shalt  }
0x70: {  	_ =	shalt  }
0x71: {  	_ =	shalt  }
0x72: {  	_ =	shalt  }
0x73: {  	_ =	shalt  }
0x74: {  	_ =	shalt  }
0x75: {  	_ =	shalt  }
0x76: {  	_ =	shalt  }
0x77: {  	_ =	shalt  }
0x78: {  	_ =	shalt  }
0x79: {  	_ =	shalt  }
0x7a: {  	_ =	shalt  }
0x7b: {  	_ =	shalt  }
0x7c: {  	_ =	shalt  }
0x7d: {  	_ =	shalt  }
0x7e: {  	_ =	shalt  }
0x7f: {  	_ =	shalt  }
0x80: {  	_ =	shalt  }
0x81: {  	_ =	shalt  }
0x82: {  	_ =	shalt  }
0x83: {  	_ =	shalt  }
0x84: {  	_ =	shalt  }
0x85: {  	_ =	shalt  }
0x86: {  	_ =	shalt  }
0x87: {  	_ =	shalt  }
.Lfunc_end0:
.L_simem_size_0:
called_computation_lowered:
.L_overlay_start_0:
0x88: {  	s2 =	sld [smem:$0x3FD9]  }
0x89: {  	s3 =	sld [smem:$0x3FFE];
	_ =	sdelay $0x1  }
0x8a: {  	s1 =	srdreg.scid  }
0x8b: {  	s0 =	sand.u32 $0x1, s1  }
0x8c: {  	s17 =	sshll.u32 s0, $0xA;
	s2 =	sadd.s32 s3, s2  }
0x8d: {  	s2 =	sadd.s32 s2, s17  }
0x8e: {  	[smem:$0x3FC4] =	sst s2  }
0x8f: {  	_ = 	snop  }
0x90: {  	s2 =	sld [smem:$0x3FC9]  }
0x91: {  	s18 =	sld [smem:$0x3FC8];
	(tm) =	ssettm $0x1  }
0x92: {  	s4 =	sld [smem:$0x3FFB];
	_ =	sdelay $0x3  }
0x93: {  	_ =	strace s4  }
0x94: {  	s4 =	sld [smem:$0x3FFC];
	_ =	sdelay $0x3  }
0x95: {  	_ =	strace s4  }
0x96: {  	s4 =	sld [smem:$0x3FFD];
	_ =	sdelay $0x3  }
0x97: {  	_ =	strace s4  }
0x98: {  	_ =	strace $0x8FFFFFFF  }
0x99: {  	s19 =	sld [smem:$0x3FDB];
	_ =	sdelay $0x1  }
0x9a: {  	s5 =	simm.s32 $_scs_section_size  }
0x9b: {  	s6 =	simm.s32 $_size__tile_overlayer_lowered;
	s7 =	simm.s32 $_tile_overlayer_lowered  }
0x9c: {  	s22 =	simm.s32 $0x1BFF;
	s21 =	sshll.u32 s7, $0x1;
	s4 =	sadd.s32 s5, s19  }
0x9d: {  	s8 =	simm.s32 $0x0;
	s20 =	sshll.u32 s6, $0x1;
	s6 =	sadd.s32 s21, s4  }
0x9e: {  	[timem:s8], [sflag:s22] =	dma.local [hbm:s6], s20  }
0x9f: {  	_ =	swait.ge [sflag:s22], s20  }
0xa0: {  	s5 =	ssub.s32 $0x0, s20;
	[sflag:s22] =	ssyncset.done $0x0  }
0xa1: {  	[sflag:s22] =	ssyncadd.s32 s5;
	_ =	sdelay $0x1  }
0xa2: {  	s23 =	simm.s32 $0x1B8B  }
0xa3: {  	_ =	swait.ge [sflag:s23], $0x1  }
0xa4: {  	[sflag:s23] =	ssyncset.done $0x0  }
0xa5: {  	s25 =	simm.s32 $0x1B8E;
	s24 =	sld [smem:$0x3FFE];
	[sflag:s23] =	ssyncadd.s32 $0xFFFFFFFF  }
0xa6: {  	s26 =	simm.s32 $execute0_lowered;
	[smem:$0x3FD2] =	sst s25  }
0xa7: {  	s6 =	sshll.u32 s26, $0x1;
	_ =	strace $0x80000046;
	[dreg:$0x1] =	wrdreg $0xFFFFFFFF  }
0xa8: {  	s28 =	simm.s32 $_size_execute0_lowered;
	s4 =	sadd.s32 s4, s6;
	[dreg:$0x0] =	wrdreg $0x0  }
0xa9: {  	s6 =	sshll.u32 s28, $0x1;
	[dreg:$0x2] =	wrdreg s4  }
0xaa: {  	[dreg:$0x3] =	wrdreg s6  }
0xab: {  	[dreg:$0x4] =	wrdreg $0xC0  }
0xac: {  	_ =	task [dreg:s8], $0x5FFFF  }
0xad: {  	[dreg:$0x1] =	wrdreg $0xFFFFFFFF  }
0xae: {  	[dreg:$0x0] =	wrdreg $0x60  }
0xaf: {  	[dreg:$0x2] =	wrdreg s24  }
0xb0: {  	[dreg:$0x3] =	wrdreg s2  }
0xb1: {  	[dreg:$0x4] =	wrdreg s18  }
0xb2: {  	[dreg:$0x5] =	wrdreg $0x9  }
0xb3: {  	_ =	task.clear_ibuf [dreg:s8], $0x6FFFF;
	_ =	strace $0x90000046  }
0xb4: {  	s29 =	simm.s32 $0x9;
	_ =	strace $0x80000048  }
0xb5: {  	_ =	swait.ge [sflag:s29], $0x1  }
0xb6: {  	[sflag:s29] =	ssyncadd.s32 $0xFFFFFFFF  }
0xb7: {  	_ =	strace $0x90000048  }
0xb8: {  	_ =	sfence  }
0xb9: {  	s30 =	sld [smem:$0x0];
	_ =	sdelay $0x2  }
0xba: {  	s31 =	sshll.u32 s1, $0xD;
	s1 =	sshrl.u32 s1, $0x2  }
0xbb: {  	s3 =	sand.u32 $0x4000, s31;
	s1 =	sadd.s32 s1, s30  }
0xbc: {  	s0 =	sor.u32 s3, s0;
	s1 =	sshll.u32 s1, $0x11  }
0xbd: {  	s0 =	sor.u32 s1, s0  }
0xbe: {  	s0 =	sadd.s32 $0x8F2B, s0  }
0xbf: {  	[sflag:s0] =	ssyncadd.remote.s32 $0x1  }
0xc0: {  	_ =	sfence.sel $0xFFFF  }
0xc1: {  	[dreg:$0x0] =	wrdreg $0xFFFFFFFF;
	(pc) =	sbr.abs _section_cstart, $3  }
0xc2: {  	[dreg:$0x1] =	wrdreg $0xFFFFFFFF  }
0xc3: {  	_ =	task.clear_ibuf [dreg:s8], $0x2FFFF;
	_ =	strace $0x9FFFFFFF  }
0xc4: {  	(tm) =	ssettm $0x7FFFFFFF  }
0xc5: {  	_ =	shalt  }
tec
execute0_lowered:
.L_overlay_start_1:
0x0: {  	(tag) =	ssettag $0x1  }
0x1: {  	s0 =	rddreg [dreg:$0x0]  }
0x2: {  	s4 =	rddreg [dreg:$0x1]  }
0x3: {  	s5 =	rddreg [dreg:$0x2];
	s3 =	srdreg.scid  }
0x4: {  	s1 =	stileid.u32;
	s2 =	simm.s32 $0x0;
	s11 =	simm.s32 $0x3  }
0x5: {  	s12 =	simm.s32 $0x10140;
	s13 =	simm.s32 $0x20;
	s14 =	simm.s32 $0x8140  }
0x6: {  	s15 =	simm.s32 $0x80;
	s16 =	simm.s32 $0x40;
	s17 =	simm.s32 $0x140  }
0x7: {  	s18 =	simm.s32 $0xC140;
	s19 =	simm.s32 $0xC0;
	s20 =	simm.s32 $0x4140  }
0x8: {  	s21 =	simm.s32 $0x2;
	s22 =	simm.s32 $0x1;
	s23 =	simm.s32 $0x10160  }
0x9: {  	v14 =	vlaneseq.u32;
	vm0 =	vcmask $0x3F20;
	s24 =	simm.s32 $0x10360;
	s25 =	simm.s32 $0x0;
	s6 =	sand.u32 $0x1, s3  }
0xa: {  	vm1 =	vmmov $0xff;
	s31 =	sshll.u32 s1, $0x1;
	[smem:$0x7FF] =	sst s2;
	s3 =	sadd.s32 $0x21600, s0;
	v0 =	vshrl.u32 v14, $0x3;
	v1 =	vand.u32 $0x7, v14  }
0xb: {  	v14 =	vmul.u32 $0x400, v14;
	s7 =	sor.u32 s6, s31;
	_ =	strace $0x80000047;
	s6 =	ssub.s32 $0x2, s6;
	v1 =	vmul.u32 $0x8, v1;
	v2 =	vor.u32 $0x2, v0  }
0xc: {  	v3 =	vor.u32 $0x4, v0;
	v4 =	vor.u32 $0x6, v0;
	v5 =	vor.u32 $0x8, v0;
	s8 =	sshll.u32 s7, $0xC;
	s9 =	sshll.u32 s7, $0x6;
	s7 =	sshll.u32 s7, $0x2  }
0xd: {  	v6 =	vor.u32 $0xA, v0;
	v7 =	vor.u32 $0xC, v0;
	v8 =	vor.u32 $0xE, v0;
	s10 =	sshrl.u32 s6, $0x1;
	s8 =	sadd.s32 s8, s0;
	s9 =	sadd.s32 s9, s0  }
0xe: {  	v9 =	vor.u32 $0x10, v0;
	v10 =	vor.u32 $0x12, v0;
	v11 =	vor.u32 $0x14, v0;
	s0 =	sadd.s32 s7, s0;
	s10 =	ssub.s32 s6, s10;
	s4 =	sadd.s32 s4, s7  }
0xf: {  	v12 =	vor.u32 $0x16, v0;
	v13 =	vor.u32 $0x18, v0;
	v15 =	vor.u32 $0x1A, v0;
	s5 =	sadd.s32 s5, s7;
	s6 =	sadd.s32 $0x1600, s8;
	s7 =	sadd.s32 $0x1E00, s8  }
0x10: {  	v16 =	vor.u32 $0x1C, v0;
	v17 =	vor.u32 $0x1E, v0;
	v18 =	vor.u32 $0x4000, v14;
	s8 =	sadd.s32 $0x40A00, s9;
	s9 =	sadd.s32 $0x41200, s0;
	s10 =	smax.u32 s10, $0x1  }
.LBB2_1:
0x11: {  	[tilespmem:s2], [sflag:$0x3] =	stream.linear.gather [hbm4b:s4+s2], $0x20, $0x38;
	[tilespmem:$0x10380] =	vst v63  }
0x12: {  	_ =	swait.ge [sflag:s11], $0x20  }
0x13: {  	[sflag:s11] =	ssyncset.done $0x0  }
0x14: {  	[sflag:s11] =	ssyncadd.s32 $0xFFFFFFE0  }
0x15: {  	[tilespmem:s12], [sflag:$0x3] =	stream.linear.gather [hbm4b:s5+s2], $0x20, $0x38;
	[tilespmem:$0x10380] =	vst v63  }
0x16: {  	_ =	swait.ge [sflag:s11], $0x20  }
0x17: {  	[sflag:s11] =	ssyncset.done $0x0  }
0x18: {  	[sflag:s11] =	ssyncadd.s32 $0xFFFFFFE0  }
0x19: {  	v19 =	vld [tilespmem:$0x0]  }
0x1a: {  	v20 =	vld [tilespmem:$0x10];
	_ =	sdelay $0x3  }
0x1b: {  	v21 =	vshll.u32 v19, $0x3  }
0x1c: {  	v19 =	vand.u32 $0x7, v19;
	v22 =	vshll.u32 v20, $0x3;
	v21 =	vand.u32 $0xFFFFFFC0, v21  }
0x1d: {  	v20 =	vand.u32 $0x7, v20;
	v63 =	vand.u32 $0xFFFFFFC0, v22;
	v19 =	vor.u32 v19, v21  }
0x1e: {  	[tilespmem:$0x20] =	vst v19;
	v19 =	vor.u32 v20, v63  }
0x1f: {  	[tilespmem:$0x30] =	vst v19  }
0x20: {  	v19 =	vld.idx.msk [tilespmem:v0+s13+$0x0], $0xffff;
	_ =	sdelay $0x4  }
0x21: {  	v19 =	vadd.s32 v1, v19  }
0x22: {  	[tilespmem:$0x40] =	vst v19  }
0x23: {  	v19 =	vld.idx.msk [tilespmem:v2+s13+$0x0], $0xffff;
	_ =	sdelay $0x4  }
0x24: {  	v19 =	vadd.s32 v1, v19  }
0x25: {  	[tilespmem:$0x50] =	vst v19  }
0x26: {  	v19 =	vld.idx.msk [tilespmem:v3+s13+$0x0], $0xffff;
	_ =	sdelay $0x4  }
0x27: {  	v19 =	vadd.s32 v1, v19  }
0x28: {  	[tilespmem:$0x60] =	vst v19  }
0x29: {  	v19 =	vld.idx.msk [tilespmem:v4+s13+$0x0], $0xffff;
	_ =	sdelay $0x4  }
0x2a: {  	v19 =	vadd.s32 v1, v19  }
0x2b: {  	[tilespmem:$0x70] =	vst v19  }
0x2c: {  	v19 =	vld.idx.msk [tilespmem:v5+s13+$0x0], $0xffff;
	_ =	sdelay $0x4  }
0x2d: {  	v19 =	vadd.s32 v1, v19  }
0x2e: {  	[tilespmem:$0x80] =	vst v19  }
0x2f: {  	v19 =	vld.idx.msk [tilespmem:v6+s13+$0x0], $0xffff;
	_ =	sdelay $0x4  }
0x30: {  	v19 =	vadd.s32 v1, v19  }
0x31: {  	[tilespmem:$0x90] =	vst v19  }
0x32: {  	v19 =	vld.idx.msk [tilespmem:v7+s13+$0x0], $0xffff;
	_ =	sdelay $0x4  }
0x33: {  	v19 =	vadd.s32 v1, v19  }
0x34: {  	[tilespmem:$0xA0] =	vst v19  }
0x35: {  	v19 =	vld.idx.msk [tilespmem:v8+s13+$0x0], $0xffff;
	_ =	sdelay $0x4  }
0x36: {  	v19 =	vadd.s32 v1, v19  }
0x37: {  	[tilespmem:$0xB0] =	vst v19  }
0x38: {  	v19 =	vld.idx.msk [tilespmem:v9+s13+$0x0], $0xffff;
	_ =	sdelay $0x4  }
0x39: {  	v19 =	vadd.s32 v1, v19  }
0x3a: {  	[tilespmem:$0xC0] =	vst v19  }
0x3b: {  	v19 =	vld.idx.msk [tilespmem:v10+s13+$0x0], $0xffff;
	_ =	sdelay $0x4  }
0x3c: {  	v19 =	vadd.s32 v1, v19  }
0x3d: {  	[tilespmem:$0xD0] =	vst v19  }
0x3e: {  	v19 =	vld.idx.msk [tilespmem:v11+s13+$0x0], $0xffff;
	_ =	sdelay $0x4  }
0x3f: {  	v19 =	vadd.s32 v1, v19  }
0x40: {  	[tilespmem:$0xE0] =	vst v19  }
0x41: {  	v19 =	vld.idx.msk [tilespmem:v12+s13+$0x0], $0xffff;
	_ =	sdelay $0x4  }
0x42: {  	v19 =	vadd.s32 v1, v19  }
0x43: {  	[tilespmem:$0xF0] =	vst v19  }
0x44: {  	v19 =	vld.idx.msk [tilespmem:v13+s13+$0x0], $0xffff;
	_ =	sdelay $0x4  }
0x45: {  	v19 =	vadd.s32 v1, v19  }
0x46: {  	[tilespmem:$0x100] =	vst v19  }
0x47: {  	v19 =	vld.idx.msk [tilespmem:v15+s13+$0x0], $0xffff;
	_ =	sdelay $0x4  }
0x48: {  	v19 =	vadd.s32 v1, v19  }
0x49: {  	[tilespmem:$0x110] =	vst v19  }
0x4a: {  	v19 =	vld.idx.msk [tilespmem:v16+s13+$0x0], $0xffff;
	_ =	sdelay $0x4  }
0x4b: {  	v19 =	vadd.s32 v1, v19  }
0x4c: {  	[tilespmem:$0x120] =	vst v19  }
0x4d: {  	v19 =	vld.idx.msk [tilespmem:v17+s13+$0x0], $0xffff;
	_ =	sdelay $0x4  }
0x4e: {  	v19 =	vadd.s32 v1, v19  }
0x4f: {  	[tilespmem:$0x130] =	vst v19  }
0x50: {  	[tilespmem:s14], [sflag:$0x2] =	stream.linear.gather [hbm4b:s6+s2], $0x4000, $0x38;
	[tilespmem:$0x10380] =	vst v63  }
0x51: {  	_ = 	snop  }
0x52: {  	[tilespmem:s17], [sflag:$0x1] =	stream.indirect.gather [hbm4b:s3+s15], $0x80, s16, s15, $0xb8;
	[tilespmem:$0x10380] =	vst v63  }
0x53: {  	_ = 	snop  }
0x54: {  	[tilespmem:s18], [sflag:$0x2] =	stream.linear.gather [hbm4b:s7+s2], $0x4000, $0x38;
	[tilespmem:$0x10380] =	vst v63  }
0x55: {  	_ = 	snop  }
0x56: {  	[tilespmem:s20], [sflag:$0x1] =	stream.indirect.gather [hbm4b:s3+s15], $0x80, s19, s15, $0xb8;
	[tilespmem:$0x10380] =	vst v63  }
0x57: {  	_ =	swait.ge [sflag:s21], $0x4000  }
0x58: {  	[sflag:s21] =	ssyncset.done $0x0  }
0x59: {  	[sflag:s21] =	ssyncadd.s32 $0xFFFFC000  }
0x5a: {  	_ =	swait.ge [sflag:s22], $0x4000  }
0x5b: {  	s26 =	simm.s32 $0x0;
	[sflag:s22] =	ssyncset.done $0x0  }
0x5c: {  	s28 =	simm.s32 $0x0;
	s29 =	simm.s32 $0x0;
	[sflag:s22] =	ssyncadd.s32 $0xFFFFC000  }
.LBB2_2:
0x5d: {  	s0 =	sshll.u32 s28, $0x9;
	s30 =	sand.u32 $0x7, s26  }
0x5e: {  	s0 =	sand.u32 $0xFFFF8000, s0;
	s30 =	sshll.u32 s30, $0x9  }
0x5f: {  	s0 =	sor.u32 s30, s0  }
0x60: {  	s0 =	sshrl.u32 s0, $0x2  }
0x61: {  	s0 =	sadd.s32 $0x8180, s0  }
0x62: {  	s30 =	sshll.u32 s29, $0x3;
	v20 =	vld [tilespmem:s0+$0xFFFFFFC0]  }
0x63: {  	v19 =	vmov s30  }
0x64: {  	v19 =	vshll.u32 v19, $0x7;
	v21 =	vld [tilespmem:s0+$0xFFFFFFD0]  }
0x65: {  	v19 =	vbroadcast v19, $0x0;
	v22 =	vld [tilespmem:s0+$0xFFFFFFE0];
	_ =	sdelay $0x1  }
0x66: {  	v25 =	vld [tilespmem:s0+$0xFFFFFFF0];
	v20 =	vadd.s32 v19, v20;
	_ =	sdelay $0x1  }
0x67: {  	v26 =	vld [tilespmem:s0+$0x0];
	v21 =	vadd.s32 v19, v21  }
0x68: {  	v24 =	vld [tilespmem:s0+$0x10];
	v29 =	vadd.s32 v19, v22  }
0x69: {  	v22 =	vld [tilespmem:s0+$0x30]  }
0x6a: {  	v27 =	vadd.s32 v19, v25;
	v23 =	vld.idx.msk [tilespmem:v20+s17+$0x0], $0xffff  }
0x6b: {  	s31 =	sand.u32 $0x7, s29;
	s30 =	sand.u32 $0x40, s30;
	v20 =	vld [tilespmem:s0+$0x20]  }
0x6c: {  	s30 =	sor.u32 s31, s30;
	v26 =	vadd.s32 v19, v26;
	v21 =	vld.idx.msk [tilespmem:v21+s17+$0x0], $0xffff  }
0x6d: {  	v28 =	vimm.f32 $0.0e+00;
	s31 =	simm.s32 $0x0;
	s30 =	sshll.u32 s30, $0x7;
	v25 =	vld.idx.msk [tilespmem:v29+s17+$0x0], $0xffff;
	s0 =	sadd.s32 $0x400, s0  }
.LBB2_3:
0x6e: {  	v29 =	vld [tilespmem:s0+$0xFFFFFFC0];
	v24 =	vadd.s32 v19, v24  }
0x6f: {  	s31 =	sadd.s32 $0x8, s31;
	v23 =	vadd.f32 v23, v28;
	v27 =	vld.idx.msk [tilespmem:v27+s17+$0x0], $0xffff  }
0x70: {  	p0 =	slt.u32 s31, $0x30;
	v20 =	vadd.s32 v19, v20;
	v28 =	vld [tilespmem:s0+$0xFFFFFFD0]  }
0x71: {  	v21 =	vadd.f32 v21, v23;
	v23 =	vld.idx.msk [tilespmem:v26+s17+$0x0], $0xffff  }
0x72: {  	v22 =	vadd.s32 v19, v22;
	v26 =	vld [tilespmem:s0+$0xFFFFFFE0]  }
0x73: {  	v21 =	vadd.f32 v25, v21;
	v25 =	vld.idx.msk [tilespmem:v24+s17+$0x0], $0xffff  }
0x74: {  	v29 =	vadd.s32 v19, v29;
	v30 =	vld [tilespmem:s0+$0xFFFFFFF0]  }
0x75: {  	v21 =	vadd.f32 v27, v21;
	v31 =	vld.idx.msk [tilespmem:v20+s17+$0x0], $0xffff  }
0x76: {  	v28 =	vadd.s32 v19, v28;
	v32 =	vld [tilespmem:s0+$0x0]  }
0x77: {  	v20 =	vadd.f32 v23, v21;
	v33 =	vld.idx.msk [tilespmem:v22+s17+$0x0], $0xffff  }
0x78: {  	v34 =	vadd.s32 v19, v26;
	v24 =	vld [tilespmem:s0+$0x10]  }
.Ltmp0:
0x79: {  	v23 =	vld.idx.msk [tilespmem:v29+s17+$0x0], $0xffff;
	v22 =	vadd.f32 v25, v20;
	(pc) =	sbr.rel @p0 .LBB2_3-.Ltmp0, $4  }
0x7a: {  	v27 =	vadd.s32 v19, v30;
	v20 =	vld [tilespmem:s0+$0x20]  }
0x7b: {  	v21 =	vld.idx.msk [tilespmem:v28+s17+$0x0], $0xffff;
	v28 =	vadd.f32 v31, v22  }
0x7c: {  	v26 =	vadd.s32 v19, v32;
	v22 =	vld [tilespmem:s0+$0x30]  }
0x7d: {  	s0 =	sadd.s32 $0x400, s0;
	v25 =	vld.idx.msk [tilespmem:v34+s17+$0x0], $0xffff;
	v28 =	vadd.f32 v33, v28  }
0x7e: {  	_ =	sdelay $0x2  }
0x7f: {  	v24 =	vadd.s32 v19, v24;
	v48 =	vld [tilespmem:s30+$0x9D40];
	v23 =	vadd.f32 v23, v28  }
0x80: {  	v27 =	vld.idx.msk [tilespmem:v27+s17+$0x0], $0xffff  }
0x81: {  	v49 =	vld.idx.msk [tilespmem:v26+s17+$0x0], $0xffff;
	v20 =	vadd.s32 v19, v20;
	v21 =	vadd.f32 v21, v23  }
0x82: {  	v50 =	vld [tilespmem:s30+$0x9D50]  }
0x83: {  	v52 =	vld [tilespmem:s30+$0x9D60];
	v22 =	vadd.s32 v19, v22;
	v21 =	vadd.f32 v25, v21  }
0x84: {  	v24 =	vld.idx.msk [tilespmem:v24+s17+$0x0], $0xffff  }
0x85: {  	v53 =	vld [tilespmem:s30+$0x9D70];
	v51 =	vadd.s32 v19, v48;
	v21 =	vadd.f32 v27, v21  }
0x86: {  	v20 =	vld.idx.msk [tilespmem:v20+s17+$0x0], $0xffff  }
0x87: {  	v55 =	vld [tilespmem:s30+$0x9D80];
	v54 =	vadd.s32 v19, v50;
	v21 =	vadd.f32 v49, v21  }
0x88: {  	v22 =	vld.idx.msk [tilespmem:v22+s17+$0x0], $0xffff  }
0x89: {  	v58 =	vld [tilespmem:s30+$0x9D90];
	v57 =	vadd.s32 v19, v52;
	v21 =	vadd.f32 v24, v21  }
0x8a: {  	v56 =	vld.idx.msk [tilespmem:v51+s17+$0x0], $0xffff  }
0x8b: {  	v60 =	vld [tilespmem:s30+$0x9D98];
	v59 =	vadd.s32 v19, v53;
	v20 =	vadd.f32 v20, v21  }
0x8c: {  	v23 =	vld.idx.msk [tilespmem:v54+s17+$0x0], $0xffff  }
0x8d: {  	v61 =	vadd.s32 v19, v55;
	v20 =	vadd.f32 v22, v20  }
0x8e: {  	v25 =	vld.idx.msk [tilespmem:v57+s17+$0x0], $0xffff  }
0x8f: {  	v62 =	vadd.s32 v19, v58;
	v20 =	vadd.f32 v56, v20  }
0x90: {  	v19 =	vadd.s32 v19, v60;
	v21 =	vld.idx.msk [tilespmem:v59+s17+$0x0], $0xffff  }
0x91: {  	v20 =	vadd.f32 v23, v20  }
0x92: {  	v22 =	vld.idx.msk [tilespmem:v61+s17+$0x0], $0xffff  }
0x93: {  	v20 =	vadd.f32 v25, v20  }
0x94: {  	v63 =	vld.idx.msk [tilespmem:v62+s17+$0x0], $0xffff  }
0x95: {  	v19 =	vld.idx.msk [tilespmem:v19+s17+$0x0], vm0;
	v20 =	vadd.f32 v21, v20;
	_ =	sdelay $0x1  }
0x96: {  	s0 =	sshll.u32 s29, $0x4;
	s29 =	sadd.s32 $0x1, s29;
	v20 =	vadd.f32 v22, v20  }
0x97: {  	p0 =	sne.s32 s29, $0x10  }
.Ltmp1:
0x98: {  	v20 =	vadd.f32 v63, v20;
	(pc) =	sbr.rel @p0 .LBB2_2-.Ltmp1, $4  }
0x99: {  	v19 =	vsel vm1, $0x0, v19  }
0x9a: {  	v19 =	vadd.f32 v19, v20  }
0x9b: {  	s0 =	sand.u32 $0x3FFFFFF0, s0  }
0x9c: {  	s28 =	sadd.s32 $0x8, s28;
	s26 =	sadd.s32 $0x1, s26;
	[tilespmem:s0+$0x10160] =	vst v19  }
0x9d: {  	_ =	swait.ge [sflag:s21], $0x4000  }
0x9e: {  	[sflag:s21] =	ssyncset.done $0x0  }
0x9f: {  	[sflag:s21] =	ssyncadd.s32 $0xFFFFC000  }
0xa0: {  	_ =	swait.ge [sflag:s22], $0x4000  }
0xa1: {  	s26 =	simm.s32 $0x10;
	[sflag:s22] =	ssyncset.done $0x0  }
0xa2: {  	s28 =	simm.s32 $0x80;
	s29 =	simm.s32 $0x0;
	[sflag:s22] =	ssyncadd.s32 $0xFFFFC000  }
.LBB2_6:
0xa3: {  	s0 =	sshll.u32 s28, $0x9;
	s30 =	sand.u32 $0x7, s29  }
0xa4: {  	s0 =	sand.u32 $0xFFFF8000, s0;
	s30 =	sshll.u32 s30, $0x9  }
0xa5: {  	s0 =	sor.u32 s30, s0  }
0xa6: {  	s0 =	sshrl.u32 s0, $0x2  }
0xa7: {  	s0 =	sadd.s32 $0x8180, s0  }
0xa8: {  	s30 =	sshll.u32 s26, $0x3;
	v20 =	vld [tilespmem:s0+$0xFFFFFFC0]  }
0xa9: {  	v19 =	vmov s30  }
0xaa: {  	v19 =	vshll.u32 v19, $0x7;
	v21 =	vld [tilespmem:s0+$0xFFFFFFD0]  }
0xab: {  	v19 =	vbroadcast v19, $0x0;
	v22 =	vld [tilespmem:s0+$0xFFFFFFE0];
	_ =	sdelay $0x1  }
0xac: {  	v25 =	vld [tilespmem:s0+$0xFFFFFFF0];
	v20 =	vadd.s32 v19, v20;
	_ =	sdelay $0x1  }
0xad: {  	v26 =	vld [tilespmem:s0+$0x0];
	v21 =	vadd.s32 v19, v21  }
0xae: {  	v24 =	vld [tilespmem:s0+$0x10];
	v29 =	vadd.s32 v19, v22  }
0xaf: {  	v22 =	vld [tilespmem:s0+$0x30]  }
0xb0: {  	v27 =	vadd.s32 v19, v25;
	v23 =	vld.idx.msk [tilespmem:v20+s17+$0x0], $0xffff  }
0xb1: {  	s31 =	sand.u32 $0x7, s26;
	s30 =	sand.u32 $0xC0, s30;
	v20 =	vld [tilespmem:s0+$0x20]  }
0xb2: {  	s30 =	sor.u32 s31, s30;
	v26 =	vadd.s32 v19, v26;
	v21 =	vld.idx.msk [tilespmem:v21+s17+$0x0], $0xffff  }
0xb3: {  	v28 =	vimm.f32 $0.0e+00;
	s31 =	simm.s32 $0x0;
	s30 =	sshll.u32 s30, $0x7;
	v25 =	vld.idx.msk [tilespmem:v29+s17+$0x0], $0xffff;
	s0 =	sadd.s32 $0x400, s0  }
.LBB2_7:
0xb4: {  	v29 =	vld [tilespmem:s0+$0xFFFFFFC0];
	v24 =	vadd.s32 v19, v24  }
0xb5: {  	s31 =	sadd.s32 $0x8, s31;
	v23 =	vadd.f32 v23, v28;
	v27 =	vld.idx.msk [tilespmem:v27+s17+$0x0], $0xffff  }
0xb6: {  	p0 =	slt.u32 s31, $0x30;
	v20 =	vadd.s32 v19, v20;
	v28 =	vld [tilespmem:s0+$0xFFFFFFD0]  }
0xb7: {  	v21 =	vadd.f32 v21, v23;
	v23 =	vld.idx.msk [tilespmem:v26+s17+$0x0], $0xffff  }
0xb8: {  	v22 =	vadd.s32 v19, v22;
	v26 =	vld [tilespmem:s0+$0xFFFFFFE0]  }
0xb9: {  	v21 =	vadd.f32 v25, v21;
	v25 =	vld.idx.msk [tilespmem:v24+s17+$0x0], $0xffff  }
0xba: {  	v29 =	vadd.s32 v19, v29;
	v30 =	vld [tilespmem:s0+$0xFFFFFFF0]  }
0xbb: {  	v21 =	vadd.f32 v27, v21;
	v31 =	vld.idx.msk [tilespmem:v20+s17+$0x0], $0xffff  }
0xbc: {  	v28 =	vadd.s32 v19, v28;
	v32 =	vld [tilespmem:s0+$0x0]  }
0xbd: {  	v20 =	vadd.f32 v23, v21;
	v33 =	vld.idx.msk [tilespmem:v22+s17+$0x0], $0xffff  }
0xbe: {  	v34 =	vadd.s32 v19, v26;
	v24 =	vld [tilespmem:s0+$0x10]  }
.Ltmp2:
0xbf: {  	v23 =	vld.idx.msk [tilespmem:v29+s17+$0x0], $0xffff;
	v22 =	vadd.f32 v25, v20;
	(pc) =	sbr.rel @p0 .LBB2_7-.Ltmp2, $4  }
0xc0: {  	v27 =	vadd.s32 v19, v30;
	v20 =	vld [tilespmem:s0+$0x20]  }
0xc1: {  	v21 =	vld.idx.msk [tilespmem:v28+s17+$0x0], $0xffff;
	v28 =	vadd.f32 v31, v22  }
0xc2: {  	v26 =	vadd.s32 v19, v32;
	v22 =	vld [tilespmem:s0+$0x30]  }
0xc3: {  	s0 =	sadd.s32 $0x400, s0;
	v25 =	vld.idx.msk [tilespmem:v34+s17+$0x0], $0xffff;
	v28 =	vadd.f32 v33, v28  }
0xc4: {  	_ =	sdelay $0x2  }
0xc5: {  	v24 =	vadd.s32 v19, v24;
	v48 =	vld [tilespmem:s30+$0x9D40];
	v23 =	vadd.f32 v23, v28  }
0xc6: {  	v27 =	vld.idx.msk [tilespmem:v27+s17+$0x0], $0xffff  }
0xc7: {  	v49 =	vld.idx.msk [tilespmem:v26+s17+$0x0], $0xffff;
	v20 =	vadd.s32 v19, v20;
	v21 =	vadd.f32 v21, v23  }
0xc8: {  	v50 =	vld [tilespmem:s30+$0x9D50]  }
0xc9: {  	v52 =	vld [tilespmem:s30+$0x9D60];
	v22 =	vadd.s32 v19, v22;
	v21 =	vadd.f32 v25, v21  }
0xca: {  	v24 =	vld.idx.msk [tilespmem:v24+s17+$0x0], $0xffff  }
0xcb: {  	v53 =	vld [tilespmem:s30+$0x9D70];
	v51 =	vadd.s32 v19, v48;
	v21 =	vadd.f32 v27, v21  }
0xcc: {  	v20 =	vld.idx.msk [tilespmem:v20+s17+$0x0], $0xffff  }
0xcd: {  	v55 =	vld [tilespmem:s30+$0x9D80];
	v54 =	vadd.s32 v19, v50;
	v21 =	vadd.f32 v49, v21  }
0xce: {  	v22 =	vld.idx.msk [tilespmem:v22+s17+$0x0], $0xffff  }
0xcf: {  	v58 =	vld [tilespmem:s30+$0x9D90];
	v57 =	vadd.s32 v19, v52;
	v21 =	vadd.f32 v24, v21  }
0xd0: {  	v56 =	vld.idx.msk [tilespmem:v51+s17+$0x0], $0xffff  }
0xd1: {  	v60 =	vld [tilespmem:s30+$0x9D98];
	v59 =	vadd.s32 v19, v53;
	v20 =	vadd.f32 v20, v21  }
0xd2: {  	v23 =	vld.idx.msk [tilespmem:v54+s17+$0x0], $0xffff  }
0xd3: {  	v61 =	vadd.s32 v19, v55;
	v20 =	vadd.f32 v22, v20  }
0xd4: {  	v25 =	vld.idx.msk [tilespmem:v57+s17+$0x0], $0xffff  }
0xd5: {  	v62 =	vadd.s32 v19, v58;
	v20 =	vadd.f32 v56, v20  }
0xd6: {  	v19 =	vadd.s32 v19, v60;
	v21 =	vld.idx.msk [tilespmem:v59+s17+$0x0], $0xffff  }
0xd7: {  	v20 =	vadd.f32 v23, v20  }
0xd8: {  	v22 =	vld.idx.msk [tilespmem:v61+s17+$0x0], $0xffff  }
0xd9: {  	v20 =	vadd.f32 v25, v20  }
0xda: {  	v63 =	vld.idx.msk [tilespmem:v62+s17+$0x0], $0xffff  }
0xdb: {  	v19 =	vld.idx.msk [tilespmem:v19+s17+$0x0], vm0;
	v20 =	vadd.f32 v21, v20;
	_ =	sdelay $0x1  }
0xdc: {  	s0 =	sshll.u32 s26, $0x4;
	s26 =	sadd.s32 $0x1, s26;
	v20 =	vadd.f32 v22, v20  }
0xdd: {  	p0 =	sne.s32 s26, $0x20  }
.Ltmp3:
0xde: {  	v20 =	vadd.f32 v63, v20;
	(pc) =	sbr.rel @p0 .LBB2_6-.Ltmp3, $4  }
0xdf: {  	v19 =	vsel vm1, $0x0, v19  }
0xe0: {  	v19 =	vadd.f32 v19, v20  }
0xe1: {  	s0 =	sand.u32 $0x3FFFFFF0, s0  }
0xe2: {  	s28 =	sadd.s32 $0x8, s28;
	s29 =	sadd.s32 $0x1, s29;
	[tilespmem:s0+$0x10160] =	vst v19  }
0xe3: {  	v19 =	vld [tilespmem:$0x10140];
	_ =	sdelay $0x4  }
0xe4: {  	v19 =	vadd.s32 v14, v19  }
0xe5: {  	v20 =	vld [tilespmem:$0x10150];
	_ =	sdelay $0x3  }
0xe6: {  	v19 =	vld.idx.msk [tilespmem:v19+s17+$0x0], $0xffff  }
0xe7: {  	v20 =	vadd.s32 v18, v20;
	_ =	sdelay $0x3  }
0xe8: {  	[tilespmem:$0x10360] =	vst v19  }
0xe9: {  	v19 =	vld.idx.msk [tilespmem:v20+s17+$0x0], $0xffff;
	_ =	sdelay $0x4  }
0xea: {  	[tilespmem:$0x10370] =	vst v19  }
0xeb: {  	[hbm4b:s8+s2] =	stream.linear.scatter [tilespmem:s23], [sflag:$0x3], $0x200, $0x38;
	[tilespmem:$0x10380] =	vst v63  }
0xec: {  	s25 =	sadd.s32 $0x1, s25;
	_ =	swait.ge [sflag:s11], $0x200  }
0xed: {  	p0 =	sne.s32 s25, s10;
	[sflag:s11] =	ssyncset.done $0x0  }
.Ltmp4:
0xee: {  	[sflag:s11] =	ssyncadd.s32 $0xFFFFFE00;
	(pc) =	sbr.rel @p0 .LBB2_1-.Ltmp4, $4  }
0xef: {  	[hbm4b:s9+s2] =	stream.linear.scatter [tilespmem:s24], [sflag:$0x3], $0x20, $0x38;
	[tilespmem:$0x10380] =	vst v63  }
0xf0: {  	_ =	swait.ge [sflag:s11], $0x20  }
0xf1: {  	[sflag:s11] =	ssyncset.done $0x0  }
0xf2: {  	[sflag:s11] =	ssyncadd.s32 $0xFFFFFFE0  }
0xf3: {  	_ =	sfence.sel $0x180000  }
0xf4: {  	[bflag:$0x0] =	sbarrier.arrive $0xFFFF  }
0xf5: {  	_ =	strace $0x90000047  }
0xf6: {  	[bflag:$0x2] =	sbarrier.arrive $0xFFFF  }
0xf7: {  	p0 =	sne.s32 s1, $0x0;
	s0 =	rddreg [dreg:$0x3]  }
0xf8: {  	s0 =	sadd.s32 @!p0 $0x100000, s0  }
0xf9: {  	[sflag:s0] =	ssyncadd.tile.s32 @!p0 $0x1;
	_ =	shalt  }
.Lfunc_end2:
_tile_overlayer_lowered:
.L_overlay_start_2:
0xfa: {  	(tag) =	ssettag $0x2  }
0xfb: {  	s0 =	rddreg [dreg:$0x0];
	s2 =	stileid.u32  }
0xfc: {  	s1 =	rddreg [dreg:$0x1];
	p0 =	sne.s32 s2, $0x0  }
0xfd: {  	s3 =	rddreg [dreg:$0x2];
	[bflag:$0x3] =	sbarrier.arrive $0xFFFF;
	s2 =	simm.s32 @!p0 $0x1C03  }
0xfe: {  	[timem:s3], [sflag:s2] =	dma.local @!p0 [hbm:s0], s1  }
0xff: {  	s0 =	simm.s32 @!p0 $0x3  }
0x100: {  	_ =	swait.ge @!p0 [sflag:s0], s1  }
0x101: {  	s1 =	ssub.s32 @!p0 $0x0, s1;
	[sflag:s0] =	ssyncset.done @!p0 $0x0  }
0x102: {  	[sflag:s0] =	ssyncadd.s32 @!p0 s1  }
0x103: {  	[bflag:$0x3] =	sbarrier.arrive $0xFFFF  }
0x104: {  	_ =	shalt  }

</sc_bundles>
